<compile_context>
chip_gen: v7x
topology: tpu7x:2x2x1
jax: 0.10.2.dev20260603
libtpu: 0.0.44.dev20260713+nightly
codegen_flags: <defaults>
</compile_context>

<pallas_src>
import functools

import jax
import jax.numpy as jnp
from jax import lax
from jax.experimental import pallas as pl
from jax.experimental.pallas import tpu as pltpu
from jax.experimental.pallas import tpu_sc as plsc

N = 10000
E = 320000
D = 128
G = 64
L = 3

NC = 2
NS = 16
NW = NC * NS
CHUNK = 48
NCHUNK = 210
EPW = NCHUNK * CHUNK
NDUM = 16
NACC = N + NDUM
ROWS_PER_SUB = 624
TAIL_OFF = NS * ROWS_PER_SUB
ROWS_TAIL = N - TAIL_OFF
ZTAIL = NACC - TAIL_OFF
EPS = 1e-5

def _agg_impl(h_hbm, src_hbm, dst_hbm, zeros_hbm, out_hbm,
              src_v, dst_v, rows0, rows1, rows2, rows3, rows4, acc,
              gsem0, gsem1, gsem2, gsem3, gsem4,
              ssem0, ssem1, ssem2, ssem3, ssem4, zsem):
    c = lax.axis_index("c")
    s = lax.axis_index("s")
    wid = c * NS + s

    zcp = pltpu.async_copy(zeros_hbm.at[pl.ds(s * ROWS_PER_SUB, ROWS_PER_SUB)],
                           acc.at[pl.ds(s * ROWS_PER_SUB, ROWS_PER_SUB)], zsem)
    @pl.when(s == 0)
    def _():
        pltpu.sync_copy(zeros_hbm.at[pl.ds(TAIL_OFF, ZTAIL)],
                        acc.at[pl.ds(TAIL_OFF, ZTAIL)])

    pltpu.sync_copy(src_hbm.at[wid], src_v)
    pltpu.sync_copy(dst_hbm.at[wid], dst_v)

    rows = (rows0, rows1, rows2, rows3, rows4)
    gsems = (gsem0, gsem1, gsem2, gsem3, gsem4)
    ssems = (ssem0, ssem1, ssem2, ssem3, ssem4)

    def g_desc(j, u):
        idx = src_v.at[pl.ds(j * CHUNK, CHUNK)]
        return pltpu.make_async_copy(h_hbm.at[idx], rows[u], gsems[u])

    def s_desc(j, u):
        idx = dst_v.at[pl.ds(j * CHUNK, CHUNK)]
        return pltpu.make_async_copy(rows[u], acc.at[idx], ssems[u])

    def issue_scatter(j, u):
        idx = dst_v.at[pl.ds(j * CHUNK, CHUNK)]
        pltpu.async_copy(rows[u], acc.at[idx], ssems[u], add=True)

    g_desc(0, 0).start()
    g_desc(1, 1).start()
    g_desc(2, 2).start()
    zcp.wait()
    plsc.subcore_barrier()

    def body(i, carry):
        for u in range(5):
            j = 5 * i + u
            v = (u + 3) % 5

            @pl.when(j >= 2)
            def _():
                s_desc(j - 2, v).wait()

            @pl.when(j + 3 < NCHUNK)
            def _():
                g_desc(j + 3, v).start()

            g_desc(j, u).wait()
            issue_scatter(j, u)
        return carry

    lax.fori_loop(0, NCHUNK // 5, body, 0)
    s_desc(NCHUNK - 2, (NCHUNK - 2) % 5).wait()
    s_desc(NCHUNK - 1, (NCHUNK - 1) % 5).wait()

    plsc.subcore_barrier()
    pltpu.sync_copy(acc.at[pl.ds(s * ROWS_PER_SUB, ROWS_PER_SUB)],
                    out_hbm.at[pl.ds(c * N + s * ROWS_PER_SUB, ROWS_PER_SUB)])
    @pl.when(s == 0)
    def _():
        pltpu.sync_copy(acc.at[pl.ds(TAIL_OFF, ROWS_TAIL)],
                        out_hbm.at[pl.ds(c * N + TAIL_OFF, ROWS_TAIL)])


@functools.lru_cache(maxsize=None)
def _get_agg():
    mesh = plsc.VectorSubcoreMesh(core_axis_name="c", subcore_axis_name="s")
    return pl.kernel(
        _agg_impl,
        out_type=jax.ShapeDtypeStruct((NC * N, D), jnp.float32),
        mesh=mesh,
        scratch_types=[
            pltpu.VMEM((EPW,), jnp.int32),
            pltpu.VMEM((EPW,), jnp.int32),
            pltpu.VMEM((CHUNK, D), jnp.float32),
            pltpu.VMEM((CHUNK, D), jnp.float32),
            pltpu.VMEM((CHUNK, D), jnp.float32),
            pltpu.VMEM((CHUNK, D), jnp.float32),
            pltpu.VMEM((CHUNK, D), jnp.float32),
            pltpu.VMEM_SHARED((NACC, D), jnp.float32),
        ] + [pltpu.SemaphoreType.DMA] * 11,
    )


def _bn_relu(u, gamma, beta):
    mean = jnp.mean(u, axis=0, keepdims=True)
    var = jnp.mean(jnp.square(u - mean), axis=0, keepdims=True)
    return jnp.maximum((u - mean) * lax.rsqrt(var + EPS) * gamma + beta, 0.0)


def _mlp_common(h_ref, a_ref, w1_ref, b1_ref, g1_ref, be1_ref,
                w2_ref, b2_ref, g2_ref, be2_ref):
    t = h_ref[...] + a_ref[:N] + a_ref[N:]
    u = jnp.dot(t, w1_ref[...], preferred_element_type=jnp.float32) + b1_ref[...]
    u = _bn_relu(u, g1_ref[...], be1_ref[...])
    v = jnp.dot(u, w2_ref[...], preferred_element_type=jnp.float32) + b2_ref[...]
    return _bn_relu(v, g2_ref[...], be2_ref[...])


def _mlp_body(h_ref, a_ref, w1_ref, b1_ref, g1_ref, be1_ref,
              w2_ref, b2_ref, g2_ref, be2_ref, o_ref):
    o_ref[...] = _mlp_common(h_ref, a_ref, w1_ref, b1_ref, g1_ref, be1_ref,
                             w2_ref, b2_ref, g2_ref, be2_ref)


def _mlp_pool_body(h_ref, a_ref, batch_ref, w1_ref, b1_ref, g1_ref, be1_ref,
                   w2_ref, b2_ref, g2_ref, be2_ref, o_ref):
    hout = _mlp_common(h_ref, a_ref, w1_ref, b1_ref, g1_ref, be1_ref,
                       w2_ref, b2_ref, g2_ref, be2_ref)
    gids = lax.broadcasted_iota(jnp.int32, (N, G), 1)
    onehot = (batch_ref[...] == gids).astype(jnp.float32)
    o_ref[...] = lax.dot_general(onehot, hout, (((0,), (0,)), ((), ())),
                                 preferred_element_type=jnp.float32)


_mlp = pl.pallas_call(_mlp_body, out_shape=jax.ShapeDtypeStruct((N, D), jnp.float32))
_mlp_pool = pl.pallas_call(_mlp_pool_body, out_shape=jax.ShapeDtypeStruct((G, D), jnp.float32))


def kernel(x, edge_index, batch, W1, b1, g1, beta1, W2, b2, g2, beta2):
    ppw = EPW - E // NW
    pad_src = (jnp.arange(NW * ppw, dtype=jnp.int32) * 13) % N
    pad_dst = N + (jnp.arange(NW * ppw, dtype=jnp.int32) % NDUM)
    src = jnp.concatenate([edge_index[0].reshape(NW, E // NW),
                           pad_src.reshape(NW, ppw)], axis=1)
    dst = jnp.concatenate([edge_index[1].reshape(NW, E // NW),
                           pad_dst.reshape(NW, ppw)], axis=1)
    zeros = jnp.zeros((NACC, D), jnp.float32)
    batch2 = batch.reshape(N, 1)
    agg = _get_agg()
    h = x
    for i in range(L):
        agg2 = agg(h, src, dst, zeros)
        params = (W1[i], b1[i].reshape(1, D), g1[i].reshape(1, D),
                  beta1[i].reshape(1, D), W2[i], b2[i].reshape(1, D),
                  g2[i].reshape(1, D), beta2[i].reshape(1, D))
        if i < L - 1:
            h = _mlp(h, agg2, *params)
        else:
            out = _mlp_pool(h, agg2, batch2, *params)
    return out

# --- scband reference (transcript-rebuilt; emitter-appended) ---
"""Pipeline reference for scband-gnnfeature-extractor-6992206757989 (READ-ONLY COPY).

The authoritative reference and input builder live on the scoring server;
editing this copy changes nothing except your own understanding.
"""

import jax, jax.numpy as jnp
import numpy as np

N = 10000   # nodes
E = 320000  # edges
D = 128     # input_dim
H = 128     # hidden_dim
L = 3       # num_layers
G = 64      # graphs per batch


def setup_inputs(seed: int = 0) -> dict:
    key = jax.random.key(seed)
    ks = jax.random.split(key, 8)
    x = jax.random.normal(ks[0], (N, D), dtype=jnp.float32)
    edge_index = jax.random.randint(ks[1], (2, E), 0, N, dtype=jnp.int32)
    batch = jnp.sort(jax.random.randint(ks[2], (N,), 0, G, dtype=jnp.int32))
    # GIN MLP params per layer: Linear(H,H) -> BN -> ReLU -> Linear(H,H), then outer BN
    # (input_dim == hidden_dim == 128, so all layers stack uniformly)
    W1 = jax.random.normal(ks[3], (L, H, H), dtype=jnp.float32) * 0.05
    b1 = jnp.zeros((L, H), dtype=jnp.float32)
    g1 = jnp.ones((L, H), dtype=jnp.float32)
    beta1 = jnp.zeros((L, H), dtype=jnp.float32)
    W2 = jax.random.normal(ks[4], (L, H, H), dtype=jnp.float32) * 0.05
    b2 = jnp.zeros((L, H), dtype=jnp.float32)
    g2 = jnp.ones((L, H), dtype=jnp.float32)
    beta2 = jnp.zeros((L, H), dtype=jnp.float32)
    return {"x": x, "edge_index": edge_index, "batch": batch,
            "W1": W1, "b1": b1, "g1": g1, "beta1": beta1,
            "W2": W2, "b2": b2, "g2": g2, "beta2": beta2}


def _bn(h, gamma, beta, eps=1e-5):
    mean = jnp.mean(h, axis=0)
    var = jnp.var(h, axis=0)
    return (h - mean) / jnp.sqrt(var + eps) * gamma + beta


def reference(x, edge_index, batch, W1, b1, g1, beta1, W2, b2, g2, beta2):
    src = edge_index[0]
    dst = edge_index[1]
    h = x
    for i in range(L):
        # GINConv with eps=0: h' = MLP(h + sum_{j in N(v)} h_j)
        agg = jax.ops.segment_sum(h[src], dst, num_segments=N)
        h2 = h + agg
        h2 = h2 @ W1[i] + b1[i]
        h2 = _bn(h2, g1[i], beta1[i])
        h2 = jax.nn.relu(h2)
        h2 = h2 @ W2[i] + b2[i]
        # outer BatchNorm1d + ReLU (dropout omitted: eval mode)
        h2 = _bn(h2, g2[i], beta2[i])
        h = jax.nn.relu(h2)
    # global_add_pool over graph assignment
    out = jax.ops.segment_sum(h, batch, num_segments=G)
    return out

if __name__ == "__main__":
    import jax
    _d = setup_inputs()
    print(jax.jit(kernel)(*tuple(_d.values())))

</pallas_src>

<mosaic_0001>
#map = affine_map<(d0, d1) -> (0, 0)>
module attributes {stable_mosaic.version = 14 : i64} {
  func.func @_agg_impl(%arg0: i32, %arg1: i32, %arg2: memref<10000x128xf32, #tpu.memory_space<hbm>>, %arg3: memref<32x10080xi32, #tpu.memory_space<hbm>>, %arg4: memref<32x10080xi32, #tpu.memory_space<hbm>>, %arg5: memref<10016x128xf32, #tpu.memory_space<hbm>>, %arg6: memref<20000x128xf32, #tpu.memory_space<hbm>>, %arg7: memref<10080xi32, #tpu.memory_space<vmem>>, %arg8: memref<10080xi32, #tpu.memory_space<vmem>>, %arg9: memref<48x128xf32, #tpu.memory_space<vmem>>, %arg10: memref<48x128xf32, #tpu.memory_space<vmem>>, %arg11: memref<48x128xf32, #tpu.memory_space<vmem>>, %arg12: memref<48x128xf32, #tpu.memory_space<vmem>>, %arg13: memref<48x128xf32, #tpu.memory_space<vmem>>, %arg14: memref<10016x128xf32, #tpu.memory_space<vmem_shared>>, %arg15: memref<!tpu.dma_semaphore, #tpu.memory_space<semaphore_mem>>, %arg16: memref<!tpu.dma_semaphore, #tpu.memory_space<semaphore_mem>>, %arg17: memref<!tpu.dma_semaphore, #tpu.memory_space<semaphore_mem>>, %arg18: memref<!tpu.dma_semaphore, #tpu.memory_space<semaphore_mem>>, %arg19: memref<!tpu.dma_semaphore, #tpu.memory_space<semaphore_mem>>, %arg20: memref<!tpu.dma_semaphore, #tpu.memory_space<semaphore_mem>>, %arg21: memref<!tpu.dma_semaphore, #tpu.memory_space<semaphore_mem>>, %arg22: memref<!tpu.dma_semaphore, #tpu.memory_space<semaphore_mem>>, %arg23: memref<!tpu.dma_semaphore, #tpu.memory_space<semaphore_mem>>, %arg24: memref<!tpu.dma_semaphore, #tpu.memory_space<semaphore_mem>>, %arg25: memref<!tpu.dma_semaphore, #tpu.memory_space<semaphore_mem>>) attributes {dimension_semantics = [#tpu.dimension_semantics<core_parallel>, #tpu.dimension_semantics<subcore_parallel>], iteration_bounds = array<i64: 2, 16>, scalar_prefetch = 0 : i64, scratch_operands = 19 : i64, tpu.core_type = #tpu.core_type<sc_vector_subcore>, window_params = [{transform_indices = #map}, {transform_indices = #map}, {transform_indices = #map}, {transform_indices = #map}, {transform_indices = #map}]} {
    %mul3A = arith.constant 16 : i32
    %mul3A_0 = arith.muli %arg0, %mul3A : i32
    %add3A = arith.addi %mul3A_0, %arg1 : i32
    %mul3A_1 = arith.constant 624 : i32
    %mul3A_2 = arith.muli %arg1, %mul3A_1 : i32
    %mul3A_3 = arith.constant 624 : i32
    %mul3A_4 = arith.muli %arg1, %mul3A_3 : i32
    %dma_start3A = arith.constant 0 : i32
    %dma_start3A_5 = tpu.memref_slice %arg14[%mul3A_4, %dma_start3A] : memref<10016x128xf32, #tpu.memory_space<vmem_shared>> -> memref<624x128xf32, #tpu.memory_space<vmem_shared>>
    %dma_start3A_6 = arith.constant 0 : i32
    %dma_start3A_7 = tpu.memref_slice %arg5[%mul3A_2, %dma_start3A_6] : memref<10016x128xf32, #tpu.memory_space<hbm>> -> memref<624x128xf32, #tpu.memory_space<hbm>>
    tpu.enqueue_dma source(%dma_start3A_7 : memref<624x128xf32, #tpu.memory_space<hbm>>) target(%dma_start3A_5 : memref<624x128xf32, #tpu.memory_space<vmem_shared>>) target_semaphore(%arg25 : memref<!tpu.dma_semaphore, #tpu.memory_space<semaphore_mem>>)
    %eq3A = arith.constant 0 : i32
    %eq3A_8 = arith.cmpi eq, %arg1, %eq3A : i32
    %convert_element_type3A = arith.extui %eq3A_8 : i1 to i32
    %cond3A = arith.constant 0 : i32
    %cond3A_9 = arith.cmpi ne, %convert_element_type3A, %cond3A : i32
    scf.if %cond3A_9 {
      "tpu.region"() ({
        %run_scoped3A = tpu.sem_alloc : memref<!tpu.dma_semaphore, #tpu.memory_space<semaphore_mem>>
        %dma_start3A_56 = arith.constant 9984 : i32
        %dma_start3A_57 = arith.constant 0 : i32
        %dma_start3A_58 = tpu.memref_slice %arg14[%dma_start3A_56, %dma_start3A_57] : memref<10016x128xf32, #tpu.memory_space<vmem_shared>> -> memref<32x128xf32, #tpu.memory_space<vmem_shared>>
        %dma_start3A_59 = arith.constant 9984 : i32
        %dma_start3A_60 = arith.constant 0 : i32
        %dma_start3A_61 = tpu.memref_slice %arg5[%dma_start3A_59, %dma_start3A_60] : memref<10016x128xf32, #tpu.memory_space<hbm>> -> memref<32x128xf32, #tpu.memory_space<hbm>>
        tpu.enqueue_dma source(%dma_start3A_61 : memref<32x128xf32, #tpu.memory_space<hbm>>) target(%dma_start3A_58 : memref<32x128xf32, #tpu.memory_space<vmem_shared>>) target_semaphore(%run_scoped3A : memref<!tpu.dma_semaphore, #tpu.memory_space<semaphore_mem>>)
        %dma_wait3A_62 = arith.constant 9984 : i32
        %dma_wait3A_63 = arith.constant 0 : i32
        %dma_wait3A_64 = tpu.memref_slice %arg14[%dma_wait3A_62, %dma_wait3A_63] : memref<10016x128xf32, #tpu.memory_space<vmem_shared>> -> memref<32x128xf32, #tpu.memory_space<vmem_shared>>
        %dma_wait3A_65 = arith.constant 9984 : i32
        %dma_wait3A_66 = arith.constant 0 : i32
        %dma_wait3A_67 = tpu.memref_slice %arg5[%dma_wait3A_65, %dma_wait3A_66] : memref<10016x128xf32, #tpu.memory_space<hbm>> -> memref<32x128xf32, #tpu.memory_space<hbm>>
        tpu.wait_dma2 semaphore(%run_scoped3A : memref<!tpu.dma_semaphore, #tpu.memory_space<semaphore_mem>>) src(%dma_wait3A_67 : memref<32x128xf32, #tpu.memory_space<hbm>>) dst(%dma_wait3A_64 : memref<32x128xf32, #tpu.memory_space<vmem_shared>>)
        tpu.yield
      }) : () -> ()
    } else {
    }
    "tpu.region"() ({
      %run_scoped3A = tpu.sem_alloc : memref<!tpu.dma_semaphore, #tpu.memory_space<semaphore_mem>>
      %dma_start3A_56 = arith.constant 0 : i32
      %dma_start3A_57 = tpu.memref_slice %arg3[%add3A, %dma_start3A_56] : memref<32x10080xi32, #tpu.memory_space<hbm>> -> memref<1x10080xi32, #tpu.memory_space<hbm>>
      %dma_start3A_58 = tpu.memref_squeeze %dma_start3A_57 : memref<1x10080xi32, #tpu.memory_space<hbm>> -> memref<10080xi32, #tpu.memory_space<hbm>>
      %dma_start3A_59 = arith.constant 0 : i32
      %dma_start3A_60 = tpu.memref_slice %arg3[%add3A, %dma_start3A_59] : memref<32x10080xi32, #tpu.memory_space<hbm>> -> memref<1x10080xi32, #tpu.memory_space<hbm>>
      %dma_start3A_61 = tpu.memref_squeeze %dma_start3A_60 : memref<1x10080xi32, #tpu.memory_space<hbm>> -> memref<10080xi32, #tpu.memory_space<hbm>>
      tpu.enqueue_dma source(%dma_start3A_61 : memref<10080xi32, #tpu.memory_space<hbm>>) target(%arg7 : memref<10080xi32, #tpu.memory_space<vmem>>) target_semaphore(%run_scoped3A : memref<!tpu.dma_semaphore, #tpu.memory_space<semaphore_mem>>)
      %dma_wait3A_62 = arith.constant 0 : i32
      %dma_wait3A_63 = tpu.memref_slice %arg3[%add3A, %dma_wait3A_62] : memref<32x10080xi32, #tpu.memory_space<hbm>> -> memref<1x10080xi32, #tpu.memory_space<hbm>>
      %dma_wait3A_64 = tpu.memref_squeeze %dma_wait3A_63 : memref<1x10080xi32, #tpu.memory_space<hbm>> -> memref<10080xi32, #tpu.memory_space<hbm>>
      %dma_wait3A_65 = arith.constant 0 : i32
      %dma_wait3A_66 = tpu.memref_slice %arg3[%add3A, %dma_wait3A_65] : memref<32x10080xi32, #tpu.memory_space<hbm>> -> memref<1x10080xi32, #tpu.memory_space<hbm>>
      %dma_wait3A_67 = tpu.memref_squeeze %dma_wait3A_66 : memref<1x10080xi32, #tpu.memory_space<hbm>> -> memref<10080xi32, #tpu.memory_space<hbm>>
      tpu.wait_dma2 semaphore(%run_scoped3A : memref<!tpu.dma_semaphore, #tpu.memory_space<semaphore_mem>>) src(%dma_wait3A_67 : memref<10080xi32, #tpu.memory_space<hbm>>) dst(%arg7 : memref<10080xi32, #tpu.memory_space<vmem>>)
      tpu.yield
    }) : () -> ()
    "tpu.region"() ({
      %run_scoped3A = tpu.sem_alloc : memref<!tpu.dma_semaphore, #tpu.memory_space<semaphore_mem>>
      %dma_start3A_56 = arith.constant 0 : i32
      %dma_start3A_57 = tpu.memref_slice %arg4[%add3A, %dma_start3A_56] : memref<32x10080xi32, #tpu.memory_space<hbm>> -> memref<1x10080xi32, #tpu.memory_space<hbm>>
      %dma_start3A_58 = tpu.memref_squeeze %dma_start3A_57 : memref<1x10080xi32, #tpu.memory_space<hbm>> -> memref<10080xi32, #tpu.memory_space<hbm>>
      %dma_start3A_59 = arith.constant 0 : i32
      %dma_start3A_60 = tpu.memref_slice %arg4[%add3A, %dma_start3A_59] : memref<32x10080xi32, #tpu.memory_space<hbm>> -> memref<1x10080xi32, #tpu.memory_space<hbm>>
      %dma_start3A_61 = tpu.memref_squeeze %dma_start3A_60 : memref<1x10080xi32, #tpu.memory_space<hbm>> -> memref<10080xi32, #tpu.memory_space<hbm>>
      tpu.enqueue_dma source(%dma_start3A_61 : memref<10080xi32, #tpu.memory_space<hbm>>) target(%arg8 : memref<10080xi32, #tpu.memory_space<vmem>>) target_semaphore(%run_scoped3A : memref<!tpu.dma_semaphore, #tpu.memory_space<semaphore_mem>>)
      %dma_wait3A_62 = arith.constant 0 : i32
      %dma_wait3A_63 = tpu.memref_slice %arg4[%add3A, %dma_wait3A_62] : memref<32x10080xi32, #tpu.memory_space<hbm>> -> memref<1x10080xi32, #tpu.memory_space<hbm>>
      %dma_wait3A_64 = tpu.memref_squeeze %dma_wait3A_63 : memref<1x10080xi32, #tpu.memory_space<hbm>> -> memref<10080xi32, #tpu.memory_space<hbm>>
      %dma_wait3A_65 = arith.constant 0 : i32
      %dma_wait3A_66 = tpu.memref_slice %arg4[%add3A, %dma_wait3A_65] : memref<32x10080xi32, #tpu.memory_space<hbm>> -> memref<1x10080xi32, #tpu.memory_space<hbm>>
      %dma_wait3A_67 = tpu.memref_squeeze %dma_wait3A_66 : memref<1x10080xi32, #tpu.memory_space<hbm>> -> memref<10080xi32, #tpu.memory_space<hbm>>
      tpu.wait_dma2 semaphore(%run_scoped3A : memref<!tpu.dma_semaphore, #tpu.memory_space<semaphore_mem>>) src(%dma_wait3A_67 : memref<10080xi32, #tpu.memory_space<hbm>>) dst(%arg8 : memref<10080xi32, #tpu.memory_space<vmem>>)
      tpu.yield
    }) : () -> ()
    %dma_start3A_10 = arith.constant 0 : i32
    %dma_start3A_11 = tpu.memref_slice %arg7[%dma_start3A_10] : memref<10080xi32, #tpu.memory_space<vmem>> -> memref<48xi32, #tpu.memory_space<vmem>>
    %dma_start3A_12 = arith.constant 0 : i32
    %dma_start3A_13 = arith.constant 0 : i32
    %dma_start3A_14 = tpu.memref_slice %arg2[%dma_start3A_12, %dma_start3A_13] : memref<10000x128xf32, #tpu.memory_space<hbm>> -> memref<10000x128xf32, #tpu.memory_space<hbm>>
    tpu.enqueue_indirect_dma source(%dma_start3A_14 : memref<10000x128xf32, #tpu.memory_space<hbm>>) target(%arg9 : memref<48x128xf32, #tpu.memory_space<vmem>>) offsets(%dma_start3A_11 : memref<48xi32, #tpu.memory_space<vmem>>) semaphore(%arg15 : memref<!tpu.dma_semaphore, #tpu.memory_space<semaphore_mem>>)
    %dma_start3A_15 = arith.constant 48 : i32
    %dma_start3A_16 = tpu.memref_slice %arg7[%dma_start3A_15] : memref<10080xi32, #tpu.memory_space<vmem>> -> memref<48xi32, #tpu.memory_space<vmem>>
    %dma_start3A_17 = arith.constant 0 : i32
    %dma_start3A_18 = arith.constant 0 : i32
    %dma_start3A_19 = tpu.memref_slice %arg2[%dma_start3A_17, %dma_start3A_18] : memref<10000x128xf32, #tpu.memory_space<hbm>> -> memref<10000x128xf32, #tpu.memory_space<hbm>>
    tpu.enqueue_indirect_dma source(%dma_start3A_19 : memref<10000x128xf32, #tpu.memory_space<hbm>>) target(%arg10 : memref<48x128xf32, #tpu.memory_space<vmem>>) offsets(%dma_start3A_16 : memref<48xi32, #tpu.memory_space<vmem>>) semaphore(%arg16 : memref<!tpu.dma_semaphore, #tpu.memory_space<semaphore_mem>>)
    %dma_start3A_20 = arith.constant 96 : i32
    %dma_start3A_21 = tpu.memref_slice %arg7[%dma_start3A_20] : memref<10080xi32, #tpu.memory_space<vmem>> -> memref<48xi32, #tpu.memory_space<vmem>>
    %dma_start3A_22 = arith.constant 0 : i32
    %dma_start3A_23 = arith.constant 0 : i32
    %dma_start3A_24 = tpu.memref_slice %arg2[%dma_start3A_22, %dma_start3A_23] : memref<10000x128xf32, #tpu.memory_space<hbm>> -> memref<10000x128xf32, #tpu.memory_space<hbm>>
    tpu.enqueue_indirect_dma source(%dma_start3A_24 : memref<10000x128xf32, #tpu.memory_space<hbm>>) target(%arg11 : memref<48x128xf32, #tpu.memory_space<vmem>>) offsets(%dma_start3A_21 : memref<48xi32, #tpu.memory_space<vmem>>) semaphore(%arg17 : memref<!tpu.dma_semaphore, #tpu.memory_space<semaphore_mem>>)
    %dma_wait3A = arith.constant 0 : i32
    %dma_wait3A_25 = tpu.memref_slice %arg14[%mul3A_4, %dma_wait3A] : memref<10016x128xf32, #tpu.memory_space<vmem_shared>> -> memref<624x128xf32, #tpu.memory_space<vmem_shared>>
    %dma_wait3A_26 = arith.constant 0 : i32
    %dma_wait3A_27 = tpu.memref_slice %arg5[%mul3A_2, %dma_wait3A_26] : memref<10016x128xf32, #tpu.memory_space<hbm>> -> memref<624x128xf32, #tpu.memory_space<hbm>>
    tpu.wait_dma2 semaphore(%arg25 : memref<!tpu.dma_semaphore, #tpu.memory_space<semaphore_mem>>) src(%dma_wait3A_27 : memref<624x128xf32, #tpu.memory_space<hbm>>) dst(%dma_wait3A_25 : memref<624x128xf32, #tpu.memory_space<vmem_shared>>)
    %barrier3A = arith.constant 0 : index
    tpu.barrier barrier_id(%barrier3A)
    %scan3A = arith.constant 0 : i32
    %scan3A_28 = arith.constant 0 : i32
    %scan3A_29 = arith.constant 42 : i32
    %scan3A_30 = arith.addi %scan3A_28, %scan3A_29 : i32
    %scan3A_31 = arith.constant 1 : i32
    scf.for %scan3A_56 = %scan3A_28 to %scan3A_30 step %scan3A_31  : i32 {
      %mul3A_57 = arith.constant 5 : i32
      %mul3A_58 = arith.muli %mul3A_57, %scan3A_56 : i32
      %add3A_59 = arith.constant 0 : i32
      %add3A_60 = arith.addi %mul3A_58, %add3A_59 : i32
      %ge3A = arith.constant 2 : i32
      %ge3A_61 = arith.cmpi sge, %add3A_60, %ge3A : i32
      %convert_element_type3A_62 = arith.extui %ge3A_61 : i1 to i32
      %cond3A_63 = arith.constant 0 : i32
      %cond3A_64 = arith.cmpi ne, %convert_element_type3A_62, %cond3A_63 : i32
      scf.if %cond3A_64 {
        %sub3A = arith.constant 2 : i32
        %sub3A_195 = arith.subi %add3A_60, %sub3A : i32
        %mul3A_196 = arith.constant 48 : i32
        %mul3A_197 = arith.muli %sub3A_195, %mul3A_196 : i32
        %dma_wait3A_198 = tpu.memref_slice %arg8[%mul3A_197] : memref<10080xi32, #tpu.memory_space<vmem>> -> memref<48xi32, #tpu.memory_space<vmem>>
        %dma_wait3A_199 = arith.constant 0 : i32
        %dma_wait3A_200 = arith.constant 0 : i32
        %dma_wait3A_201 = tpu.memref_slice %arg14[%dma_wait3A_199, %dma_wait3A_200] : memref<10016x128xf32, #tpu.memory_space<vmem_shared>> -> memref<10016x128xf32, #tpu.memory_space<vmem_shared>>
        tpu.wait_indirect_dma semaphore(%arg23 : memref<!tpu.dma_semaphore, #tpu.memory_space<semaphore_mem>>) src(%arg12 : memref<48x128xf32, #tpu.memory_space<vmem>>) dst(%dma_wait3A_201 : memref<10016x128xf32, #tpu.memory_space<vmem_shared>>)
      } else {
      }
      %add3A_65 = arith.constant 3 : i32
      %add3A_66 = arith.addi %add3A_60, %add3A_65 : i32
      %lt3A = arith.constant 210 : i32
      %lt3A_67 = arith.cmpi slt, %add3A_66, %lt3A : i32
      %convert_element_type3A_68 = arith.extui %lt3A_67 : i1 to i32
      %cond3A_69 = arith.constant 0 : i32
      %cond3A_70 = arith.cmpi ne, %convert_element_type3A_68, %cond3A_69 : i32
      scf.if %cond3A_70 {
        %add3A_195 = arith.constant 3 : i32
        %add3A_196 = arith.addi %add3A_60, %add3A_195 : i32
        %mul3A_197 = arith.constant 48 : i32
        %mul3A_198 = arith.muli %add3A_196, %mul3A_197 : i32
        %dma_start3A_199 = tpu.memref_slice %arg7[%mul3A_198] : memref<10080xi32, #tpu.memory_space<vmem>> -> memref<48xi32, #tpu.memory_space<vmem>>
        %dma_start3A_200 = arith.constant 0 : i32
        %dma_start3A_201 = arith.constant 0 : i32
        %dma_start3A_202 = tpu.memref_slice %arg2[%dma_start3A_200, %dma_start3A_201] : memref<10000x128xf32, #tpu.memory_space<hbm>> -> memref<10000x128xf32, #tpu.memory_space<hbm>>
        tpu.enqueue_indirect_dma source(%dma_start3A_202 : memref<10000x128xf32, #tpu.memory_space<hbm>>) target(%arg12 : memref<48x128xf32, #tpu.memory_space<vmem>>) offsets(%dma_start3A_199 : memref<48xi32, #tpu.memory_space<vmem>>) semaphore(%arg18 : memref<!tpu.dma_semaphore, #tpu.memory_space<semaphore_mem>>)
      } else {
      }
      %mul3A_71 = arith.constant 48 : i32
      %mul3A_72 = arith.muli %add3A_60, %mul3A_71 : i32
      %dma_wait3A_73 = tpu.memref_slice %arg7[%mul3A_72] : memref<10080xi32, #tpu.memory_space<vmem>> -> memref<48xi32, #tpu.memory_space<vmem>>
      %dma_wait3A_74 = arith.constant 0 : i32
      %dma_wait3A_75 = arith.constant 0 : i32
      %dma_wait3A_76 = tpu.memref_slice %arg2[%dma_wait3A_74, %dma_wait3A_75] : memref<10000x128xf32, #tpu.memory_space<hbm>> -> memref<10000x128xf32, #tpu.memory_space<hbm>>
      tpu.wait_indirect_dma semaphore(%arg15 : memref<!tpu.dma_semaphore, #tpu.memory_space<semaphore_mem>>) src(%dma_wait3A_76 : memref<10000x128xf32, #tpu.memory_space<hbm>>) dst(%arg9 : memref<48x128xf32, #tpu.memory_space<vmem>>)
      %mul3A_77 = arith.constant 48 : i32
      %mul3A_78 = arith.muli %add3A_60, %mul3A_77 : i32
      %dma_start3A_79 = tpu.memref_slice %arg8[%mul3A_78] : memref<10080xi32, #tpu.memory_space<vmem>> -> memref<48xi32, #tpu.memory_space<vmem>>
      %dma_start3A_80 = arith.constant 0 : i32
      %dma_start3A_81 = arith.constant 0 : i32
      %dma_start3A_82 = tpu.memref_slice %arg14[%dma_start3A_80, %dma_start3A_81] : memref<10016x128xf32, #tpu.memory_space<vmem_shared>> -> memref<10016x128xf32, #tpu.memory_space<vmem_shared>>
      tpu.enqueue_indirect_dma source(%arg9 : memref<48x128xf32, #tpu.memory_space<vmem>>) target(%dma_start3A_82 : memref<10016x128xf32, #tpu.memory_space<vmem_shared>>) offsets(%dma_start3A_79 : memref<48xi32, #tpu.memory_space<vmem>>) semaphore(%arg20 : memref<!tpu.dma_semaphore, #tpu.memory_space<semaphore_mem>>) {add = true}
      %mul3A_83 = arith.constant 5 : i32
      %mul3A_84 = arith.muli %mul3A_83, %scan3A_56 : i32
      %add3A_85 = arith.constant 1 : i32
      %add3A_86 = arith.addi %mul3A_84, %add3A_85 : i32
      %ge3A_87 = arith.constant 2 : i32
      %ge3A_88 = arith.cmpi sge, %add3A_86, %ge3A_87 : i32
      %convert_element_type3A_89 = arith.extui %ge3A_88 : i1 to i32
      %cond3A_90 = arith.constant 0 : i32
      %cond3A_91 = arith.cmpi ne, %convert_element_type3A_89, %cond3A_90 : i32
      scf.if %cond3A_91 {
        %sub3A = arith.constant 2 : i32
        %sub3A_195 = arith.subi %add3A_86, %sub3A : i32
        %mul3A_196 = arith.constant 48 : i32
        %mul3A_197 = arith.muli %sub3A_195, %mul3A_196 : i32
        %dma_wait3A_198 = tpu.memref_slice %arg8[%mul3A_197] : memref<10080xi32, #tpu.memory_space<vmem>> -> memref<48xi32, #tpu.memory_space<vmem>>
        %dma_wait3A_199 = arith.constant 0 : i32
        %dma_wait3A_200 = arith.constant 0 : i32
        %dma_wait3A_201 = tpu.memref_slice %arg14[%dma_wait3A_199, %dma_wait3A_200] : memref<10016x128xf32, #tpu.memory_space<vmem_shared>> -> memref<10016x128xf32, #tpu.memory_space<vmem_shared>>
        tpu.wait_indirect_dma semaphore(%arg24 : memref<!tpu.dma_semaphore, #tpu.memory_space<semaphore_mem>>) src(%arg13 : memref<48x128xf32, #tpu.memory_space<vmem>>) dst(%dma_wait3A_201 : memref<10016x128xf32, #tpu.memory_space<vmem_shared>>)
      } else {
      }
      %add3A_92 = arith.constant 3 : i32
      %add3A_93 = arith.addi %add3A_86, %add3A_92 : i32
      %lt3A_94 = arith.constant 210 : i32
      %lt3A_95 = arith.cmpi slt, %add3A_93, %lt3A_94 : i32
      %convert_element_type3A_96 = arith.extui %lt3A_95 : i1 to i32
      %cond3A_97 = arith.constant 0 : i32
      %cond3A_98 = arith.cmpi ne, %convert_element_type3A_96, %cond3A_97 : i32
      scf.if %cond3A_98 {
        %add3A_195 = arith.constant 3 : i32
        %add3A_196 = arith.addi %add3A_86, %add3A_195 : i32
        %mul3A_197 = arith.constant 48 : i32
        %mul3A_198 = arith.muli %add3A_196, %mul3A_197 : i32
        %dma_start3A_199 = tpu.memref_slice %arg7[%mul3A_198] : memref<10080xi32, #tpu.memory_space<vmem>> -> memref<48xi32, #tpu.memory_space<vmem>>
        %dma_start3A_200 = arith.constant 0 : i32
        %dma_start3A_201 = arith.constant 0 : i32
        %dma_start3A_202 = tpu.memref_slice %arg2[%dma_start3A_200, %dma_start3A_201] : memref<10000x128xf32, #tpu.memory_space<hbm>> -> memref<10000x128xf32, #tpu.memory_space<hbm>>
        tpu.enqueue_indirect_dma source(%dma_start3A_202 : memref<10000x128xf32, #tpu.memory_space<hbm>>) target(%arg13 : memref<48x128xf32, #tpu.memory_space<vmem>>) offsets(%dma_start3A_199 : memref<48xi32, #tpu.memory_space<vmem>>) semaphore(%arg19 : memref<!tpu.dma_semaphore, #tpu.memory_space<semaphore_mem>>)
      } else {
      }
      %mul3A_99 = arith.constant 48 : i32
      %mul3A_100 = arith.muli %add3A_86, %mul3A_99 : i32
      %dma_wait3A_101 = tpu.memref_slice %arg7[%mul3A_100] : memref<10080xi32, #tpu.memory_space<vmem>> -> memref<48xi32, #tpu.memory_space<vmem>>
      %dma_wait3A_102 = arith.constant 0 : i32
      %dma_wait3A_103 = arith.constant 0 : i32
      %dma_wait3A_104 = tpu.memref_slice %arg2[%dma_wait3A_102, %dma_wait3A_103] : memref<10000x128xf32, #tpu.memory_space<hbm>> -> memref<10000x128xf32, #tpu.memory_space<hbm>>
      tpu.wait_indirect_dma semaphore(%arg16 : memref<!tpu.dma_semaphore, #tpu.memory_space<semaphore_mem>>) src(%dma_wait3A_104 : memref<10000x128xf32, #tpu.memory_space<hbm>>) dst(%arg10 : memref<48x128xf32, #tpu.memory_space<vmem>>)
      %mul3A_105 = arith.constant 48 : i32
      %mul3A_106 = arith.muli %add3A_86, %mul3A_105 : i32
      %dma_start3A_107 = tpu.memref_slice %arg8[%mul3A_106] : memref<10080xi32, #tpu.memory_space<vmem>> -> memref<48xi32, #tpu.memory_space<vmem>>
      %dma_start3A_108 = arith.constant 0 : i32
      %dma_start3A_109 = arith.constant 0 : i32
      %dma_start3A_110 = tpu.memref_slice %arg14[%dma_start3A_108, %dma_start3A_109] : memref<10016x128xf32, #tpu.memory_space<vmem_shared>> -> memref<10016x128xf32, #tpu.memory_space<vmem_shared>>
      tpu.enqueue_indirect_dma source(%arg10 : memref<48x128xf32, #tpu.memory_space<vmem>>) target(%dma_start3A_110 : memref<10016x128xf32, #tpu.memory_space<vmem_shared>>) offsets(%dma_start3A_107 : memref<48xi32, #tpu.memory_space<vmem>>) semaphore(%arg21 : memref<!tpu.dma_semaphore, #tpu.memory_space<semaphore_mem>>) {add = true}
      %mul3A_111 = arith.constant 5 : i32
      %mul3A_112 = arith.muli %mul3A_111, %scan3A_56 : i32
      %add3A_113 = arith.constant 2 : i32
      %add3A_114 = arith.addi %mul3A_112, %add3A_113 : i32
      %ge3A_115 = arith.constant 2 : i32
      %ge3A_116 = arith.cmpi sge, %add3A_114, %ge3A_115 : i32
      %convert_element_type3A_117 = arith.extui %ge3A_116 : i1 to i32
      %cond3A_118 = arith.constant 0 : i32
      %cond3A_119 = arith.cmpi ne, %convert_element_type3A_117, %cond3A_118 : i32
      scf.if %cond3A_119 {
        %sub3A = arith.constant 2 : i32
        %sub3A_195 = arith.subi %add3A_114, %sub3A : i32
        %mul3A_196 = arith.constant 48 : i32
        %mul3A_197 = arith.muli %sub3A_195, %mul3A_196 : i32
        %dma_wait3A_198 = tpu.memref_slice %arg8[%mul3A_197] : memref<10080xi32, #tpu.memory_space<vmem>> -> memref<48xi32, #tpu.memory_space<vmem>>
        %dma_wait3A_199 = arith.constant 0 : i32
        %dma_wait3A_200 = arith.constant 0 : i32
        %dma_wait3A_201 = tpu.memref_slice %arg14[%dma_wait3A_199, %dma_wait3A_200] : memref<10016x128xf32, #tpu.memory_space<vmem_shared>> -> memref<10016x128xf32, #tpu.memory_space<vmem_shared>>
        tpu.wait_indirect_dma semaphore(%arg20 : memref<!tpu.dma_semaphore, #tpu.memory_space<semaphore_mem>>) src(%arg9 : memref<48x128xf32, #tpu.memory_space<vmem>>) dst(%dma_wait3A_201 : memref<10016x128xf32, #tpu.memory_space<vmem_shared>>)
      } else {
      }
      %add3A_120 = arith.constant 3 : i32
      %add3A_121 = arith.addi %add3A_114, %add3A_120 : i32
      %lt3A_122 = arith.constant 210 : i32
      %lt3A_123 = arith.cmpi slt, %add3A_121, %lt3A_122 : i32
      %convert_element_type3A_124 = arith.extui %lt3A_123 : i1 to i32
      %cond3A_125 = arith.constant 0 : i32
      %cond3A_126 = arith.cmpi ne, %convert_element_type3A_124, %cond3A_125 : i32
      scf.if %cond3A_126 {
        %add3A_195 = arith.constant 3 : i32
        %add3A_196 = arith.addi %add3A_114, %add3A_195 : i32
        %mul3A_197 = arith.constant 48 : i32
        %mul3A_198 = arith.muli %add3A_196, %mul3A_197 : i32
        %dma_start3A_199 = tpu.memref_slice %arg7[%mul3A_198] : memref<10080xi32, #tpu.memory_space<vmem>> -> memref<48xi32, #tpu.memory_space<vmem>>
        %dma_start3A_200 = arith.constant 0 : i32
        %dma_start3A_201 = arith.constant 0 : i32
        %dma_start3A_202 = tpu.memref_slice %arg2[%dma_start3A_200, %dma_start3A_201] : memref<10000x128xf32, #tpu.memory_space<hbm>> -> memref<10000x128xf32, #tpu.memory_space<hbm>>
        tpu.enqueue_indirect_dma source(%dma_start3A_202 : memref<10000x128xf32, #tpu.memory_space<hbm>>) target(%arg9 : memref<48x128xf32, #tpu.memory_space<vmem>>) offsets(%dma_start3A_199 : memref<48xi32, #tpu.memory_space<vmem>>) semaphore(%arg15 : memref<!tpu.dma_semaphore, #tpu.memory_space<semaphore_mem>>)
      } else {
      }
      %mul3A_127 = arith.constant 48 : i32
      %mul3A_128 = arith.muli %add3A_114, %mul3A_127 : i32
      %dma_wait3A_129 = tpu.memref_slice %arg7[%mul3A_128] : memref<10080xi32, #tpu.memory_space<vmem>> -> memref<48xi32, #tpu.memory_space<vmem>>
      %dma_wait3A_130 = arith.constant 0 : i32
      %dma_wait3A_131 = arith.constant 0 : i32
      %dma_wait3A_132 = tpu.memref_slice %arg2[%dma_wait3A_130, %dma_wait3A_131] : memref<10000x128xf32, #tpu.memory_space<hbm>> -> memref<10000x128xf32, #tpu.memory_space<hbm>>
      tpu.wait_indirect_dma semaphore(%arg17 : memref<!tpu.dma_semaphore, #tpu.memory_space<semaphore_mem>>) src(%dma_wait3A_132 : memref<10000x128xf32, #tpu.memory_space<hbm>>) dst(%arg11 : memref<48x128xf32, #tpu.memory_space<vmem>>)
      %mul3A_133 = arith.constant 48 : i32
      %mul3A_134 = arith.muli %add3A_114, %mul3A_133 : i32
      %dma_start3A_135 = tpu.memref_slice %arg8[%mul3A_134] : memref<10080xi32, #tpu.memory_space<vmem>> -> memref<48xi32, #tpu.memory_space<vmem>>
      %dma_start3A_136 = arith.constant 0 : i32
      %dma_start3A_137 = arith.constant 0 : i32
      %dma_start3A_138 = tpu.memref_slice %arg14[%dma_start3A_136, %dma_start3A_137] : memref<10016x128xf32, #tpu.memory_space<vmem_shared>> -> memref<10016x128xf32, #tpu.memory_space<vmem_shared>>
      tpu.enqueue_indirect_dma source(%arg11 : memref<48x128xf32, #tpu.memory_space<vmem>>) target(%dma_start3A_138 : memref<10016x128xf32, #tpu.memory_space<vmem_shared>>) offsets(%dma_start3A_135 : memref<48xi32, #tpu.memory_space<vmem>>) semaphore(%arg22 : memref<!tpu.dma_semaphore, #tpu.memory_space<semaphore_mem>>) {add = true}
      %mul3A_139 = arith.constant 5 : i32
      %mul3A_140 = arith.muli %mul3A_139, %scan3A_56 : i32
      %add3A_141 = arith.constant 3 : i32
      %add3A_142 = arith.addi %mul3A_140, %add3A_141 : i32
      %ge3A_143 = arith.constant 2 : i32
      %ge3A_144 = arith.cmpi sge, %add3A_142, %ge3A_143 : i32
      %convert_element_type3A_145 = arith.extui %ge3A_144 : i1 to i32
      %cond3A_146 = arith.constant 0 : i32
      %cond3A_147 = arith.cmpi ne, %convert_element_type3A_145, %cond3A_146 : i32
      scf.if %cond3A_147 {
        %sub3A = arith.constant 2 : i32
        %sub3A_195 = arith.subi %add3A_142, %sub3A : i32
        %mul3A_196 = arith.constant 48 : i32
        %mul3A_197 = arith.muli %sub3A_195, %mul3A_196 : i32
        %dma_wait3A_198 = tpu.memref_slice %arg8[%mul3A_197] : memref<10080xi32, #tpu.memory_space<vmem>> -> memref<48xi32, #tpu.memory_space<vmem>>
        %dma_wait3A_199 = arith.constant 0 : i32
        %dma_wait3A_200 = arith.constant 0 : i32
        %dma_wait3A_201 = tpu.memref_slice %arg14[%dma_wait3A_199, %dma_wait3A_200] : memref<10016x128xf32, #tpu.memory_space<vmem_shared>> -> memref<10016x128xf32, #tpu.memory_space<vmem_shared>>
        tpu.wait_indirect_dma semaphore(%arg21 : memref<!tpu.dma_semaphore, #tpu.memory_space<semaphore_mem>>) src(%arg10 : memref<48x128xf32, #tpu.memory_space<vmem>>) dst(%dma_wait3A_201 : memref<10016x128xf32, #tpu.memory_space<vmem_shared>>)
      } else {
      }
      %add3A_148 = arith.constant 3 : i32
      %add3A_149 = arith.addi %add3A_142, %add3A_148 : i32
      %lt3A_150 = arith.constant 210 : i32
      %lt3A_151 = arith.cmpi slt, %add3A_149, %lt3A_150 : i32
      %convert_element_type3A_152 = arith.extui %lt3A_151 : i1 to i32
      %cond3A_153 = arith.constant 0 : i32
      %cond3A_154 = arith.cmpi ne, %convert_element_type3A_152, %cond3A_153 : i32
      scf.if %cond3A_154 {
        %add3A_195 = arith.constant 3 : i32
        %add3A_196 = arith.addi %add3A_142, %add3A_195 : i32
        %mul3A_197 = arith.constant 48 : i32
        %mul3A_198 = arith.muli %add3A_196, %mul3A_197 : i32
        %dma_start3A_199 = tpu.memref_slice %arg7[%mul3A_198] : memref<10080xi32, #tpu.memory_space<vmem>> -> memref<48xi32, #tpu.memory_space<vmem>>
        %dma_start3A_200 = arith.constant 0 : i32
        %dma_start3A_201 = arith.constant 0 : i32
        %dma_start3A_202 = tpu.memref_slice %arg2[%dma_start3A_200, %dma_start3A_201] : memref<10000x128xf32, #tpu.memory_space<hbm>> -> memref<10000x128xf32, #tpu.memory_space<hbm>>
        tpu.enqueue_indirect_dma source(%dma_start3A_202 : memref<10000x128xf32, #tpu.memory_space<hbm>>) target(%arg10 : memref<48x128xf32, #tpu.memory_space<vmem>>) offsets(%dma_start3A_199 : memref<48xi32, #tpu.memory_space<vmem>>) semaphore(%arg16 : memref<!tpu.dma_semaphore, #tpu.memory_space<semaphore_mem>>)
      } else {
      }
      %mul3A_155 = arith.constant 48 : i32
      %mul3A_156 = arith.muli %add3A_142, %mul3A_155 : i32
      %dma_wait3A_157 = tpu.memref_slice %arg7[%mul3A_156] : memref<10080xi32, #tpu.memory_space<vmem>> -> memref<48xi32, #tpu.memory_space<vmem>>
      %dma_wait3A_158 = arith.constant 0 : i32
      %dma_wait3A_159 = arith.constant 0 : i32
      %dma_wait3A_160 = tpu.memref_slice %arg2[%dma_wait3A_158, %dma_wait3A_159] : memref<10000x128xf32, #tpu.memory_space<hbm>> -> memref<10000x128xf32, #tpu.memory_space<hbm>>
      tpu.wait_indirect_dma semaphore(%arg18 : memref<!tpu.dma_semaphore, #tpu.memory_space<semaphore_mem>>) src(%dma_wait3A_160 : memref<10000x128xf32, #tpu.memory_space<hbm>>) dst(%arg12 : memref<48x128xf32, #tpu.memory_space<vmem>>)
      %mul3A_161 = arith.constant 48 : i32
      %mul3A_162 = arith.muli %add3A_142, %mul3A_161 : i32
      %dma_start3A_163 = tpu.memref_slice %arg8[%mul3A_162] : memref<10080xi32, #tpu.memory_space<vmem>> -> memref<48xi32, #tpu.memory_space<vmem>>
      %dma_start3A_164 = arith.constant 0 : i32
      %dma_start3A_165 = arith.constant 0 : i32
      %dma_start3A_166 = tpu.memref_slice %arg14[%dma_start3A_164, %dma_start3A_165] : memref<10016x128xf32, #tpu.memory_space<vmem_shared>> -> memref<10016x128xf32, #tpu.memory_space<vmem_shared>>
      tpu.enqueue_indirect_dma source(%arg12 : memref<48x128xf32, #tpu.memory_space<vmem>>) target(%dma_start3A_166 : memref<10016x128xf32, #tpu.memory_space<vmem_shared>>) offsets(%dma_start3A_163 : memref<48xi32, #tpu.memory_space<vmem>>) semaphore(%arg23 : memref<!tpu.dma_semaphore, #tpu.memory_space<semaphore_mem>>) {add = true}
      %mul3A_167 = arith.constant 5 : i32
      %mul3A_168 = arith.muli %mul3A_167, %scan3A_56 : i32
      %add3A_169 = arith.constant 4 : i32
      %add3A_170 = arith.addi %mul3A_168, %add3A_169 : i32
      %ge3A_171 = arith.constant 2 : i32
      %ge3A_172 = arith.cmpi sge, %add3A_170, %ge3A_171 : i32
      %convert_element_type3A_173 = arith.extui %ge3A_172 : i1 to i32
      %cond3A_174 = arith.constant 0 : i32
      %cond3A_175 = arith.cmpi ne, %convert_element_type3A_173, %cond3A_174 : i32
      scf.if %cond3A_175 {
        %sub3A = arith.constant 2 : i32
        %sub3A_195 = arith.subi %add3A_170, %sub3A : i32
        %mul3A_196 = arith.constant 48 : i32
        %mul3A_197 = arith.muli %sub3A_195, %mul3A_196 : i32
        %dma_wait3A_198 = tpu.memref_slice %arg8[%mul3A_197] : memref<10080xi32, #tpu.memory_space<vmem>> -> memref<48xi32, #tpu.memory_space<vmem>>
        %dma_wait3A_199 = arith.constant 0 : i32
        %dma_wait3A_200 = arith.constant 0 : i32
        %dma_wait3A_201 = tpu.memref_slice %arg14[%dma_wait3A_199, %dma_wait3A_200] : memref<10016x128xf32, #tpu.memory_space<vmem_shared>> -> memref<10016x128xf32, #tpu.memory_space<vmem_shared>>
        tpu.wait_indirect_dma semaphore(%arg22 : memref<!tpu.dma_semaphore, #tpu.memory_space<semaphore_mem>>) src(%arg11 : memref<48x128xf32, #tpu.memory_space<vmem>>) dst(%dma_wait3A_201 : memref<10016x128xf32, #tpu.memory_space<vmem_shared>>)
      } else {
      }
      %add3A_176 = arith.constant 3 : i32
      %add3A_177 = arith.addi %add3A_170, %add3A_176 : i32
      %lt3A_178 = arith.constant 210 : i32
      %lt3A_179 = arith.cmpi slt, %add3A_177, %lt3A_178 : i32
      %convert_element_type3A_180 = arith.extui %lt3A_179 : i1 to i32
      %cond3A_181 = arith.constant 0 : i32
      %cond3A_182 = arith.cmpi ne, %convert_element_type3A_180, %cond3A_181 : i32
      scf.if %cond3A_182 {
        %add3A_195 = arith.constant 3 : i32
        %add3A_196 = arith.addi %add3A_170, %add3A_195 : i32
        %mul3A_197 = arith.constant 48 : i32
        %mul3A_198 = arith.muli %add3A_196, %mul3A_197 : i32
        %dma_start3A_199 = tpu.memref_slice %arg7[%mul3A_198] : memref<10080xi32, #tpu.memory_space<vmem>> -> memref<48xi32, #tpu.memory_space<vmem>>
        %dma_start3A_200 = arith.constant 0 : i32
        %dma_start3A_201 = arith.constant 0 : i32
        %dma_start3A_202 = tpu.memref_slice %arg2[%dma_start3A_200, %dma_start3A_201] : memref<10000x128xf32, #tpu.memory_space<hbm>> -> memref<10000x128xf32, #tpu.memory_space<hbm>>
        tpu.enqueue_indirect_dma source(%dma_start3A_202 : memref<10000x128xf32, #tpu.memory_space<hbm>>) target(%arg11 : memref<48x128xf32, #tpu.memory_space<vmem>>) offsets(%dma_start3A_199 : memref<48xi32, #tpu.memory_space<vmem>>) semaphore(%arg17 : memref<!tpu.dma_semaphore, #tpu.memory_space<semaphore_mem>>)
      } else {
      }
      %mul3A_183 = arith.constant 48 : i32
      %mul3A_184 = arith.muli %add3A_170, %mul3A_183 : i32
      %dma_wait3A_185 = tpu.memref_slice %arg7[%mul3A_184] : memref<10080xi32, #tpu.memory_space<vmem>> -> memref<48xi32, #tpu.memory_space<vmem>>
      %dma_wait3A_186 = arith.constant 0 : i32
      %dma_wait3A_187 = arith.constant 0 : i32
      %dma_wait3A_188 = tpu.memref_slice %arg2[%dma_wait3A_186, %dma_wait3A_187] : memref<10000x128xf32, #tpu.memory_space<hbm>> -> memref<10000x128xf32, #tpu.memory_space<hbm>>
      tpu.wait_indirect_dma semaphore(%arg19 : memref<!tpu.dma_semaphore, #tpu.memory_space<semaphore_mem>>) src(%dma_wait3A_188 : memref<10000x128xf32, #tpu.memory_space<hbm>>) dst(%arg13 : memref<48x128xf32, #tpu.memory_space<vmem>>)
      %mul3A_189 = arith.constant 48 : i32
      %mul3A_190 = arith.muli %add3A_170, %mul3A_189 : i32
      %dma_start3A_191 = tpu.memref_slice %arg8[%mul3A_190] : memref<10080xi32, #tpu.memory_space<vmem>> -> memref<48xi32, #tpu.memory_space<vmem>>
      %dma_start3A_192 = arith.constant 0 : i32
      %dma_start3A_193 = arith.constant 0 : i32
      %dma_start3A_194 = tpu.memref_slice %arg14[%dma_start3A_192, %dma_start3A_193] : memref<10016x128xf32, #tpu.memory_space<vmem_shared>> -> memref<10016x128xf32, #tpu.memory_space<vmem_shared>>
      tpu.enqueue_indirect_dma source(%arg13 : memref<48x128xf32, #tpu.memory_space<vmem>>) target(%dma_start3A_194 : memref<10016x128xf32, #tpu.memory_space<vmem_shared>>) offsets(%dma_start3A_191 : memref<48xi32, #tpu.memory_space<vmem>>) semaphore(%arg24 : memref<!tpu.dma_semaphore, #tpu.memory_space<semaphore_mem>>) {add = true}
    }
    %scan3A_32 = arith.constant 42 : i32
    %dma_wait3A_33 = arith.constant 9984 : i32
    %dma_wait3A_34 = tpu.memref_slice %arg8[%dma_wait3A_33] : memref<10080xi32, #tpu.memory_space<vmem>> -> memref<48xi32, #tpu.memory_space<vmem>>
    %dma_wait3A_35 = arith.constant 0 : i32
    %dma_wait3A_36 = arith.constant 0 : i32
    %dma_wait3A_37 = tpu.memref_slice %arg14[%dma_wait3A_35, %dma_wait3A_36] : memref<10016x128xf32, #tpu.memory_space<vmem_shared>> -> memref<10016x128xf32, #tpu.memory_space<vmem_shared>>
    tpu.wait_indirect_dma semaphore(%arg23 : memref<!tpu.dma_semaphore, #tpu.memory_space<semaphore_mem>>) src(%arg12 : memref<48x128xf32, #tpu.memory_space<vmem>>) dst(%dma_wait3A_37 : memref<10016x128xf32, #tpu.memory_space<vmem_shared>>)
    %dma_wait3A_38 = arith.constant 10032 : i32
    %dma_wait3A_39 = tpu.memref_slice %arg8[%dma_wait3A_38] : memref<10080xi32, #tpu.memory_space<vmem>> -> memref<48xi32, #tpu.memory_space<vmem>>
    %dma_wait3A_40 = arith.constant 0 : i32
    %dma_wait3A_41 = arith.constant 0 : i32
    %dma_wait3A_42 = tpu.memref_slice %arg14[%dma_wait3A_40, %dma_wait3A_41] : memref<10016x128xf32, #tpu.memory_space<vmem_shared>> -> memref<10016x128xf32, #tpu.memory_space<vmem_shared>>
    tpu.wait_indirect_dma semaphore(%arg24 : memref<!tpu.dma_semaphore, #tpu.memory_space<semaphore_mem>>) src(%arg13 : memref<48x128xf32, #tpu.memory_space<vmem>>) dst(%dma_wait3A_42 : memref<10016x128xf32, #tpu.memory_space<vmem_shared>>)
    %barrier3A_43 = arith.constant 0 : index
    tpu.barrier barrier_id(%barrier3A_43)
    %mul3A_44 = arith.constant 624 : i32
    %mul3A_45 = arith.muli %arg1, %mul3A_44 : i32
    %mul3A_46 = arith.constant 10000 : i32
    %mul3A_47 = arith.muli %arg0, %mul3A_46 : i32
    %mul3A_48 = arith.constant 624 : i32
    %mul3A_49 = arith.muli %arg1, %mul3A_48 : i32
    %add3A_50 = arith.addi %mul3A_47, %mul3A_49 : i32
    "tpu.region"() ({
      %run_scoped3A = tpu.sem_alloc : memref<!tpu.dma_semaphore, #tpu.memory_space<semaphore_mem>>
      %dma_start3A_56 = arith.constant 0 : i32
      %dma_start3A_57 = tpu.memref_slice %arg6[%add3A_50, %dma_start3A_56] : memref<20000x128xf32, #tpu.memory_space<hbm>> -> memref<624x128xf32, #tpu.memory_space<hbm>>
      %dma_start3A_58 = arith.constant 0 : i32
      %dma_start3A_59 = tpu.memref_slice %arg14[%mul3A_45, %dma_start3A_58] : memref<10016x128xf32, #tpu.memory_space<vmem_shared>> -> memref<624x128xf32, #tpu.memory_space<vmem_shared>>
      tpu.enqueue_dma source(%dma_start3A_59 : memref<624x128xf32, #tpu.memory_space<vmem_shared>>) target(%dma_start3A_57 : memref<624x128xf32, #tpu.memory_space<hbm>>) target_semaphore(%run_scoped3A : memref<!tpu.dma_semaphore, #tpu.memory_space<semaphore_mem>>)
      %dma_wait3A_60 = arith.constant 0 : i32
      %dma_wait3A_61 = tpu.memref_slice %arg6[%add3A_50, %dma_wait3A_60] : memref<20000x128xf32, #tpu.memory_space<hbm>> -> memref<624x128xf32, #tpu.memory_space<hbm>>
      %dma_wait3A_62 = arith.constant 0 : i32
      %dma_wait3A_63 = tpu.memref_slice %arg14[%mul3A_45, %dma_wait3A_62] : memref<10016x128xf32, #tpu.memory_space<vmem_shared>> -> memref<624x128xf32, #tpu.memory_space<vmem_shared>>
      tpu.wait_dma2 semaphore(%run_scoped3A : memref<!tpu.dma_semaphore, #tpu.memory_space<semaphore_mem>>) src(%dma_wait3A_63 : memref<624x128xf32, #tpu.memory_space<vmem_shared>>) dst(%dma_wait3A_61 : memref<624x128xf32, #tpu.memory_space<hbm>>)
      tpu.yield
    }) : () -> ()
    %eq3A_51 = arith.constant 0 : i32
    %eq3A_52 = arith.cmpi eq, %arg1, %eq3A_51 : i32
    %convert_element_type3A_53 = arith.extui %eq3A_52 : i1 to i32
    %cond3A_54 = arith.constant 0 : i32
    %cond3A_55 = arith.cmpi ne, %convert_element_type3A_53, %cond3A_54 : i32
    scf.if %cond3A_55 {
      %mul3A_56 = arith.constant 10000 : i32
      %mul3A_57 = arith.muli %arg0, %mul3A_56 : i32
      %add3A_58 = arith.constant 9984 : i32
      %add3A_59 = arith.addi %mul3A_57, %add3A_58 : i32
      "tpu.region"() ({
        %run_scoped3A = tpu.sem_alloc : memref<!tpu.dma_semaphore, #tpu.memory_space<semaphore_mem>>
        %dma_start3A_60 = arith.constant 0 : i32
        %dma_start3A_61 = tpu.memref_slice %arg6[%add3A_59, %dma_start3A_60] : memref<20000x128xf32, #tpu.memory_space<hbm>> -> memref<16x128xf32, #tpu.memory_space<hbm>>
        %dma_start3A_62 = arith.constant 9984 : i32
        %dma_start3A_63 = arith.constant 0 : i32
        %dma_start3A_64 = tpu.memref_slice %arg14[%dma_start3A_62, %dma_start3A_63] : memref<10016x128xf32, #tpu.memory_space<vmem_shared>> -> memref<16x128xf32, #tpu.memory_space<vmem_shared>>
        tpu.enqueue_dma source(%dma_start3A_64 : memref<16x128xf32, #tpu.memory_space<vmem_shared>>) target(%dma_start3A_61 : memref<16x128xf32, #tpu.memory_space<hbm>>) target_semaphore(%run_scoped3A : memref<!tpu.dma_semaphore, #tpu.memory_space<semaphore_mem>>)
        %dma_wait3A_65 = arith.constant 0 : i32
        %dma_wait3A_66 = tpu.memref_slice %arg6[%add3A_59, %dma_wait3A_65] : memref<20000x128xf32, #tpu.memory_space<hbm>> -> memref<16x128xf32, #tpu.memory_space<hbm>>
        %dma_wait3A_67 = arith.constant 9984 : i32
        %dma_wait3A_68 = arith.constant 0 : i32
        %dma_wait3A_69 = tpu.memref_slice %arg14[%dma_wait3A_67, %dma_wait3A_68] : memref<10016x128xf32, #tpu.memory_space<vmem_shared>> -> memref<16x128xf32, #tpu.memory_space<vmem_shared>>
        tpu.wait_dma2 semaphore(%run_scoped3A : memref<!tpu.dma_semaphore, #tpu.memory_space<semaphore_mem>>) src(%dma_wait3A_69 : memref<16x128xf32, #tpu.memory_space<vmem_shared>>) dst(%dma_wait3A_66 : memref<16x128xf32, #tpu.memory_space<hbm>>)
        tpu.yield
      }) : () -> ()
    } else {
    }
    return
  }
}

#map = affine_map<(d0, d1) -> (0, 0)>
module attributes {stable_mosaic.version = 14 : i64} {
  func.func @_agg_impl(%arg0: i32, %arg1: i32, %arg2: memref<10000x128xf32, #tpu.memory_space<hbm>>, %arg3: memref<32x10080xi32, #tpu.memory_space<hbm>>, %arg4: memref<32x10080xi32, #tpu.memory_space<hbm>>, %arg5: memref<10016x128xf32, #tpu.memory_space<hbm>>, %arg6: memref<20000x128xf32, #tpu.memory_space<hbm>>, %arg7: memref<10080xi32, #tpu.memory_space<vmem>>, %arg8: memref<10080xi32, #tpu.memory_space<vmem>>, %arg9: memref<48x128xf32, #tpu.memory_space<vmem>>, %arg10: memref<48x128xf32, #tpu.memory_space<vmem>>, %arg11: memref<48x128xf32, #tpu.memory_space<vmem>>, %arg12: memref<48x128xf32, #tpu.memory_space<vmem>>, %arg13: memref<48x128xf32, #tpu.memory_space<vmem>>, %arg14: memref<10016x128xf32, #tpu.memory_space<vmem_shared>>, %arg15: memref<!tpu.dma_semaphore, #tpu.memory_space<semaphore_mem>>, %arg16: memref<!tpu.dma_semaphore, #tpu.memory_space<semaphore_mem>>, %arg17: memref<!tpu.dma_semaphore, #tpu.memory_space<semaphore_mem>>, %arg18: memref<!tpu.dma_semaphore, #tpu.memory_space<semaphore_mem>>, %arg19: memref<!tpu.dma_semaphore, #tpu.memory_space<semaphore_mem>>, %arg20: memref<!tpu.dma_semaphore, #tpu.memory_space<semaphore_mem>>, %arg21: memref<!tpu.dma_semaphore, #tpu.memory_space<semaphore_mem>>, %arg22: memref<!tpu.dma_semaphore, #tpu.memory_space<semaphore_mem>>, %arg23: memref<!tpu.dma_semaphore, #tpu.memory_space<semaphore_mem>>, %arg24: memref<!tpu.dma_semaphore, #tpu.memory_space<semaphore_mem>>, %arg25: memref<!tpu.dma_semaphore, #tpu.memory_space<semaphore_mem>>) attributes {dimension_semantics = [#tpu.dimension_semantics<core_parallel>, #tpu.dimension_semantics<subcore_parallel>], iteration_bounds = array<i64: 2, 16>, scalar_prefetch = 0 : i64, scratch_operands = 19 : i64, tpu.core_type = #tpu.core_type<sc_vector_subcore>, window_params = [{transform_indices = #map}, {transform_indices = #map}, {transform_indices = #map}, {transform_indices = #map}, {transform_indices = #map}]} {
    %mul3A = arith.constant 16 : i32
    %mul3A_0 = arith.muli %arg0, %mul3A : i32
    %add3A = arith.addi %mul3A_0, %arg1 : i32
    %mul3A_1 = arith.constant 624 : i32
    %mul3A_2 = arith.muli %arg1, %mul3A_1 : i32
    %mul3A_3 = arith.constant 624 : i32
    %mul3A_4 = arith.muli %arg1, %mul3A_3 : i32
    %dma_start3A = arith.constant 0 : i32
    %dma_start3A_5 = tpu.memref_slice %arg14[%mul3A_4, %dma_start3A] : memref<10016x128xf32, #tpu.memory_space<vmem_shared>> -> memref<624x128xf32, #tpu.memory_space<vmem_shared>>
    %dma_start3A_6 = arith.constant 0 : i32
    %dma_start3A_7 = tpu.memref_slice %arg5[%mul3A_2, %dma_start3A_6] : memref<10016x128xf32, #tpu.memory_space<hbm>> -> memref<624x128xf32, #tpu.memory_space<hbm>>
    tpu.enqueue_dma source(%dma_start3A_7 : memref<624x128xf32, #tpu.memory_space<hbm>>) target(%dma_start3A_5 : memref<624x128xf32, #tpu.memory_space<vmem_shared>>) target_semaphore(%arg25 : memref<!tpu.dma_semaphore, #tpu.memory_space<semaphore_mem>>)
    %eq3A = arith.constant 0 : i32
    %eq3A_8 = arith.cmpi eq, %arg1, %eq3A : i32
    %convert_element_type3A = arith.extui %eq3A_8 : i1 to i32
    %cond3A = arith.constant 0 : i32
    %cond3A_9 = arith.cmpi ne, %convert_element_type3A, %cond3A : i32
    scf.if %cond3A_9 {
      "tpu.region"() ({
        %run_scoped3A = tpu.sem_alloc : memref<!tpu.dma_semaphore, #tpu.memory_space<semaphore_mem>>
        %dma_start3A_56 = arith.constant 9984 : i32
        %dma_start3A_57 = arith.constant 0 : i32
        %dma_start3A_58 = tpu.memref_slice %arg14[%dma_start3A_56, %dma_start3A_57] : memref<10016x128xf32, #tpu.memory_space<vmem_shared>> -> memref<32x128xf32, #tpu.memory_space<vmem_shared>>
        %dma_start3A_59 = arith.constant 9984 : i32
        %dma_start3A_60 = arith.constant 0 : i32
        %dma_start3A_61 = tpu.memref_slice %arg5[%dma_start3A_59, %dma_start3A_60] : memref<10016x128xf32, #tpu.memory_space<hbm>> -> memref<32x128xf32, #tpu.memory_space<hbm>>
        tpu.enqueue_dma source(%dma_start3A_61 : memref<32x128xf32, #tpu.memory_space<hbm>>) target(%dma_start3A_58 : memref<32x128xf32, #tpu.memory_space<vmem_shared>>) target_semaphore(%run_scoped3A : memref<!tpu.dma_semaphore, #tpu.memory_space<semaphore_mem>>)
        %dma_wait3A_62 = arith.constant 9984 : i32
        %dma_wait3A_63 = arith.constant 0 : i32
        %dma_wait3A_64 = tpu.memref_slice %arg14[%dma_wait3A_62, %dma_wait3A_63] : memref<10016x128xf32, #tpu.memory_space<vmem_shared>> -> memref<32x128xf32, #tpu.memory_space<vmem_shared>>
        %dma_wait3A_65 = arith.constant 9984 : i32
        %dma_wait3A_66 = arith.constant 0 : i32
        %dma_wait3A_67 = tpu.memref_slice %arg5[%dma_wait3A_65, %dma_wait3A_66] : memref<10016x128xf32, #tpu.memory_space<hbm>> -> memref<32x128xf32, #tpu.memory_space<hbm>>
        tpu.wait_dma2 semaphore(%run_scoped3A : memref<!tpu.dma_semaphore, #tpu.memory_space<semaphore_mem>>) src(%dma_wait3A_67 : memref<32x128xf32, #tpu.memory_space<hbm>>) dst(%dma_wait3A_64 : memref<32x128xf32, #tpu.memory_space<vmem_shared>>)
        tpu.yield
      }) : () -> ()
    } else {
    }
    "tpu.region"() ({
      %run_scoped3A = tpu.sem_alloc : memref<!tpu.dma_semaphore, #tpu.memory_space<semaphore_mem>>
      %dma_start3A_56 = arith.constant 0 : i32
      %dma_start3A_57 = tpu.memref_slice %arg3[%add3A, %dma_start3A_56] : memref<32x10080xi32, #tpu.memory_space<hbm>> -> memref<1x10080xi32, #tpu.memory_space<hbm>>
      %dma_start3A_58 = tpu.memref_squeeze %dma_start3A_57 : memref<1x10080xi32, #tpu.memory_space<hbm>> -> memref<10080xi32, #tpu.memory_space<hbm>>
      %dma_start3A_59 = arith.constant 0 : i32
      %dma_start3A_60 = tpu.memref_slice %arg3[%add3A, %dma_start3A_59] : memref<32x10080xi32, #tpu.memory_space<hbm>> -> memref<1x10080xi32, #tpu.memory_space<hbm>>
      %dma_start3A_61 = tpu.memref_squeeze %dma_start3A_60 : memref<1x10080xi32, #tpu.memory_space<hbm>> -> memref<10080xi32, #tpu.memory_space<hbm>>
      tpu.enqueue_dma source(%dma_start3A_61 : memref<10080xi32, #tpu.memory_space<hbm>>) target(%arg7 : memref<10080xi32, #tpu.memory_space<vmem>>) target_semaphore(%run_scoped3A : memref<!tpu.dma_semaphore, #tpu.memory_space<semaphore_mem>>)
      %dma_wait3A_62 = arith.constant 0 : i32
      %dma_wait3A_63 = tpu.memref_slice %arg3[%add3A, %dma_wait3A_62] : memref<32x10080xi32, #tpu.memory_space<hbm>> -> memref<1x10080xi32, #tpu.memory_space<hbm>>
      %dma_wait3A_64 = tpu.memref_squeeze %dma_wait3A_63 : memref<1x10080xi32, #tpu.memory_space<hbm>> -> memref<10080xi32, #tpu.memory_space<hbm>>
      %dma_wait3A_65 = arith.constant 0 : i32
      %dma_wait3A_66 = tpu.memref_slice %arg3[%add3A, %dma_wait3A_65] : memref<32x10080xi32, #tpu.memory_space<hbm>> -> memref<1x10080xi32, #tpu.memory_space<hbm>>
      %dma_wait3A_67 = tpu.memref_squeeze %dma_wait3A_66 : memref<1x10080xi32, #tpu.memory_space<hbm>> -> memref<10080xi32, #tpu.memory_space<hbm>>
      tpu.wait_dma2 semaphore(%run_scoped3A : memref<!tpu.dma_semaphore, #tpu.memory_space<semaphore_mem>>) src(%dma_wait3A_67 : memref<10080xi32, #tpu.memory_space<hbm>>) dst(%arg7 : memref<10080xi32, #tpu.memory_space<vmem>>)
      tpu.yield
    }) : () -> ()
    "tpu.region"() ({
      %run_scoped3A = tpu.sem_alloc : memref<!tpu.dma_semaphore, #tpu.memory_space<semaphore_mem>>
      %dma_start3A_56 = arith.constant 0 : i32
      %dma_start3A_57 = tpu.memref_slice %arg4[%add3A, %dma_start3A_56] : memref<32x10080xi32, #tpu.memory_space<hbm>> -> memref<1x10080xi32, #tpu.memory_space<hbm>>
      %dma_start3A_58 = tpu.memref_squeeze %dma_start3A_57 : memref<1x10080xi32, #tpu.memory_space<hbm>> -> memref<10080xi32, #tpu.memory_space<hbm>>
      %dma_start3A_59 = arith.constant 0 : i32
      %dma_start3A_60 = tpu.memref_slice %arg4[%add3A, %dma_start3A_59] : memref<32x10080xi32, #tpu.memory_space<hbm>> -> memref<1x10080xi32, #tpu.memory_space<hbm>>
      %dma_start3A_61 = tpu.memref_squeeze %dma_start3A_60 : memref<1x10080xi32, #tpu.memory_space<hbm>> -> memref<10080xi32, #tpu.memory_space<hbm>>
      tpu.enqueue_dma source(%dma_start3A_61 : memref<10080xi32, #tpu.memory_space<hbm>>) target(%arg8 : memref<10080xi32, #tpu.memory_space<vmem>>) target_semaphore(%run_scoped3A : memref<!tpu.dma_semaphore, #tpu.memory_space<semaphore_mem>>)
      %dma_wait3A_62 = arith.constant 0 : i32
      %dma_wait3A_63 = tpu.memref_slice %arg4[%add3A, %dma_wait3A_62] : memref<32x10080xi32, #tpu.memory_space<hbm>> -> memref<1x10080xi32, #tpu.memory_space<hbm>>
      %dma_wait3A_64 = tpu.memref_squeeze %dma_wait3A_63 : memref<1x10080xi32, #tpu.memory_space<hbm>> -> memref<10080xi32, #tpu.memory_space<hbm>>
      %dma_wait3A_65 = arith.constant 0 : i32
      %dma_wait3A_66 = tpu.memref_slice %arg4[%add3A, %dma_wait3A_65] : memref<32x10080xi32, #tpu.memory_space<hbm>> -> memref<1x10080xi32, #tpu.memory_space<hbm>>
      %dma_wait3A_67 = tpu.memref_squeeze %dma_wait3A_66 : memref<1x10080xi32, #tpu.memory_space<hbm>> -> memref<10080xi32, #tpu.memory_space<hbm>>
      tpu.wait_dma2 semaphore(%run_scoped3A : memref<!tpu.dma_semaphore, #tpu.memory_space<semaphore_mem>>) src(%dma_wait3A_67 : memref<10080xi32, #tpu.memory_space<hbm>>) dst(%arg8 : memref<10080xi32, #tpu.memory_space<vmem>>)
      tpu.yield
    }) : () -> ()
    %dma_start3A_10 = arith.constant 0 : i32
    %dma_start3A_11 = tpu.memref_slice %arg7[%dma_start3A_10] : memref<10080xi32, #tpu.memory_space<vmem>> -> memref<48xi32, #tpu.memory_space<vmem>>
    %dma_start3A_12 = arith.constant 0 : i32
    %dma_start3A_13 = arith.constant 0 : i32
    %dma_start3A_14 = tpu.memref_slice %arg2[%dma_start3A_12, %dma_start3A_13] : memref<10000x128xf32, #tpu.memory_space<hbm>> -> memref<10000x128xf32, #tpu.memory_space<hbm>>
    tpu.enqueue_indirect_dma source(%dma_start3A_14 : memref<10000x128xf32, #tpu.memory_space<hbm>>) target(%arg9 : memref<48x128xf32, #tpu.memory_space<vmem>>) offsets(%dma_start3A_11 : memref<48xi32, #tpu.memory_space<vmem>>) semaphore(%arg15 : memref<!tpu.dma_semaphore, #tpu.memory_space<semaphore_mem>>)
    %dma_start3A_15 = arith.constant 48 : i32
    %dma_start3A_16 = tpu.memref_slice %arg7[%dma_start3A_15] : memref<10080xi32, #tpu.memory_space<vmem>> -> memref<48xi32, #tpu.memory_space<vmem>>
    %dma_start3A_17 = arith.constant 0 : i32
    %dma_start3A_18 = arith.constant 0 : i32
    %dma_start3A_19 = tpu.memref_slice %arg2[%dma_start3A_17, %dma_start3A_18] : memref<10000x128xf32, #tpu.memory_space<hbm>> -> memref<10000x128xf32, #tpu.memory_space<hbm>>
    tpu.enqueue_indirect_dma source(%dma_start3A_19 : memref<10000x128xf32, #tpu.memory_space<hbm>>) target(%arg10 : memref<48x128xf32, #tpu.memory_space<vmem>>) offsets(%dma_start3A_16 : memref<48xi32, #tpu.memory_space<vmem>>) semaphore(%arg16 : memref<!tpu.dma_semaphore, #tpu.memory_space<semaphore_mem>>)
    %dma_start3A_20 = arith.constant 96 : i32
    %dma_start3A_21 = tpu.memref_slice %arg7[%dma_start3A_20] : memref<10080xi32, #tpu.memory_space<vmem>> -> memref<48xi32, #tpu.memory_space<vmem>>
    %dma_start3A_22 = arith.constant 0 : i32
    %dma_start3A_23 = arith.constant 0 : i32
    %dma_start3A_24 = tpu.memref_slice %arg2[%dma_start3A_22, %dma_start3A_23] : memref<10000x128xf32, #tpu.memory_space<hbm>> -> memref<10000x128xf32, #tpu.memory_space<hbm>>
    tpu.enqueue_indirect_dma source(%dma_start3A_24 : memref<10000x128xf32, #tpu.memory_space<hbm>>) target(%arg11 : memref<48x128xf32, #tpu.memory_space<vmem>>) offsets(%dma_start3A_21 : memref<48xi32, #tpu.memory_space<vmem>>) semaphore(%arg17 : memref<!tpu.dma_semaphore, #tpu.memory_space<semaphore_mem>>)
    %dma_wait3A = arith.constant 0 : i32
    %dma_wait3A_25 = tpu.memref_slice %arg14[%mul3A_4, %dma_wait3A] : memref<10016x128xf32, #tpu.memory_space<vmem_shared>> -> memref<624x128xf32, #tpu.memory_space<vmem_shared>>
    %dma_wait3A_26 = arith.constant 0 : i32
    %dma_wait3A_27 = tpu.memref_slice %arg5[%mul3A_2, %dma_wait3A_26] : memref<10016x128xf32, #tpu.memory_space<hbm>> -> memref<624x128xf32, #tpu.memory_space<hbm>>
    tpu.wait_dma2 semaphore(%arg25 : memref<!tpu.dma_semaphore, #tpu.memory_space<semaphore_mem>>) src(%dma_wait3A_27 : memref<624x128xf32, #tpu.memory_space<hbm>>) dst(%dma_wait3A_25 : memref<624x128xf32, #tpu.memory_space<vmem_shared>>)
    %barrier3A = arith.constant 0 : index
    tpu.barrier barrier_id(%barrier3A)
    %scan3A = arith.constant 0 : i32
    %scan3A_28 = arith.constant 0 : i32
    %scan3A_29 = arith.constant 42 : i32
    %scan3A_30 = arith.addi %scan3A_28, %scan3A_29 : i32
    %scan3A_31 = arith.constant 1 : i32
    scf.for %scan3A_56 = %scan3A_28 to %scan3A_30 step %scan3A_31  : i32 {
      %mul3A_57 = arith.constant 5 : i32
      %mul3A_58 = arith.muli %mul3A_57, %scan3A_56 : i32
      %add3A_59 = arith.constant 0 : i32
      %add3A_60 = arith.addi %mul3A_58, %add3A_59 : i32
      %ge3A = arith.constant 2 : i32
      %ge3A_61 = arith.cmpi sge, %add3A_60, %ge3A : i32
      %convert_element_type3A_62 = arith.extui %ge3A_61 : i1 to i32
      %cond3A_63 = arith.constant 0 : i32
      %cond3A_64 = arith.cmpi ne, %convert_element_type3A_62, %cond3A_63 : i32
      scf.if %cond3A_64 {
        %sub3A = arith.constant 2 : i32
        %sub3A_195 = arith.subi %add3A_60, %sub3A : i32
        %mul3A_196 = arith.constant 48 : i32
        %mul3A_197 = arith.muli %sub3A_195, %mul3A_196 : i32
        %dma_wait3A_198 = tpu.memref_slice %arg8[%mul3A_197] : memref<10080xi32, #tpu.memory_space<vmem>> -> memref<48xi32, #tpu.memory_space<vmem>>
        %dma_wait3A_199 = arith.constant 0 : i32
        %dma_wait3A_200 = arith.constant 0 : i32
        %dma_wait3A_201 = tpu.memref_slice %arg14[%dma_wait3A_199, %dma_wait3A_200] : memref<10016x128xf32, #tpu.memory_space<vmem_shared>> -> memref<10016x128xf32, #tpu.memory_space<vmem_shared>>
        tpu.wait_indirect_dma semaphore(%arg23 : memref<!tpu.dma_semaphore, #tpu.memory_space<semaphore_mem>>) src(%arg12 : memref<48x128xf32, #tpu.memory_space<vmem>>) dst(%dma_wait3A_201 : memref<10016x128xf32, #tpu.memory_space<vmem_shared>>)
      } else {
      }
      %add3A_65 = arith.constant 3 : i32
      %add3A_66 = arith.addi %add3A_60, %add3A_65 : i32
      %lt3A = arith.constant 210 : i32
      %lt3A_67 = arith.cmpi slt, %add3A_66, %lt3A : i32
      %convert_element_type3A_68 = arith.extui %lt3A_67 : i1 to i32
      %cond3A_69 = arith.constant 0 : i32
      %cond3A_70 = arith.cmpi ne, %convert_element_type3A_68, %cond3A_69 : i32
      scf.if %cond3A_70 {
        %add3A_195 = arith.constant 3 : i32
        %add3A_196 = arith.addi %add3A_60, %add3A_195 : i32
        %mul3A_197 = arith.constant 48 : i32
        %mul3A_198 = arith.muli %add3A_196, %mul3A_197 : i32
        %dma_start3A_199 = tpu.memref_slice %arg7[%mul3A_198] : memref<10080xi32, #tpu.memory_space<vmem>> -> memref<48xi32, #tpu.memory_space<vmem>>
        %dma_start3A_200 = arith.constant 0 : i32
        %dma_start3A_201 = arith.constant 0 : i32
        %dma_start3A_202 = tpu.memref_slice %arg2[%dma_start3A_200, %dma_start3A_201] : memref<10000x128xf32, #tpu.memory_space<hbm>> -> memref<10000x128xf32, #tpu.memory_space<hbm>>
        tpu.enqueue_indirect_dma source(%dma_start3A_202 : memref<10000x128xf32, #tpu.memory_space<hbm>>) target(%arg12 : memref<48x128xf32, #tpu.memory_space<vmem>>) offsets(%dma_start3A_199 : memref<48xi32, #tpu.memory_space<vmem>>) semaphore(%arg18 : memref<!tpu.dma_semaphore, #tpu.memory_space<semaphore_mem>>)
      } else {
      }
      %mul3A_71 = arith.constant 48 : i32
      %mul3A_72 = arith.muli %add3A_60, %mul3A_71 : i32
      %dma_wait3A_73 = tpu.memref_slice %arg7[%mul3A_72] : memref<10080xi32, #tpu.memory_space<vmem>> -> memref<48xi32, #tpu.memory_space<vmem>>
      %dma_wait3A_74 = arith.constant 0 : i32
      %dma_wait3A_75 = arith.constant 0 : i32
      %dma_wait3A_76 = tpu.memref_slice %arg2[%dma_wait3A_74, %dma_wait3A_75] : memref<10000x128xf32, #tpu.memory_space<hbm>> -> memref<10000x128xf32, #tpu.memory_space<hbm>>
      tpu.wait_indirect_dma semaphore(%arg15 : memref<!tpu.dma_semaphore, #tpu.memory_space<semaphore_mem>>) src(%dma_wait3A_76 : memref<10000x128xf32, #tpu.memory_space<hbm>>) dst(%arg9 : memref<48x128xf32, #tpu.memory_space<vmem>>)
      %mul3A_77 = arith.constant 48 : i32
      %mul3A_78 = arith.muli %add3A_60, %mul3A_77 : i32
      %dma_start3A_79 = tpu.memref_slice %arg8[%mul3A_78] : memref<10080xi32, #tpu.memory_space<vmem>> -> memref<48xi32, #tpu.memory_space<vmem>>
      %dma_start3A_80 = arith.constant 0 : i32
      %dma_start3A_81 = arith.constant 0 : i32
      %dma_start3A_82 = tpu.memref_slice %arg14[%dma_start3A_80, %dma_start3A_81] : memref<10016x128xf32, #tpu.memory_space<vmem_shared>> -> memref<10016x128xf32, #tpu.memory_space<vmem_shared>>
      tpu.enqueue_indirect_dma source(%arg9 : memref<48x128xf32, #tpu.memory_space<vmem>>) target(%dma_start3A_82 : memref<10016x128xf32, #tpu.memory_space<vmem_shared>>) offsets(%dma_start3A_79 : memref<48xi32, #tpu.memory_space<vmem>>) semaphore(%arg20 : memref<!tpu.dma_semaphore, #tpu.memory_space<semaphore_mem>>) {add = true}
      %mul3A_83 = arith.constant 5 : i32
      %mul3A_84 = arith.muli %mul3A_83, %scan3A_56 : i32
      %add3A_85 = arith.constant 1 : i32
      %add3A_86 = arith.addi %mul3A_84, %add3A_85 : i32
      %ge3A_87 = arith.constant 2 : i32
      %ge3A_88 = arith.cmpi sge, %add3A_86, %ge3A_87 : i32
      %convert_element_type3A_89 = arith.extui %ge3A_88 : i1 to i32
      %cond3A_90 = arith.constant 0 : i32
      %cond3A_91 = arith.cmpi ne, %convert_element_type3A_89, %cond3A_90 : i32
      scf.if %cond3A_91 {
        %sub3A = arith.constant 2 : i32
        %sub3A_195 = arith.subi %add3A_86, %sub3A : i32
        %mul3A_196 = arith.constant 48 : i32
        %mul3A_197 = arith.muli %sub3A_195, %mul3A_196 : i32
        %dma_wait3A_198 = tpu.memref_slice %arg8[%mul3A_197] : memref<10080xi32, #tpu.memory_space<vmem>> -> memref<48xi32, #tpu.memory_space<vmem>>
        %dma_wait3A_199 = arith.constant 0 : i32
        %dma_wait3A_200 = arith.constant 0 : i32
        %dma_wait3A_201 = tpu.memref_slice %arg14[%dma_wait3A_199, %dma_wait3A_200] : memref<10016x128xf32, #tpu.memory_space<vmem_shared>> -> memref<10016x128xf32, #tpu.memory_space<vmem_shared>>
        tpu.wait_indirect_dma semaphore(%arg24 : memref<!tpu.dma_semaphore, #tpu.memory_space<semaphore_mem>>) src(%arg13 : memref<48x128xf32, #tpu.memory_space<vmem>>) dst(%dma_wait3A_201 : memref<10016x128xf32, #tpu.memory_space<vmem_shared>>)
      } else {
      }
      %add3A_92 = arith.constant 3 : i32
      %add3A_93 = arith.addi %add3A_86, %add3A_92 : i32
      %lt3A_94 = arith.constant 210 : i32
      %lt3A_95 = arith.cmpi slt, %add3A_93, %lt3A_94 : i32
      %convert_element_type3A_96 = arith.extui %lt3A_95 : i1 to i32
      %cond3A_97 = arith.constant 0 : i32
      %cond3A_98 = arith.cmpi ne, %convert_element_type3A_96, %cond3A_97 : i32
      scf.if %cond3A_98 {
        %add3A_195 = arith.constant 3 : i32
        %add3A_196 = arith.addi %add3A_86, %add3A_195 : i32
        %mul3A_197 = arith.constant 48 : i32
        %mul3A_198 = arith.muli %add3A_196, %mul3A_197 : i32
        %dma_start3A_199 = tpu.memref_slice %arg7[%mul3A_198] : memref<10080xi32, #tpu.memory_space<vmem>> -> memref<48xi32, #tpu.memory_space<vmem>>
        %dma_start3A_200 = arith.constant 0 : i32
        %dma_start3A_201 = arith.constant 0 : i32
        %dma_start3A_202 = tpu.memref_slice %arg2[%dma_start3A_200, %dma_start3A_201] : memref<10000x128xf32, #tpu.memory_space<hbm>> -> memref<10000x128xf32, #tpu.memory_space<hbm>>
        tpu.enqueue_indirect_dma source(%dma_start3A_202 : memref<10000x128xf32, #tpu.memory_space<hbm>>) target(%arg13 : memref<48x128xf32, #tpu.memory_space<vmem>>) offsets(%dma_start3A_199 : memref<48xi32, #tpu.memory_space<vmem>>) semaphore(%arg19 : memref<!tpu.dma_semaphore, #tpu.memory_space<semaphore_mem>>)
      } else {
      }
      %mul3A_99 = arith.constant 48 : i32
      %mul3A_100 = arith.muli %add3A_86, %mul3A_99 : i32
      %dma_wait3A_101 = tpu.memref_slice %arg7[%mul3A_100] : memref<10080xi32, #tpu.memory_space<vmem>> -> memref<48xi32, #tpu.memory_space<vmem>>
      %dma_wait3A_102 = arith.constant 0 : i32
      %dma_wait3A_103 = arith.constant 0 : i32
      %dma_wait3A_104 = tpu.memref_slice %arg2[%dma_wait3A_102, %dma_wait3A_103] : memref<10000x128xf32, #tpu.memory_space<hbm>> -> memref<10000x128xf32, #tpu.memory_space<hbm>>
      tpu.wait_indirect_dma semaphore(%arg16 : memref<!tpu.dma_semaphore, #tpu.memory_space<semaphore_mem>>) src(%dma_wait3A_104 : memref<10000x128xf32, #tpu.memory_space<hbm>>) dst(%arg10 : memref<48x128xf32, #tpu.memory_space<vmem>>)
      %mul3A_105 = arith.constant 48 : i32
      %mul3A_106 = arith.muli %add3A_86, %mul3A_105 : i32
      %dma_start3A_107 = tpu.memref_slice %arg8[%mul3A_106] : memref<10080xi32, #tpu.memory_space<vmem>> -> memref<48xi32, #tpu.memory_space<vmem>>
      %dma_start3A_108 = arith.constant 0 : i32
      %dma_start3A_109 = arith.constant 0 : i32
      %dma_start3A_110 = tpu.memref_slice %arg14[%dma_start3A_108, %dma_start3A_109] : memref<10016x128xf32, #tpu.memory_space<vmem_shared>> -> memref<10016x128xf32, #tpu.memory_space<vmem_shared>>
      tpu.enqueue_indirect_dma source(%arg10 : memref<48x128xf32, #tpu.memory_space<vmem>>) target(%dma_start3A_110 : memref<10016x128xf32, #tpu.memory_space<vmem_shared>>) offsets(%dma_start3A_107 : memref<48xi32, #tpu.memory_space<vmem>>) semaphore(%arg21 : memref<!tpu.dma_semaphore, #tpu.memory_space<semaphore_mem>>) {add = true}
      %mul3A_111 = arith.constant 5 : i32
      %mul3A_112 = arith.muli %mul3A_111, %scan3A_56 : i32
      %add3A_113 = arith.constant 2 : i32
      %add3A_114 = arith.addi %mul3A_112, %add3A_113 : i32
      %ge3A_115 = arith.constant 2 : i32
      %ge3A_116 = arith.cmpi sge, %add3A_114, %ge3A_115 : i32
      %convert_element_type3A_117 = arith.extui %ge3A_116 : i1 to i32
      %cond3A_118 = arith.constant 0 : i32
      %cond3A_119 = arith.cmpi ne, %convert_element_type3A_117, %cond3A_118 : i32
      scf.if %cond3A_119 {
        %sub3A = arith.constant 2 : i32
        %sub3A_195 = arith.subi %add3A_114, %sub3A : i32
        %mul3A_196 = arith.constant 48 : i32
        %mul3A_197 = arith.muli %sub3A_195, %mul3A_196 : i32
        %dma_wait3A_198 = tpu.memref_slice %arg8[%mul3A_197] : memref<10080xi32, #tpu.memory_space<vmem>> -> memref<48xi32, #tpu.memory_space<vmem>>
        %dma_wait3A_199 = arith.constant 0 : i32
        %dma_wait3A_200 = arith.constant 0 : i32
        %dma_wait3A_201 = tpu.memref_slice %arg14[%dma_wait3A_199, %dma_wait3A_200] : memref<10016x128xf32, #tpu.memory_space<vmem_shared>> -> memref<10016x128xf32, #tpu.memory_space<vmem_shared>>
        tpu.wait_indirect_dma semaphore(%arg20 : memref<!tpu.dma_semaphore, #tpu.memory_space<semaphore_mem>>) src(%arg9 : memref<48x128xf32, #tpu.memory_space<vmem>>) dst(%dma_wait3A_201 : memref<10016x128xf32, #tpu.memory_space<vmem_shared>>)
      } else {
      }
      %add3A_120 = arith.constant 3 : i32
      %add3A_121 = arith.addi %add3A_114, %add3A_120 : i32
      %lt3A_122 = arith.constant 210 : i32
      %lt3A_123 = arith.cmpi slt, %add3A_121, %lt3A_122 : i32
      %convert_element_type3A_124 = arith.extui %lt3A_123 : i1 to i32
      %cond3A_125 = arith.constant 0 : i32
      %cond3A_126 = arith.cmpi ne, %convert_element_type3A_124, %cond3A_125 : i32
      scf.if %cond3A_126 {
        %add3A_195 = arith.constant 3 : i32
        %add3A_196 = arith.addi %add3A_114, %add3A_195 : i32
        %mul3A_197 = arith.constant 48 : i32
        %mul3A_198 = arith.muli %add3A_196, %mul3A_197 : i32
        %dma_start3A_199 = tpu.memref_slice %arg7[%mul3A_198] : memref<10080xi32, #tpu.memory_space<vmem>> -> memref<48xi32, #tpu.memory_space<vmem>>
        %dma_start3A_200 = arith.constant 0 : i32
        %dma_start3A_201 = arith.constant 0 : i32
        %dma_start3A_202 = tpu.memref_slice %arg2[%dma_start3A_200, %dma_start3A_201] : memref<10000x128xf32, #tpu.memory_space<hbm>> -> memref<10000x128xf32, #tpu.memory_space<hbm>>
        tpu.enqueue_indirect_dma source(%dma_start3A_202 : memref<10000x128xf32, #tpu.memory_space<hbm>>) target(%arg9 : memref<48x128xf32, #tpu.memory_space<vmem>>) offsets(%dma_start3A_199 : memref<48xi32, #tpu.memory_space<vmem>>) semaphore(%arg15 : memref<!tpu.dma_semaphore, #tpu.memory_space<semaphore_mem>>)
      } else {
      }
      %mul3A_127 = arith.constant 48 : i32
      %mul3A_128 = arith.muli %add3A_114, %mul3A_127 : i32
      %dma_wait3A_129 = tpu.memref_slice %arg7[%mul3A_128] : memref<10080xi32, #tpu.memory_space<vmem>> -> memref<48xi32, #tpu.memory_space<vmem>>
      %dma_wait3A_130 = arith.constant 0 : i32
      %dma_wait3A_131 = arith.constant 0 : i32
      %dma_wait3A_132 = tpu.memref_slice %arg2[%dma_wait3A_130, %dma_wait3A_131] : memref<10000x128xf32, #tpu.memory_space<hbm>> -> memref<10000x128xf32, #tpu.memory_space<hbm>>
      tpu.wait_indirect_dma semaphore(%arg17 : memref<!tpu.dma_semaphore, #tpu.memory_space<semaphore_mem>>) src(%dma_wait3A_132 : memref<10000x128xf32, #tpu.memory_space<hbm>>) dst(%arg11 : memref<48x128xf32, #tpu.memory_space<vmem>>)
      %mul3A_133 = arith.constant 48 : i32
      %mul3A_134 = arith.muli %add3A_114, %mul3A_133 : i32
      %dma_start3A_135 = tpu.memref_slice %arg8[%mul3A_134] : memref<10080xi32, #tpu.memory_space<vmem>> -> memref<48xi32, #tpu.memory_space<vmem>>
      %dma_start3A_136 = arith.constant 0 : i32
      %dma_start3A_137 = arith.constant 0 : i32
      %dma_start3A_138 = tpu.memref_slice %arg14[%dma_start3A_136, %dma_start3A_137] : memref<10016x128xf32, #tpu.memory_space<vmem_shared>> -> memref<10016x128xf32, #tpu.memory_space<vmem_shared>>
      tpu.enqueue_indirect_dma source(%arg11 : memref<48x128xf32, #tpu.memory_space<vmem>>) target(%dma_start3A_138 : memref<10016x128xf32, #tpu.memory_space<vmem_shared>>) offsets(%dma_start3A_135 : memref<48xi32, #tpu.memory_space<vmem>>) semaphore(%arg22 : memref<!tpu.dma_semaphore, #tpu.memory_space<semaphore_mem>>) {add = true}
      %mul3A_139 = arith.constant 5 : i32
      %mul3A_140 = arith.muli %mul3A_139, %scan3A_56 : i32
      %add3A_141 = arith.constant 3 : i32
      %add3A_142 = arith.addi %mul3A_140, %add3A_141 : i32
      %ge3A_143 = arith.constant 2 : i32
      %ge3A_144 = arith.cmpi sge, %add3A_142, %ge3A_143 : i32
      %convert_element_type3A_145 = arith.extui %ge3A_144 : i1 to i32
      %cond3A_146 = arith.constant 0 : i32
      %cond3A_147 = arith.cmpi ne, %convert_element_type3A_145, %cond3A_146 : i32
      scf.if %cond3A_147 {
        %sub3A = arith.constant 2 : i32
        %sub3A_195 = arith.subi %add3A_142, %sub3A : i32
        %mul3A_196 = arith.constant 48 : i32
        %mul3A_197 = arith.muli %sub3A_195, %mul3A_196 : i32
        %dma_wait3A_198 = tpu.memref_slice %arg8[%mul3A_197] : memref<10080xi32, #tpu.memory_space<vmem>> -> memref<48xi32, #tpu.memory_space<vmem>>
        %dma_wait3A_199 = arith.constant 0 : i32
        %dma_wait3A_200 = arith.constant 0 : i32
        %dma_wait3A_201 = tpu.memref_slice %arg14[%dma_wait3A_199, %dma_wait3A_200] : memref<10016x128xf32, #tpu.memory_space<vmem_shared>> -> memref<10016x128xf32, #tpu.memory_space<vmem_shared>>
        tpu.wait_indirect_dma semaphore(%arg21 : memref<!tpu.dma_semaphore, #tpu.memory_space<semaphore_mem>>) src(%arg10 : memref<48x128xf32, #tpu.memory_space<vmem>>) dst(%dma_wait3A_201 : memref<10016x128xf32, #tpu.memory_space<vmem_shared>>)
      } else {
      }
      %add3A_148 = arith.constant 3 : i32
      %add3A_149 = arith.addi %add3A_142, %add3A_148 : i32
      %lt3A_150 = arith.constant 210 : i32
      %lt3A_151 = arith.cmpi slt, %add3A_149, %lt3A_150 : i32
      %convert_element_type3A_152 = arith.extui %lt3A_151 : i1 to i32
      %cond3A_153 = arith.constant 0 : i32
      %cond3A_154 = arith.cmpi ne, %convert_element_type3A_152, %cond3A_153 : i32
      scf.if %cond3A_154 {
        %add3A_195 = arith.constant 3 : i32
        %add3A_196 = arith.addi %add3A_142, %add3A_195 : i32
        %mul3A_197 = arith.constant 48 : i32
        %mul3A_198 = arith.muli %add3A_196, %mul3A_197 : i32
        %dma_start3A_199 = tpu.memref_slice %arg7[%mul3A_198] : memref<10080xi32, #tpu.memory_space<vmem>> -> memref<48xi32, #tpu.memory_space<vmem>>
        %dma_start3A_200 = arith.constant 0 : i32
        %dma_start3A_201 = arith.constant 0 : i32
        %dma_start3A_202 = tpu.memref_slice %arg2[%dma_start3A_200, %dma_start3A_201] : memref<10000x128xf32, #tpu.memory_space<hbm>> -> memref<10000x128xf32, #tpu.memory_space<hbm>>
        tpu.enqueue_indirect_dma source(%dma_start3A_202 : memref<10000x128xf32, #tpu.memory_space<hbm>>) target(%arg10 : memref<48x128xf32, #tpu.memory_space<vmem>>) offsets(%dma_start3A_199 : memref<48xi32, #tpu.memory_space<vmem>>) semaphore(%arg16 : memref<!tpu.dma_semaphore, #tpu.memory_space<semaphore_mem>>)
      } else {
      }
      %mul3A_155 = arith.constant 48 : i32
      %mul3A_156 = arith.muli %add3A_142, %mul3A_155 : i32
      %dma_wait3A_157 = tpu.memref_slice %arg7[%mul3A_156] : memref<10080xi32, #tpu.memory_space<vmem>> -> memref<48xi32, #tpu.memory_space<vmem>>
      %dma_wait3A_158 = arith.constant 0 : i32
      %dma_wait3A_159 = arith.constant 0 : i32
      %dma_wait3A_160 = tpu.memref_slice %arg2[%dma_wait3A_158, %dma_wait3A_159] : memref<10000x128xf32, #tpu.memory_space<hbm>> -> memref<10000x128xf32, #tpu.memory_space<hbm>>
      tpu.wait_indirect_dma semaphore(%arg18 : memref<!tpu.dma_semaphore, #tpu.memory_space<semaphore_mem>>) src(%dma_wait3A_160 : memref<10000x128xf32, #tpu.memory_space<hbm>>) dst(%arg12 : memref<48x128xf32, #tpu.memory_space<vmem>>)
      %mul3A_161 = arith.constant 48 : i32
      %mul3A_162 = arith.muli %add3A_142, %mul3A_161 : i32
      %dma_start3A_163 = tpu.memref_slice %arg8[%mul3A_162] : memref<10080xi32, #tpu.memory_space<vmem>> -> memref<48xi32, #tpu.memory_space<vmem>>
      %dma_start3A_164 = arith.constant 0 : i32
      %dma_start3A_165 = arith.constant 0 : i32
      %dma_start3A_166 = tpu.memref_slice %arg14[%dma_start3A_164, %dma_start3A_165] : memref<10016x128xf32, #tpu.memory_space<vmem_shared>> -> memref<10016x128xf32, #tpu.memory_space<vmem_shared>>
      tpu.enqueue_indirect_dma source(%arg12 : memref<48x128xf32, #tpu.memory_space<vmem>>) target(%dma_start3A_166 : memref<10016x128xf32, #tpu.memory_space<vmem_shared>>) offsets(%dma_start3A_163 : memref<48xi32, #tpu.memory_space<vmem>>) semaphore(%arg23 : memref<!tpu.dma_semaphore, #tpu.memory_space<semaphore_mem>>) {add = true}
      %mul3A_167 = arith.constant 5 : i32
      %mul3A_168 = arith.muli %mul3A_167, %scan3A_56 : i32
      %add3A_169 = arith.constant 4 : i32
      %add3A_170 = arith.addi %mul3A_168, %add3A_169 : i32
      %ge3A_171 = arith.constant 2 : i32
      %ge3A_172 = arith.cmpi sge, %add3A_170, %ge3A_171 : i32
      %convert_element_type3A_173 = arith.extui %ge3A_172 : i1 to i32
      %cond3A_174 = arith.constant 0 : i32
      %cond3A_175 = arith.cmpi ne, %convert_element_type3A_173, %cond3A_174 : i32
      scf.if %cond3A_175 {
        %sub3A = arith.constant 2 : i32
        %sub3A_195 = arith.subi %add3A_170, %sub3A : i32
        %mul3A_196 = arith.constant 48 : i32
        %mul3A_197 = arith.muli %sub3A_195, %mul3A_196 : i32
        %dma_wait3A_198 = tpu.memref_slice %arg8[%mul3A_197] : memref<10080xi32, #tpu.memory_space<vmem>> -> memref<48xi32, #tpu.memory_space<vmem>>
        %dma_wait3A_199 = arith.constant 0 : i32
        %dma_wait3A_200 = arith.constant 0 : i32
        %dma_wait3A_201 = tpu.memref_slice %arg14[%dma_wait3A_199, %dma_wait3A_200] : memref<10016x128xf32, #tpu.memory_space<vmem_shared>> -> memref<10016x128xf32, #tpu.memory_space<vmem_shared>>
        tpu.wait_indirect_dma semaphore(%arg22 : memref<!tpu.dma_semaphore, #tpu.memory_space<semaphore_mem>>) src(%arg11 : memref<48x128xf32, #tpu.memory_space<vmem>>) dst(%dma_wait3A_201 : memref<10016x128xf32, #tpu.memory_space<vmem_shared>>)
      } else {
      }
      %add3A_176 = arith.constant 3 : i32
      %add3A_177 = arith.addi %add3A_170, %add3A_176 : i32
      %lt3A_178 = arith.constant 210 : i32
      %lt3A_179 = arith.cmpi slt, %add3A_177, %lt3A_178 : i32
      %convert_element_type3A_180 = arith.extui %lt3A_179 : i1 to i32
      %cond3A_181 = arith.constant 0 : i32
      %cond3A_182 = arith.cmpi ne, %convert_element_type3A_180, %cond3A_181 : i32
      scf.if %cond3A_182 {
        %add3A_195 = arith.constant 3 : i32
        %add3A_196 = arith.addi %add3A_170, %add3A_195 : i32
        %mul3A_197 = arith.constant 48 : i32
        %mul3A_198 = arith.muli %add3A_196, %mul3A_197 : i32
        %dma_start3A_199 = tpu.memref_slice %arg7[%mul3A_198] : memref<10080xi32, #tpu.memory_space<vmem>> -> memref<48xi32, #tpu.memory_space<vmem>>
        %dma_start3A_200 = arith.constant 0 : i32
        %dma_start3A_201 = arith.constant 0 : i32
        %dma_start3A_202 = tpu.memref_slice %arg2[%dma_start3A_200, %dma_start3A_201] : memref<10000x128xf32, #tpu.memory_space<hbm>> -> memref<10000x128xf32, #tpu.memory_space<hbm>>
        tpu.enqueue_indirect_dma source(%dma_start3A_202 : memref<10000x128xf32, #tpu.memory_space<hbm>>) target(%arg11 : memref<48x128xf32, #tpu.memory_space<vmem>>) offsets(%dma_start3A_199 : memref<48xi32, #tpu.memory_space<vmem>>) semaphore(%arg17 : memref<!tpu.dma_semaphore, #tpu.memory_space<semaphore_mem>>)
      } else {
      }
      %mul3A_183 = arith.constant 48 : i32
      %mul3A_184 = arith.muli %add3A_170, %mul3A_183 : i32
      %dma_wait3A_185 = tpu.memref_slice %arg7[%mul3A_184] : memref<10080xi32, #tpu.memory_space<vmem>> -> memref<48xi32, #tpu.memory_space<vmem>>
      %dma_wait3A_186 = arith.constant 0 : i32
      %dma_wait3A_187 = arith.constant 0 : i32
      %dma_wait3A_188 = tpu.memref_slice %arg2[%dma_wait3A_186, %dma_wait3A_187] : memref<10000x128xf32, #tpu.memory_space<hbm>> -> memref<10000x128xf32, #tpu.memory_space<hbm>>
      tpu.wait_indirect_dma semaphore(%arg19 : memref<!tpu.dma_semaphore, #tpu.memory_space<semaphore_mem>>) src(%dma_wait3A_188 : memref<10000x128xf32, #tpu.memory_space<hbm>>) dst(%arg13 : memref<48x128xf32, #tpu.memory_space<vmem>>)
      %mul3A_189 = arith.constant 48 : i32
      %mul3A_190 = arith.muli %add3A_170, %mul3A_189 : i32
      %dma_start3A_191 = tpu.memref_slice %arg8[%mul3A_190] : memref<10080xi32, #tpu.memory_space<vmem>> -> memref<48xi32, #tpu.memory_space<vmem>>
      %dma_start3A_192 = arith.constant 0 : i32
      %dma_start3A_193 = arith.constant 0 : i32
      %dma_start3A_194 = tpu.memref_slice %arg14[%dma_start3A_192, %dma_start3A_193] : memref<10016x128xf32, #tpu.memory_space<vmem_shared>> -> memref<10016x128xf32, #tpu.memory_space<vmem_shared>>
      tpu.enqueue_indirect_dma source(%arg13 : memref<48x128xf32, #tpu.memory_space<vmem>>) target(%dma_start3A_194 : memref<10016x128xf32, #tpu.memory_space<vmem_shared>>) offsets(%dma_start3A_191 : memref<48xi32, #tpu.memory_space<vmem>>) semaphore(%arg24 : memref<!tpu.dma_semaphore, #tpu.memory_space<semaphore_mem>>) {add = true}
    }
    %scan3A_32 = arith.constant 42 : i32
    %dma_wait3A_33 = arith.constant 9984 : i32
    %dma_wait3A_34 = tpu.memref_slice %arg8[%dma_wait3A_33] : memref<10080xi32, #tpu.memory_space<vmem>> -> memref<48xi32, #tpu.memory_space<vmem>>
    %dma_wait3A_35 = arith.constant 0 : i32
    %dma_wait3A_36 = arith.constant 0 : i32
    %dma_wait3A_37 = tpu.memref_slice %arg14[%dma_wait3A_35, %dma_wait3A_36] : memref<10016x128xf32, #tpu.memory_space<vmem_shared>> -> memref<10016x128xf32, #tpu.memory_space<vmem_shared>>
    tpu.wait_indirect_dma semaphore(%arg23 : memref<!tpu.dma_semaphore, #tpu.memory_space<semaphore_mem>>) src(%arg12 : memref<48x128xf32, #tpu.memory_space<vmem>>) dst(%dma_wait3A_37 : memref<10016x128xf32, #tpu.memory_space<vmem_shared>>)
    %dma_wait3A_38 = arith.constant 10032 : i32
    %dma_wait3A_39 = tpu.memref_slice %arg8[%dma_wait3A_38] : memref<10080xi32, #tpu.memory_space<vmem>> -> memref<48xi32, #tpu.memory_space<vmem>>
    %dma_wait3A_40 = arith.constant 0 : i32
    %dma_wait3A_41 = arith.constant 0 : i32
    %dma_wait3A_42 = tpu.memref_slice %arg14[%dma_wait3A_40, %dma_wait3A_41] : memref<10016x128xf32, #tpu.memory_space<vmem_shared>> -> memref<10016x128xf32, #tpu.memory_space<vmem_shared>>
    tpu.wait_indirect_dma semaphore(%arg24 : memref<!tpu.dma_semaphore, #tpu.memory_space<semaphore_mem>>) src(%arg13 : memref<48x128xf32, #tpu.memory_space<vmem>>) dst(%dma_wait3A_42 : memref<10016x128xf32, #tpu.memory_space<vmem_shared>>)
    %barrier3A_43 = arith.constant 0 : index
    tpu.barrier barrier_id(%barrier3A_43)
    %mul3A_44 = arith.constant 624 : i32
    %mul3A_45 = arith.muli %arg1, %mul3A_44 : i32
    %mul3A_46 = arith.constant 10000 : i32
    %mul3A_47 = arith.muli %arg0, %mul3A_46 : i32
    %mul3A_48 = arith.constant 624 : i32
    %mul3A_49 = arith.muli %arg1, %mul3A_48 : i32
    %add3A_50 = arith.addi %mul3A_47, %mul3A_49 : i32
    "tpu.region"() ({
      %run_scoped3A = tpu.sem_alloc : memref<!tpu.dma_semaphore, #tpu.memory_space<semaphore_mem>>
      %dma_start3A_56 = arith.constant 0 : i32
      %dma_start3A_57 = tpu.memref_slice %arg6[%add3A_50, %dma_start3A_56] : memref<20000x128xf32, #tpu.memory_space<hbm>> -> memref<624x128xf32, #tpu.memory_space<hbm>>
      %dma_start3A_58 = arith.constant 0 : i32
      %dma_start3A_59 = tpu.memref_slice %arg14[%mul3A_45, %dma_start3A_58] : memref<10016x128xf32, #tpu.memory_space<vmem_shared>> -> memref<624x128xf32, #tpu.memory_space<vmem_shared>>
      tpu.enqueue_dma source(%dma_start3A_59 : memref<624x128xf32, #tpu.memory_space<vmem_shared>>) target(%dma_start3A_57 : memref<624x128xf32, #tpu.memory_space<hbm>>) target_semaphore(%run_scoped3A : memref<!tpu.dma_semaphore, #tpu.memory_space<semaphore_mem>>)
      %dma_wait3A_60 = arith.constant 0 : i32
      %dma_wait3A_61 = tpu.memref_slice %arg6[%add3A_50, %dma_wait3A_60] : memref<20000x128xf32, #tpu.memory_space<hbm>> -> memref<624x128xf32, #tpu.memory_space<hbm>>
      %dma_wait3A_62 = arith.constant 0 : i32
      %dma_wait3A_63 = tpu.memref_slice %arg14[%mul3A_45, %dma_wait3A_62] : memref<10016x128xf32, #tpu.memory_space<vmem_shared>> -> memref<624x128xf32, #tpu.memory_space<vmem_shared>>
      tpu.wait_dma2 semaphore(%run_scoped3A : memref<!tpu.dma_semaphore, #tpu.memory_space<semaphore_mem>>) src(%dma_wait3A_63 : memref<624x128xf32, #tpu.memory_space<vmem_shared>>) dst(%dma_wait3A_61 : memref<624x128xf32, #tpu.memory_space<hbm>>)
      tpu.yield
    }) : () -> ()
    %eq3A_51 = arith.constant 0 : i32
    %eq3A_52 = arith.cmpi eq, %arg1, %eq3A_51 : i32
    %convert_element_type3A_53 = arith.extui %eq3A_52 : i1 to i32
    %cond3A_54 = arith.constant 0 : i32
    %cond3A_55 = arith.cmpi ne, %convert_element_type3A_53, %cond3A_54 : i32
    scf.if %cond3A_55 {
      %mul3A_56 = arith.constant 10000 : i32
      %mul3A_57 = arith.muli %arg0, %mul3A_56 : i32
      %add3A_58 = arith.constant 9984 : i32
      %add3A_59 = arith.addi %mul3A_57, %add3A_58 : i32
      "tpu.region"() ({
        %run_scoped3A = tpu.sem_alloc : memref<!tpu.dma_semaphore, #tpu.memory_space<semaphore_mem>>
        %dma_start3A_60 = arith.constant 0 : i32
        %dma_start3A_61 = tpu.memref_slice %arg6[%add3A_59, %dma_start3A_60] : memref<20000x128xf32, #tpu.memory_space<hbm>> -> memref<16x128xf32, #tpu.memory_space<hbm>>
        %dma_start3A_62 = arith.constant 9984 : i32
        %dma_start3A_63 = arith.constant 0 : i32
        %dma_start3A_64 = tpu.memref_slice %arg14[%dma_start3A_62, %dma_start3A_63] : memref<10016x128xf32, #tpu.memory_space<vmem_shared>> -> memref<16x128xf32, #tpu.memory_space<vmem_shared>>
        tpu.enqueue_dma source(%dma_start3A_64 : memref<16x128xf32, #tpu.memory_space<vmem_shared>>) target(%dma_start3A_61 : memref<16x128xf32, #tpu.memory_space<hbm>>) target_semaphore(%run_scoped3A : memref<!tpu.dma_semaphore, #tpu.memory_space<semaphore_mem>>)
        %dma_wait3A_65 = arith.constant 0 : i32
        %dma_wait3A_66 = tpu.memref_slice %arg6[%add3A_59, %dma_wait3A_65] : memref<20000x128xf32, #tpu.memory_space<hbm>> -> memref<16x128xf32, #tpu.memory_space<hbm>>
        %dma_wait3A_67 = arith.constant 9984 : i32
        %dma_wait3A_68 = arith.constant 0 : i32
        %dma_wait3A_69 = tpu.memref_slice %arg14[%dma_wait3A_67, %dma_wait3A_68] : memref<10016x128xf32, #tpu.memory_space<vmem_shared>> -> memref<16x128xf32, #tpu.memory_space<vmem_shared>>
        tpu.wait_dma2 semaphore(%run_scoped3A : memref<!tpu.dma_semaphore, #tpu.memory_space<semaphore_mem>>) src(%dma_wait3A_69 : memref<16x128xf32, #tpu.memory_space<vmem_shared>>) dst(%dma_wait3A_66 : memref<16x128xf32, #tpu.memory_space<hbm>>)
        tpu.yield
      }) : () -> ()
    } else {
    }
    return
  }
}

#map = affine_map<(d0, d1) -> (0, 0)>
module attributes {stable_mosaic.version = 14 : i64} {
  func.func @_agg_impl(%arg0: i32, %arg1: i32, %arg2: memref<10000x128xf32, #tpu.memory_space<hbm>>, %arg3: memref<32x10080xi32, #tpu.memory_space<hbm>>, %arg4: memref<32x10080xi32, #tpu.memory_space<hbm>>, %arg5: memref<10016x128xf32, #tpu.memory_space<hbm>>, %arg6: memref<20000x128xf32, #tpu.memory_space<hbm>>, %arg7: memref<10080xi32, #tpu.memory_space<vmem>>, %arg8: memref<10080xi32, #tpu.memory_space<vmem>>, %arg9: memref<48x128xf32, #tpu.memory_space<vmem>>, %arg10: memref<48x128xf32, #tpu.memory_space<vmem>>, %arg11: memref<48x128xf32, #tpu.memory_space<vmem>>, %arg12: memref<48x128xf32, #tpu.memory_space<vmem>>, %arg13: memref<48x128xf32, #tpu.memory_space<vmem>>, %arg14: memref<10016x128xf32, #tpu.memory_space<vmem_shared>>, %arg15: memref<!tpu.dma_semaphore, #tpu.memory_space<semaphore_mem>>, %arg16: memref<!tpu.dma_semaphore, #tpu.memory_space<semaphore_mem>>, %arg17: memref<!tpu.dma_semaphore, #tpu.memory_space<semaphore_mem>>, %arg18: memref<!tpu.dma_semaphore, #tpu.memory_space<semaphore_mem>>, %arg19: memref<!tpu.dma_semaphore, #tpu.memory_space<semaphore_mem>>, %arg20: memref<!tpu.dma_semaphore, #tpu.memory_space<semaphore_mem>>, %arg21: memref<!tpu.dma_semaphore, #tpu.memory_space<semaphore_mem>>, %arg22: memref<!tpu.dma_semaphore, #tpu.memory_space<semaphore_mem>>, %arg23: memref<!tpu.dma_semaphore, #tpu.memory_space<semaphore_mem>>, %arg24: memref<!tpu.dma_semaphore, #tpu.memory_space<semaphore_mem>>, %arg25: memref<!tpu.dma_semaphore, #tpu.memory_space<semaphore_mem>>) attributes {dimension_semantics = [#tpu.dimension_semantics<core_parallel>, #tpu.dimension_semantics<subcore_parallel>], iteration_bounds = array<i64: 2, 16>, scalar_prefetch = 0 : i64, scratch_operands = 19 : i64, tpu.core_type = #tpu.core_type<sc_vector_subcore>, window_params = [{transform_indices = #map}, {transform_indices = #map}, {transform_indices = #map}, {transform_indices = #map}, {transform_indices = #map}]} {
    %mul3A = arith.constant 16 : i32
    %mul3A_0 = arith.muli %arg0, %mul3A : i32
    %add3A = arith.addi %mul3A_0, %arg1 : i32
    %mul3A_1 = arith.constant 624 : i32
    %mul3A_2 = arith.muli %arg1, %mul3A_1 : i32
    %mul3A_3 = arith.constant 624 : i32
    %mul3A_4 = arith.muli %arg1, %mul3A_3 : i32
    %dma_start3A = arith.constant 0 : i32
    %dma_start3A_5 = tpu.memref_slice %arg14[%mul3A_4, %dma_start3A] : memref<10016x128xf32, #tpu.memory_space<vmem_shared>> -> memref<624x128xf32, #tpu.memory_space<vmem_shared>>
    %dma_start3A_6 = arith.constant 0 : i32
    %dma_start3A_7 = tpu.memref_slice %arg5[%mul3A_2, %dma_start3A_6] : memref<10016x128xf32, #tpu.memory_space<hbm>> -> memref<624x128xf32, #tpu.memory_space<hbm>>
    tpu.enqueue_dma source(%dma_start3A_7 : memref<624x128xf32, #tpu.memory_space<hbm>>) target(%dma_start3A_5 : memref<624x128xf32, #tpu.memory_space<vmem_shared>>) target_semaphore(%arg25 : memref<!tpu.dma_semaphore, #tpu.memory_space<semaphore_mem>>)
    %eq3A = arith.constant 0 : i32
    %eq3A_8 = arith.cmpi eq, %arg1, %eq3A : i32
    %convert_element_type3A = arith.extui %eq3A_8 : i1 to i32
    %cond3A = arith.constant 0 : i32
    %cond3A_9 = arith.cmpi ne, %convert_element_type3A, %cond3A : i32
    scf.if %cond3A_9 {
      "tpu.region"() ({
        %run_scoped3A = tpu.sem_alloc : memref<!tpu.dma_semaphore, #tpu.memory_space<semaphore_mem>>
        %dma_start3A_56 = arith.constant 9984 : i32
        %dma_start3A_57 = arith.constant 0 : i32
        %dma_start3A_58 = tpu.memref_slice %arg14[%dma_start3A_56, %dma_start3A_57] : memref<10016x128xf32, #tpu.memory_space<vmem_shared>> -> memref<32x128xf32, #tpu.memory_space<vmem_shared>>
        %dma_start3A_59 = arith.constant 9984 : i32
        %dma_start3A_60 = arith.constant 0 : i32
        %dma_start3A_61 = tpu.memref_slice %arg5[%dma_start3A_59, %dma_start3A_60] : memref<10016x128xf32, #tpu.memory_space<hbm>> -> memref<32x128xf32, #tpu.memory_space<hbm>>
        tpu.enqueue_dma source(%dma_start3A_61 : memref<32x128xf32, #tpu.memory_space<hbm>>) target(%dma_start3A_58 : memref<32x128xf32, #tpu.memory_space<vmem_shared>>) target_semaphore(%run_scoped3A : memref<!tpu.dma_semaphore, #tpu.memory_space<semaphore_mem>>)
        %dma_wait3A_62 = arith.constant 9984 : i32
        %dma_wait3A_63 = arith.constant 0 : i32
        %dma_wait3A_64 = tpu.memref_slice %arg14[%dma_wait3A_62, %dma_wait3A_63] : memref<10016x128xf32, #tpu.memory_space<vmem_shared>> -> memref<32x128xf32, #tpu.memory_space<vmem_shared>>
        %dma_wait3A_65 = arith.constant 9984 : i32
        %dma_wait3A_66 = arith.constant 0 : i32
        %dma_wait3A_67 = tpu.memref_slice %arg5[%dma_wait3A_65, %dma_wait3A_66] : memref<10016x128xf32, #tpu.memory_space<hbm>> -> memref<32x128xf32, #tpu.memory_space<hbm>>
        tpu.wait_dma2 semaphore(%run_scoped3A : memref<!tpu.dma_semaphore, #tpu.memory_space<semaphore_mem>>) src(%dma_wait3A_67 : memref<32x128xf32, #tpu.memory_space<hbm>>) dst(%dma_wait3A_64 : memref<32x128xf32, #tpu.memory_space<vmem_shared>>)
        tpu.yield
      }) : () -> ()
    } else {
    }
    "tpu.region"() ({
      %run_scoped3A = tpu.sem_alloc : memref<!tpu.dma_semaphore, #tpu.memory_space<semaphore_mem>>
      %dma_start3A_56 = arith.constant 0 : i32
      %dma_start3A_57 = tpu.memref_slice %arg3[%add3A, %dma_start3A_56] : memref<32x10080xi32, #tpu.memory_space<hbm>> -> memref<1x10080xi32, #tpu.memory_space<hbm>>
      %dma_start3A_58 = tpu.memref_squeeze %dma_start3A_57 : memref<1x10080xi32, #tpu.memory_space<hbm>> -> memref<10080xi32, #tpu.memory_space<hbm>>
      %dma_start3A_59 = arith.constant 0 : i32
      %dma_start3A_60 = tpu.memref_slice %arg3[%add3A, %dma_start3A_59] : memref<32x10080xi32, #tpu.memory_space<hbm>> -> memref<1x10080xi32, #tpu.memory_space<hbm>>
      %dma_start3A_61 = tpu.memref_squeeze %dma_start3A_60 : memref<1x10080xi32, #tpu.memory_space<hbm>> -> memref<10080xi32, #tpu.memory_space<hbm>>
      tpu.enqueue_dma source(%dma_start3A_61 : memref<10080xi32, #tpu.memory_space<hbm>>) target(%arg7 : memref<10080xi32, #tpu.memory_space<vmem>>) target_semaphore(%run_scoped3A : memref<!tpu.dma_semaphore, #tpu.memory_space<semaphore_mem>>)
      %dma_wait3A_62 = arith.constant 0 : i32
      %dma_wait3A_63 = tpu.memref_slice %arg3[%add3A, %dma_wait3A_62] : memref<32x10080xi32, #tpu.memory_space<hbm>> -> memref<1x10080xi32, #tpu.memory_space<hbm>>
      %dma_wait3A_64 = tpu.memref_squeeze %dma_wait3A_63 : memref<1x10080xi32, #tpu.memory_space<hbm>> -> memref<10080xi32, #tpu.memory_space<hbm>>
      %dma_wait3A_65 = arith.constant 0 : i32
      %dma_wait3A_66 = tpu.memref_slice %arg3[%add3A, %dma_wait3A_65] : memref<32x10080xi32, #tpu.memory_space<hbm>> -> memref<1x10080xi32, #tpu.memory_space<hbm>>
      %dma_wait3A_67 = tpu.memref_squeeze %dma_wait3A_66 : memref<1x10080xi32, #tpu.memory_space<hbm>> -> memref<10080xi32, #tpu.memory_space<hbm>>
      tpu.wait_dma2 semaphore(%run_scoped3A : memref<!tpu.dma_semaphore, #tpu.memory_space<semaphore_mem>>) src(%dma_wait3A_67 : memref<10080xi32, #tpu.memory_space<hbm>>) dst(%arg7 : memref<10080xi32, #tpu.memory_space<vmem>>)
      tpu.yield
    }) : () -> ()
    "tpu.region"() ({
      %run_scoped3A = tpu.sem_alloc : memref<!tpu.dma_semaphore, #tpu.memory_space<semaphore_mem>>
      %dma_start3A_56 = arith.constant 0 : i32
      %dma_start3A_57 = tpu.memref_slice %arg4[%add3A, %dma_start3A_56] : memref<32x10080xi32, #tpu.memory_space<hbm>> -> memref<1x10080xi32, #tpu.memory_space<hbm>>
      %dma_start3A_58 = tpu.memref_squeeze %dma_start3A_57 : memref<1x10080xi32, #tpu.memory_space<hbm>> -> memref<10080xi32, #tpu.memory_space<hbm>>
      %dma_start3A_59 = arith.constant 0 : i32
      %dma_start3A_60 = tpu.memref_slice %arg4[%add3A, %dma_start3A_59] : memref<32x10080xi32, #tpu.memory_space<hbm>> -> memref<1x10080xi32, #tpu.memory_space<hbm>>
      %dma_start3A_61 = tpu.memref_squeeze %dma_start3A_60 : memref<1x10080xi32, #tpu.memory_space<hbm>> -> memref<10080xi32, #tpu.memory_space<hbm>>
      tpu.enqueue_dma source(%dma_start3A_61 : memref<10080xi32, #tpu.memory_space<hbm>>) target(%arg8 : memref<10080xi32, #tpu.memory_space<vmem>>) target_semaphore(%run_scoped3A : memref<!tpu.dma_semaphore, #tpu.memory_space<semaphore_mem>>)
      %dma_wait3A_62 = arith.constant 0 : i32
      %dma_wait3A_63 = tpu.memref_slice %arg4[%add3A, %dma_wait3A_62] : memref<32x10080xi32, #tpu.memory_space<hbm>> -> memref<1x10080xi32, #tpu.memory_space<hbm>>
      %dma_wait3A_64 = tpu.memref_squeeze %dma_wait3A_63 : memref<1x10080xi32, #tpu.memory_space<hbm>> -> memref<10080xi32, #tpu.memory_space<hbm>>
      %dma_wait3A_65 = arith.constant 0 : i32
      %dma_wait3A_66 = tpu.memref_slice %arg4[%add3A, %dma_wait3A_65] : memref<32x10080xi32, #tpu.memory_space<hbm>> -> memref<1x10080xi32, #tpu.memory_space<hbm>>
      %dma_wait3A_67 = tpu.memref_squeeze %dma_wait3A_66 : memref<1x10080xi32, #tpu.memory_space<hbm>> -> memref<10080xi32, #tpu.memory_space<hbm>>
      tpu.wait_dma2 semaphore(%run_scoped3A : memref<!tpu.dma_semaphore, #tpu.memory_space<semaphore_mem>>) src(%dma_wait3A_67 : memref<10080xi32, #tpu.memory_space<hbm>>) dst(%arg8 : memref<10080xi32, #tpu.memory_space<vmem>>)
      tpu.yield
    }) : () -> ()
    %dma_start3A_10 = arith.constant 0 : i32
    %dma_start3A_11 = tpu.memref_slice %arg7[%dma_start3A_10] : memref<10080xi32, #tpu.memory_space<vmem>> -> memref<48xi32, #tpu.memory_space<vmem>>
    %dma_start3A_12 = arith.constant 0 : i32
    %dma_start3A_13 = arith.constant 0 : i32
    %dma_start3A_14 = tpu.memref_slice %arg2[%dma_start3A_12, %dma_start3A_13] : memref<10000x128xf32, #tpu.memory_space<hbm>> -> memref<10000x128xf32, #tpu.memory_space<hbm>>
    tpu.enqueue_indirect_dma source(%dma_start3A_14 : memref<10000x128xf32, #tpu.memory_space<hbm>>) target(%arg9 : memref<48x128xf32, #tpu.memory_space<vmem>>) offsets(%dma_start3A_11 : memref<48xi32, #tpu.memory_space<vmem>>) semaphore(%arg15 : memref<!tpu.dma_semaphore, #tpu.memory_space<semaphore_mem>>)
    %dma_start3A_15 = arith.constant 48 : i32
    %dma_start3A_16 = tpu.memref_slice %arg7[%dma_start3A_15] : memref<10080xi32, #tpu.memory_space<vmem>> -> memref<48xi32, #tpu.memory_space<vmem>>
    %dma_start3A_17 = arith.constant 0 : i32
    %dma_start3A_18 = arith.constant 0 : i32
    %dma_start3A_19 = tpu.memref_slice %arg2[%dma_start3A_17, %dma_start3A_18] : memref<10000x128xf32, #tpu.memory_space<hbm>> -> memref<10000x128xf32, #tpu.memory_space<hbm>>
    tpu.enqueue_indirect_dma source(%dma_start3A_19 : memref<10000x128xf32, #tpu.memory_space<hbm>>) target(%arg10 : memref<48x128xf32, #tpu.memory_space<vmem>>) offsets(%dma_start3A_16 : memref<48xi32, #tpu.memory_space<vmem>>) semaphore(%arg16 : memref<!tpu.dma_semaphore, #tpu.memory_space<semaphore_mem>>)
    %dma_start3A_20 = arith.constant 96 : i32
    %dma_start3A_21 = tpu.memref_slice %arg7[%dma_start3A_20] : memref<10080xi32, #tpu.memory_space<vmem>> -> memref<48xi32, #tpu.memory_space<vmem>>
    %dma_start3A_22 = arith.constant 0 : i32
    %dma_start3A_23 = arith.constant 0 : i32
    %dma_start3A_24 = tpu.memref_slice %arg2[%dma_start3A_22, %dma_start3A_23] : memref<10000x128xf32, #tpu.memory_space<hbm>> -> memref<10000x128xf32, #tpu.memory_space<hbm>>
    tpu.enqueue_indirect_dma source(%dma_start3A_24 : memref<10000x128xf32, #tpu.memory_space<hbm>>) target(%arg11 : memref<48x128xf32, #tpu.memory_space<vmem>>) offsets(%dma_start3A_21 : memref<48xi32, #tpu.memory_space<vmem>>) semaphore(%arg17 : memref<!tpu.dma_semaphore, #tpu.memory_space<semaphore_mem>>)
    %dma_wait3A = arith.constant 0 : i32
    %dma_wait3A_25 = tpu.memref_slice %arg14[%mul3A_4, %dma_wait3A] : memref<10016x128xf32, #tpu.memory_space<vmem_shared>> -> memref<624x128xf32, #tpu.memory_space<vmem_shared>>
    %dma_wait3A_26 = arith.constant 0 : i32
    %dma_wait3A_27 = tpu.memref_slice %arg5[%mul3A_2, %dma_wait3A_26] : memref<10016x128xf32, #tpu.memory_space<hbm>> -> memref<624x128xf32, #tpu.memory_space<hbm>>
    tpu.wait_dma2 semaphore(%arg25 : memref<!tpu.dma_semaphore, #tpu.memory_space<semaphore_mem>>) src(%dma_wait3A_27 : memref<624x128xf32, #tpu.memory_space<hbm>>) dst(%dma_wait3A_25 : memref<624x128xf32, #tpu.memory_space<vmem_shared>>)
    %barrier3A = arith.constant 0 : index
    tpu.barrier barrier_id(%barrier3A)
    %scan3A = arith.constant 0 : i32
    %scan3A_28 = arith.constant 0 : i32
    %scan3A_29 = arith.constant 42 : i32
    %scan3A_30 = arith.addi %scan3A_28, %scan3A_29 : i32
    %scan3A_31 = arith.constant 1 : i32
    scf.for %scan3A_56 = %scan3A_28 to %scan3A_30 step %scan3A_31  : i32 {
      %mul3A_57 = arith.constant 5 : i32
      %mul3A_58 = arith.muli %mul3A_57, %scan3A_56 : i32
      %add3A_59 = arith.constant 0 : i32
      %add3A_60 = arith.addi %mul3A_58, %add3A_59 : i32
      %ge3A = arith.constant 2 : i32
      %ge3A_61 = arith.cmpi sge, %add3A_60, %ge3A : i32
      %convert_element_type3A_62 = arith.extui %ge3A_61 : i1 to i32
      %cond3A_63 = arith.constant 0 : i32
      %cond3A_64 = arith.cmpi ne, %convert_element_type3A_62, %cond3A_63 : i32
      scf.if %cond3A_64 {
        %sub3A = arith.constant 2 : i32
        %sub3A_195 = arith.subi %add3A_60, %sub3A : i32
        %mul3A_196 = arith.constant 48 : i32
        %mul3A_197 = arith.muli %sub3A_195, %mul3A_196 : i32
        %dma_wait3A_198 = tpu.memref_slice %arg8[%mul3A_197] : memref<10080xi32, #tpu.memory_space<vmem>> -> memref<48xi32, #tpu.memory_space<vmem>>
        %dma_wait3A_199 = arith.constant 0 : i32
        %dma_wait3A_200 = arith.constant 0 : i32
        %dma_wait3A_201 = tpu.memref_slice %arg14[%dma_wait3A_199, %dma_wait3A_200] : memref<10016x128xf32, #tpu.memory_space<vmem_shared>> -> memref<10016x128xf32, #tpu.memory_space<vmem_shared>>
        tpu.wait_indirect_dma semaphore(%arg23 : memref<!tpu.dma_semaphore, #tpu.memory_space<semaphore_mem>>) src(%arg12 : memref<48x128xf32, #tpu.memory_space<vmem>>) dst(%dma_wait3A_201 : memref<10016x128xf32, #tpu.memory_space<vmem_shared>>)
      } else {
      }
      %add3A_65 = arith.constant 3 : i32
      %add3A_66 = arith.addi %add3A_60, %add3A_65 : i32
      %lt3A = arith.constant 210 : i32
      %lt3A_67 = arith.cmpi slt, %add3A_66, %lt3A : i32
      %convert_element_type3A_68 = arith.extui %lt3A_67 : i1 to i32
      %cond3A_69 = arith.constant 0 : i32
      %cond3A_70 = arith.cmpi ne, %convert_element_type3A_68, %cond3A_69 : i32
      scf.if %cond3A_70 {
        %add3A_195 = arith.constant 3 : i32
        %add3A_196 = arith.addi %add3A_60, %add3A_195 : i32
        %mul3A_197 = arith.constant 48 : i32
        %mul3A_198 = arith.muli %add3A_196, %mul3A_197 : i32
        %dma_start3A_199 = tpu.memref_slice %arg7[%mul3A_198] : memref<10080xi32, #tpu.memory_space<vmem>> -> memref<48xi32, #tpu.memory_space<vmem>>
        %dma_start3A_200 = arith.constant 0 : i32
        %dma_start3A_201 = arith.constant 0 : i32
        %dma_start3A_202 = tpu.memref_slice %arg2[%dma_start3A_200, %dma_start3A_201] : memref<10000x128xf32, #tpu.memory_space<hbm>> -> memref<10000x128xf32, #tpu.memory_space<hbm>>
        tpu.enqueue_indirect_dma source(%dma_start3A_202 : memref<10000x128xf32, #tpu.memory_space<hbm>>) target(%arg12 : memref<48x128xf32, #tpu.memory_space<vmem>>) offsets(%dma_start3A_199 : memref<48xi32, #tpu.memory_space<vmem>>) semaphore(%arg18 : memref<!tpu.dma_semaphore, #tpu.memory_space<semaphore_mem>>)
      } else {
      }
      %mul3A_71 = arith.constant 48 : i32
      %mul3A_72 = arith.muli %add3A_60, %mul3A_71 : i32
      %dma_wait3A_73 = tpu.memref_slice %arg7[%mul3A_72] : memref<10080xi32, #tpu.memory_space<vmem>> -> memref<48xi32, #tpu.memory_space<vmem>>
      %dma_wait3A_74 = arith.constant 0 : i32
      %dma_wait3A_75 = arith.constant 0 : i32
      %dma_wait3A_76 = tpu.memref_slice %arg2[%dma_wait3A_74, %dma_wait3A_75] : memref<10000x128xf32, #tpu.memory_space<hbm>> -> memref<10000x128xf32, #tpu.memory_space<hbm>>
      tpu.wait_indirect_dma semaphore(%arg15 : memref<!tpu.dma_semaphore, #tpu.memory_space<semaphore_mem>>) src(%dma_wait3A_76 : memref<10000x128xf32, #tpu.memory_space<hbm>>) dst(%arg9 : memref<48x128xf32, #tpu.memory_space<vmem>>)
      %mul3A_77 = arith.constant 48 : i32
      %mul3A_78 = arith.muli %add3A_60, %mul3A_77 : i32
      %dma_start3A_79 = tpu.memref_slice %arg8[%mul3A_78] : memref<10080xi32, #tpu.memory_space<vmem>> -> memref<48xi32, #tpu.memory_space<vmem>>
      %dma_start3A_80 = arith.constant 0 : i32
      %dma_start3A_81 = arith.constant 0 : i32
      %dma_start3A_82 = tpu.memref_slice %arg14[%dma_start3A_80, %dma_start3A_81] : memref<10016x128xf32, #tpu.memory_space<vmem_shared>> -> memref<10016x128xf32, #tpu.memory_space<vmem_shared>>
      tpu.enqueue_indirect_dma source(%arg9 : memref<48x128xf32, #tpu.memory_space<vmem>>) target(%dma_start3A_82 : memref<10016x128xf32, #tpu.memory_space<vmem_shared>>) offsets(%dma_start3A_79 : memref<48xi32, #tpu.memory_space<vmem>>) semaphore(%arg20 : memref<!tpu.dma_semaphore, #tpu.memory_space<semaphore_mem>>) {add = true}
      %mul3A_83 = arith.constant 5 : i32
      %mul3A_84 = arith.muli %mul3A_83, %scan3A_56 : i32
      %add3A_85 = arith.constant 1 : i32
      %add3A_86 = arith.addi %mul3A_84, %add3A_85 : i32
      %ge3A_87 = arith.constant 2 : i32
      %ge3A_88 = arith.cmpi sge, %add3A_86, %ge3A_87 : i32
      %convert_element_type3A_89 = arith.extui %ge3A_88 : i1 to i32
      %cond3A_90 = arith.constant 0 : i32
      %cond3A_91 = arith.cmpi ne, %convert_element_type3A_89, %cond3A_90 : i32
      scf.if %cond3A_91 {
        %sub3A = arith.constant 2 : i32
        %sub3A_195 = arith.subi %add3A_86, %sub3A : i32
        %mul3A_196 = arith.constant 48 : i32
        %mul3A_197 = arith.muli %sub3A_195, %mul3A_196 : i32
        %dma_wait3A_198 = tpu.memref_slice %arg8[%mul3A_197] : memref<10080xi32, #tpu.memory_space<vmem>> -> memref<48xi32, #tpu.memory_space<vmem>>
        %dma_wait3A_199 = arith.constant 0 : i32
        %dma_wait3A_200 = arith.constant 0 : i32
        %dma_wait3A_201 = tpu.memref_slice %arg14[%dma_wait3A_199, %dma_wait3A_200] : memref<10016x128xf32, #tpu.memory_space<vmem_shared>> -> memref<10016x128xf32, #tpu.memory_space<vmem_shared>>
        tpu.wait_indirect_dma semaphore(%arg24 : memref<!tpu.dma_semaphore, #tpu.memory_space<semaphore_mem>>) src(%arg13 : memref<48x128xf32, #tpu.memory_space<vmem>>) dst(%dma_wait3A_201 : memref<10016x128xf32, #tpu.memory_space<vmem_shared>>)
      } else {
      }
      %add3A_92 = arith.constant 3 : i32
      %add3A_93 = arith.addi %add3A_86, %add3A_92 : i32
      %lt3A_94 = arith.constant 210 : i32
      %lt3A_95 = arith.cmpi slt, %add3A_93, %lt3A_94 : i32
      %convert_element_type3A_96 = arith.extui %lt3A_95 : i1 to i32
      %cond3A_97 = arith.constant 0 : i32
      %cond3A_98 = arith.cmpi ne, %convert_element_type3A_96, %cond3A_97 : i32
      scf.if %cond3A_98 {
        %add3A_195 = arith.constant 3 : i32
        %add3A_196 = arith.addi %add3A_86, %add3A_195 : i32
        %mul3A_197 = arith.constant 48 : i32
        %mul3A_198 = arith.muli %add3A_196, %mul3A_197 : i32
        %dma_start3A_199 = tpu.memref_slice %arg7[%mul3A_198] : memref<10080xi32, #tpu.memory_space<vmem>> -> memref<48xi32, #tpu.memory_space<vmem>>
        %dma_start3A_200 = arith.constant 0 : i32
        %dma_start3A_201 = arith.constant 0 : i32
        %dma_start3A_202 = tpu.memref_slice %arg2[%dma_start3A_200, %dma_start3A_201] : memref<10000x128xf32, #tpu.memory_space<hbm>> -> memref<10000x128xf32, #tpu.memory_space<hbm>>
        tpu.enqueue_indirect_dma source(%dma_start3A_202 : memref<10000x128xf32, #tpu.memory_space<hbm>>) target(%arg13 : memref<48x128xf32, #tpu.memory_space<vmem>>) offsets(%dma_start3A_199 : memref<48xi32, #tpu.memory_space<vmem>>) semaphore(%arg19 : memref<!tpu.dma_semaphore, #tpu.memory_space<semaphore_mem>>)
      } else {
      }
      %mul3A_99 = arith.constant 48 : i32
      %mul3A_100 = arith.muli %add3A_86, %mul3A_99 : i32
      %dma_wait3A_101 = tpu.memref_slice %arg7[%mul3A_100] : memref<10080xi32, #tpu.memory_space<vmem>> -> memref<48xi32, #tpu.memory_space<vmem>>
      %dma_wait3A_102 = arith.constant 0 : i32
      %dma_wait3A_103 = arith.constant 0 : i32
      %dma_wait3A_104 = tpu.memref_slice %arg2[%dma_wait3A_102, %dma_wait3A_103] : memref<10000x128xf32, #tpu.memory_space<hbm>> -> memref<10000x128xf32, #tpu.memory_space<hbm>>
      tpu.wait_indirect_dma semaphore(%arg16 : memref<!tpu.dma_semaphore, #tpu.memory_space<semaphore_mem>>) src(%dma_wait3A_104 : memref<10000x128xf32, #tpu.memory_space<hbm>>) dst(%arg10 : memref<48x128xf32, #tpu.memory_space<vmem>>)
      %mul3A_105 = arith.constant 48 : i32
      %mul3A_106 = arith.muli %add3A_86, %mul3A_105 : i32
      %dma_start3A_107 = tpu.memref_slice %arg8[%mul3A_106] : memref<10080xi32, #tpu.memory_space<vmem>> -> memref<48xi32, #tpu.memory_space<vmem>>
      %dma_start3A_108 = arith.constant 0 : i32
      %dma_start3A_109 = arith.constant 0 : i32
      %dma_start3A_110 = tpu.memref_slice %arg14[%dma_start3A_108, %dma_start3A_109] : memref<10016x128xf32, #tpu.memory_space<vmem_shared>> -> memref<10016x128xf32, #tpu.memory_space<vmem_shared>>
      tpu.enqueue_indirect_dma source(%arg10 : memref<48x128xf32, #tpu.memory_space<vmem>>) target(%dma_start3A_110 : memref<10016x128xf32, #tpu.memory_space<vmem_shared>>) offsets(%dma_start3A_107 : memref<48xi32, #tpu.memory_space<vmem>>) semaphore(%arg21 : memref<!tpu.dma_semaphore, #tpu.memory_space<semaphore_mem>>) {add = true}
      %mul3A_111 = arith.constant 5 : i32
      %mul3A_112 = arith.muli %mul3A_111, %scan3A_56 : i32
      %add3A_113 = arith.constant 2 : i32
      %add3A_114 = arith.addi %mul3A_112, %add3A_113 : i32
      %ge3A_115 = arith.constant 2 : i32
      %ge3A_116 = arith.cmpi sge, %add3A_114, %ge3A_115 : i32
      %convert_element_type3A_117 = arith.extui %ge3A_116 : i1 to i32
      %cond3A_118 = arith.constant 0 : i32
      %cond3A_119 = arith.cmpi ne, %convert_element_type3A_117, %cond3A_118 : i32
      scf.if %cond3A_119 {
        %sub3A = arith.constant 2 : i32
        %sub3A_195 = arith.subi %add3A_114, %sub3A : i32
        %mul3A_196 = arith.constant 48 : i32
        %mul3A_197 = arith.muli %sub3A_195, %mul3A_196 : i32
        %dma_wait3A_198 = tpu.memref_slice %arg8[%mul3A_197] : memref<10080xi32, #tpu.memory_space<vmem>> -> memref<48xi32, #tpu.memory_space<vmem>>
        %dma_wait3A_199 = arith.constant 0 : i32
        %dma_wait3A_200 = arith.constant 0 : i32
        %dma_wait3A_201 = tpu.memref_slice %arg14[%dma_wait3A_199, %dma_wait3A_200] : memref<10016x128xf32, #tpu.memory_space<vmem_shared>> -> memref<10016x128xf32, #tpu.memory_space<vmem_shared>>
        tpu.wait_indirect_dma semaphore(%arg20 : memref<!tpu.dma_semaphore, #tpu.memory_space<semaphore_mem>>) src(%arg9 : memref<48x128xf32, #tpu.memory_space<vmem>>) dst(%dma_wait3A_201 : memref<10016x128xf32, #tpu.memory_space<vmem_shared>>)
      } else {
      }
      %add3A_120 = arith.constant 3 : i32
      %add3A_121 = arith.addi %add3A_114, %add3A_120 : i32
      %lt3A_122 = arith.constant 210 : i32
      %lt3A_123 = arith.cmpi slt, %add3A_121, %lt3A_122 : i32
      %convert_element_type3A_124 = arith.extui %lt3A_123 : i1 to i32
      %cond3A_125 = arith.constant 0 : i32
      %cond3A_126 = arith.cmpi ne, %convert_element_type3A_124, %cond3A_125 : i32
      scf.if %cond3A_126 {
        %add3A_195 = arith.constant 3 : i32
        %add3A_196 = arith.addi %add3A_114, %add3A_195 : i32
        %mul3A_197 = arith.constant 48 : i32
        %mul3A_198 = arith.muli %add3A_196, %mul3A_197 : i32
        %dma_start3A_199 = tpu.memref_slice %arg7[%mul3A_198] : memref<10080xi32, #tpu.memory_space<vmem>> -> memref<48xi32, #tpu.memory_space<vmem>>
        %dma_start3A_200 = arith.constant 0 : i32
        %dma_start3A_201 = arith.constant 0 : i32
        %dma_start3A_202 = tpu.memref_slice %arg2[%dma_start3A_200, %dma_start3A_201] : memref<10000x128xf32, #tpu.memory_space<hbm>> -> memref<10000x128xf32, #tpu.memory_space<hbm>>
        tpu.enqueue_indirect_dma source(%dma_start3A_202 : memref<10000x128xf32, #tpu.memory_space<hbm>>) target(%arg9 : memref<48x128xf32, #tpu.memory_space<vmem>>) offsets(%dma_start3A_199 : memref<48xi32, #tpu.memory_space<vmem>>) semaphore(%arg15 : memref<!tpu.dma_semaphore, #tpu.memory_space<semaphore_mem>>)
      } else {
      }
      %mul3A_127 = arith.constant 48 : i32
      %mul3A_128 = arith.muli %add3A_114, %mul3A_127 : i32
      %dma_wait3A_129 = tpu.memref_slice %arg7[%mul3A_128] : memref<10080xi32, #tpu.memory_space<vmem>> -> memref<48xi32, #tpu.memory_space<vmem>>
      %dma_wait3A_130 = arith.constant 0 : i32
      %dma_wait3A_131 = arith.constant 0 : i32
      %dma_wait3A_132 = tpu.memref_slice %arg2[%dma_wait3A_130, %dma_wait3A_131] : memref<10000x128xf32, #tpu.memory_space<hbm>> -> memref<10000x128xf32, #tpu.memory_space<hbm>>
      tpu.wait_indirect_dma semaphore(%arg17 : memref<!tpu.dma_semaphore, #tpu.memory_space<semaphore_mem>>) src(%dma_wait3A_132 : memref<10000x128xf32, #tpu.memory_space<hbm>>) dst(%arg11 : memref<48x128xf32, #tpu.memory_space<vmem>>)
      %mul3A_133 = arith.constant 48 : i32
      %mul3A_134 = arith.muli %add3A_114, %mul3A_133 : i32
      %dma_start3A_135 = tpu.memref_slice %arg8[%mul3A_134] : memref<10080xi32, #tpu.memory_space<vmem>> -> memref<48xi32, #tpu.memory_space<vmem>>
      %dma_start3A_136 = arith.constant 0 : i32
      %dma_start3A_137 = arith.constant 0 : i32
      %dma_start3A_138 = tpu.memref_slice %arg14[%dma_start3A_136, %dma_start3A_137] : memref<10016x128xf32, #tpu.memory_space<vmem_shared>> -> memref<10016x128xf32, #tpu.memory_space<vmem_shared>>
      tpu.enqueue_indirect_dma source(%arg11 : memref<48x128xf32, #tpu.memory_space<vmem>>) target(%dma_start3A_138 : memref<10016x128xf32, #tpu.memory_space<vmem_shared>>) offsets(%dma_start3A_135 : memref<48xi32, #tpu.memory_space<vmem>>) semaphore(%arg22 : memref<!tpu.dma_semaphore, #tpu.memory_space<semaphore_mem>>) {add = true}
      %mul3A_139 = arith.constant 5 : i32
      %mul3A_140 = arith.muli %mul3A_139, %scan3A_56 : i32
      %add3A_141 = arith.constant 3 : i32
      %add3A_142 = arith.addi %mul3A_140, %add3A_141 : i32
      %ge3A_143 = arith.constant 2 : i32
      %ge3A_144 = arith.cmpi sge, %add3A_142, %ge3A_143 : i32
      %convert_element_type3A_145 = arith.extui %ge3A_144 : i1 to i32
      %cond3A_146 = arith.constant 0 : i32
      %cond3A_147 = arith.cmpi ne, %convert_element_type3A_145, %cond3A_146 : i32
      scf.if %cond3A_147 {
        %sub3A = arith.constant 2 : i32
        %sub3A_195 = arith.subi %add3A_142, %sub3A : i32
        %mul3A_196 = arith.constant 48 : i32
        %mul3A_197 = arith.muli %sub3A_195, %mul3A_196 : i32
        %dma_wait3A_198 = tpu.memref_slice %arg8[%mul3A_197] : memref<10080xi32, #tpu.memory_space<vmem>> -> memref<48xi32, #tpu.memory_space<vmem>>
        %dma_wait3A_199 = arith.constant 0 : i32
        %dma_wait3A_200 = arith.constant 0 : i32
        %dma_wait3A_201 = tpu.memref_slice %arg14[%dma_wait3A_199, %dma_wait3A_200] : memref<10016x128xf32, #tpu.memory_space<vmem_shared>> -> memref<10016x128xf32, #tpu.memory_space<vmem_shared>>
        tpu.wait_indirect_dma semaphore(%arg21 : memref<!tpu.dma_semaphore, #tpu.memory_space<semaphore_mem>>) src(%arg10 : memref<48x128xf32, #tpu.memory_space<vmem>>) dst(%dma_wait3A_201 : memref<10016x128xf32, #tpu.memory_space<vmem_shared>>)
      } else {
      }
      %add3A_148 = arith.constant 3 : i32
      %add3A_149 = arith.addi %add3A_142, %add3A_148 : i32
      %lt3A_150 = arith.constant 210 : i32
      %lt3A_151 = arith.cmpi slt, %add3A_149, %lt3A_150 : i32
      %convert_element_type3A_152 = arith.extui %lt3A_151 : i1 to i32
      %cond3A_153 = arith.constant 0 : i32
      %cond3A_154 = arith.cmpi ne, %convert_element_type3A_152, %cond3A_153 : i32
      scf.if %cond3A_154 {
        %add3A_195 = arith.constant 3 : i32
        %add3A_196 = arith.addi %add3A_142, %add3A_195 : i32
        %mul3A_197 = arith.constant 48 : i32
        %mul3A_198 = arith.muli %add3A_196, %mul3A_197 : i32
        %dma_start3A_199 = tpu.memref_slice %arg7[%mul3A_198] : memref<10080xi32, #tpu.memory_space<vmem>> -> memref<48xi32, #tpu.memory_space<vmem>>
        %dma_start3A_200 = arith.constant 0 : i32
        %dma_start3A_201 = arith.constant 0 : i32
        %dma_start3A_202 = tpu.memref_slice %arg2[%dma_start3A_200, %dma_start3A_201] : memref<10000x128xf32, #tpu.memory_space<hbm>> -> memref<10000x128xf32, #tpu.memory_space<hbm>>
        tpu.enqueue_indirect_dma source(%dma_start3A_202 : memref<10000x128xf32, #tpu.memory_space<hbm>>) target(%arg10 : memref<48x128xf32, #tpu.memory_space<vmem>>) offsets(%dma_start3A_199 : memref<48xi32, #tpu.memory_space<vmem>>) semaphore(%arg16 : memref<!tpu.dma_semaphore, #tpu.memory_space<semaphore_mem>>)
      } else {
      }
      %mul3A_155 = arith.constant 48 : i32
      %mul3A_156 = arith.muli %add3A_142, %mul3A_155 : i32
      %dma_wait3A_157 = tpu.memref_slice %arg7[%mul3A_156] : memref<10080xi32, #tpu.memory_space<vmem>> -> memref<48xi32, #tpu.memory_space<vmem>>
      %dma_wait3A_158 = arith.constant 0 : i32
      %dma_wait3A_159 = arith.constant 0 : i32
      %dma_wait3A_160 = tpu.memref_slice %arg2[%dma_wait3A_158, %dma_wait3A_159] : memref<10000x128xf32, #tpu.memory_space<hbm>> -> memref<10000x128xf32, #tpu.memory_space<hbm>>
      tpu.wait_indirect_dma semaphore(%arg18 : memref<!tpu.dma_semaphore, #tpu.memory_space<semaphore_mem>>) src(%dma_wait3A_160 : memref<10000x128xf32, #tpu.memory_space<hbm>>) dst(%arg12 : memref<48x128xf32, #tpu.memory_space<vmem>>)
      %mul3A_161 = arith.constant 48 : i32
      %mul3A_162 = arith.muli %add3A_142, %mul3A_161 : i32
      %dma_start3A_163 = tpu.memref_slice %arg8[%mul3A_162] : memref<10080xi32, #tpu.memory_space<vmem>> -> memref<48xi32, #tpu.memory_space<vmem>>
      %dma_start3A_164 = arith.constant 0 : i32
      %dma_start3A_165 = arith.constant 0 : i32
      %dma_start3A_166 = tpu.memref_slice %arg14[%dma_start3A_164, %dma_start3A_165] : memref<10016x128xf32, #tpu.memory_space<vmem_shared>> -> memref<10016x128xf32, #tpu.memory_space<vmem_shared>>
      tpu.enqueue_indirect_dma source(%arg12 : memref<48x128xf32, #tpu.memory_space<vmem>>) target(%dma_start3A_166 : memref<10016x128xf32, #tpu.memory_space<vmem_shared>>) offsets(%dma_start3A_163 : memref<48xi32, #tpu.memory_space<vmem>>) semaphore(%arg23 : memref<!tpu.dma_semaphore, #tpu.memory_space<semaphore_mem>>) {add = true}
      %mul3A_167 = arith.constant 5 : i32
      %mul3A_168 = arith.muli %mul3A_167, %scan3A_56 : i32
      %add3A_169 = arith.constant 4 : i32
      %add3A_170 = arith.addi %mul3A_168, %add3A_169 : i32
      %ge3A_171 = arith.constant 2 : i32
      %ge3A_172 = arith.cmpi sge, %add3A_170, %ge3A_171 : i32
      %convert_element_type3A_173 = arith.extui %ge3A_172 : i1 to i32
      %cond3A_174 = arith.constant 0 : i32
      %cond3A_175 = arith.cmpi ne, %convert_element_type3A_173, %cond3A_174 : i32
      scf.if %cond3A_175 {
        %sub3A = arith.constant 2 : i32
        %sub3A_195 = arith.subi %add3A_170, %sub3A : i32
        %mul3A_196 = arith.constant 48 : i32
        %mul3A_197 = arith.muli %sub3A_195, %mul3A_196 : i32
        %dma_wait3A_198 = tpu.memref_slice %arg8[%mul3A_197] : memref<10080xi32, #tpu.memory_space<vmem>> -> memref<48xi32, #tpu.memory_space<vmem>>
        %dma_wait3A_199 = arith.constant 0 : i32
        %dma_wait3A_200 = arith.constant 0 : i32
        %dma_wait3A_201 = tpu.memref_slice %arg14[%dma_wait3A_199, %dma_wait3A_200] : memref<10016x128xf32, #tpu.memory_space<vmem_shared>> -> memref<10016x128xf32, #tpu.memory_space<vmem_shared>>
        tpu.wait_indirect_dma semaphore(%arg22 : memref<!tpu.dma_semaphore, #tpu.memory_space<semaphore_mem>>) src(%arg11 : memref<48x128xf32, #tpu.memory_space<vmem>>) dst(%dma_wait3A_201 : memref<10016x128xf32, #tpu.memory_space<vmem_shared>>)
      } else {
      }
      %add3A_176 = arith.constant 3 : i32
      %add3A_177 = arith.addi %add3A_170, %add3A_176 : i32
      %lt3A_178 = arith.constant 210 : i32
      %lt3A_179 = arith.cmpi slt, %add3A_177, %lt3A_178 : i32
      %convert_element_type3A_180 = arith.extui %lt3A_179 : i1 to i32
      %cond3A_181 = arith.constant 0 : i32
      %cond3A_182 = arith.cmpi ne, %convert_element_type3A_180, %cond3A_181 : i32
      scf.if %cond3A_182 {
        %add3A_195 = arith.constant 3 : i32
        %add3A_196 = arith.addi %add3A_170, %add3A_195 : i32
        %mul3A_197 = arith.constant 48 : i32
        %mul3A_198 = arith.muli %add3A_196, %mul3A_197 : i32
        %dma_start3A_199 = tpu.memref_slice %arg7[%mul3A_198] : memref<10080xi32, #tpu.memory_space<vmem>> -> memref<48xi32, #tpu.memory_space<vmem>>
        %dma_start3A_200 = arith.constant 0 : i32
        %dma_start3A_201 = arith.constant 0 : i32
        %dma_start3A_202 = tpu.memref_slice %arg2[%dma_start3A_200, %dma_start3A_201] : memref<10000x128xf32, #tpu.memory_space<hbm>> -> memref<10000x128xf32, #tpu.memory_space<hbm>>
        tpu.enqueue_indirect_dma source(%dma_start3A_202 : memref<10000x128xf32, #tpu.memory_space<hbm>>) target(%arg11 : memref<48x128xf32, #tpu.memory_space<vmem>>) offsets(%dma_start3A_199 : memref<48xi32, #tpu.memory_space<vmem>>) semaphore(%arg17 : memref<!tpu.dma_semaphore, #tpu.memory_space<semaphore_mem>>)
      } else {
      }
      %mul3A_183 = arith.constant 48 : i32
      %mul3A_184 = arith.muli %add3A_170, %mul3A_183 : i32
      %dma_wait3A_185 = tpu.memref_slice %arg7[%mul3A_184] : memref<10080xi32, #tpu.memory_space<vmem>> -> memref<48xi32, #tpu.memory_space<vmem>>
      %dma_wait3A_186 = arith.constant 0 : i32
      %dma_wait3A_187 = arith.constant 0 : i32
      %dma_wait3A_188 = tpu.memref_slice %arg2[%dma_wait3A_186, %dma_wait3A_187] : memref<10000x128xf32, #tpu.memory_space<hbm>> -> memref<10000x128xf32, #tpu.memory_space<hbm>>
      tpu.wait_indirect_dma semaphore(%arg19 : memref<!tpu.dma_semaphore, #tpu.memory_space<semaphore_mem>>) src(%dma_wait3A_188 : memref<10000x128xf32, #tpu.memory_space<hbm>>) dst(%arg13 : memref<48x128xf32, #tpu.memory_space<vmem>>)
      %mul3A_189 = arith.constant 48 : i32
      %mul3A_190 = arith.muli %add3A_170, %mul3A_189 : i32
      %dma_start3A_191 = tpu.memref_slice %arg8[%mul3A_190] : memref<10080xi32, #tpu.memory_space<vmem>> -> memref<48xi32, #tpu.memory_space<vmem>>
      %dma_start3A_192 = arith.constant 0 : i32
      %dma_start3A_193 = arith.constant 0 : i32
      %dma_start3A_194 = tpu.memref_slice %arg14[%dma_start3A_192, %dma_start3A_193] : memref<10016x128xf32, #tpu.memory_space<vmem_shared>> -> memref<10016x128xf32, #tpu.memory_space<vmem_shared>>
      tpu.enqueue_indirect_dma source(%arg13 : memref<48x128xf32, #tpu.memory_space<vmem>>) target(%dma_start3A_194 : memref<10016x128xf32, #tpu.memory_space<vmem_shared>>) offsets(%dma_start3A_191 : memref<48xi32, #tpu.memory_space<vmem>>) semaphore(%arg24 : memref<!tpu.dma_semaphore, #tpu.memory_space<semaphore_mem>>) {add = true}
    }
    %scan3A_32 = arith.constant 42 : i32
    %dma_wait3A_33 = arith.constant 9984 : i32
    %dma_wait3A_34 = tpu.memref_slice %arg8[%dma_wait3A_33] : memref<10080xi32, #tpu.memory_space<vmem>> -> memref<48xi32, #tpu.memory_space<vmem>>
    %dma_wait3A_35 = arith.constant 0 : i32
    %dma_wait3A_36 = arith.constant 0 : i32
    %dma_wait3A_37 = tpu.memref_slice %arg14[%dma_wait3A_35, %dma_wait3A_36] : memref<10016x128xf32, #tpu.memory_space<vmem_shared>> -> memref<10016x128xf32, #tpu.memory_space<vmem_shared>>
    tpu.wait_indirect_dma semaphore(%arg23 : memref<!tpu.dma_semaphore, #tpu.memory_space<semaphore_mem>>) src(%arg12 : memref<48x128xf32, #tpu.memory_space<vmem>>) dst(%dma_wait3A_37 : memref<10016x128xf32, #tpu.memory_space<vmem_shared>>)
    %dma_wait3A_38 = arith.constant 10032 : i32
    %dma_wait3A_39 = tpu.memref_slice %arg8[%dma_wait3A_38] : memref<10080xi32, #tpu.memory_space<vmem>> -> memref<48xi32, #tpu.memory_space<vmem>>
    %dma_wait3A_40 = arith.constant 0 : i32
    %dma_wait3A_41 = arith.constant 0 : i32
    %dma_wait3A_42 = tpu.memref_slice %arg14[%dma_wait3A_40, %dma_wait3A_41] : memref<10016x128xf32, #tpu.memory_space<vmem_shared>> -> memref<10016x128xf32, #tpu.memory_space<vmem_shared>>
    tpu.wait_indirect_dma semaphore(%arg24 : memref<!tpu.dma_semaphore, #tpu.memory_space<semaphore_mem>>) src(%arg13 : memref<48x128xf32, #tpu.memory_space<vmem>>) dst(%dma_wait3A_42 : memref<10016x128xf32, #tpu.memory_space<vmem_shared>>)
    %barrier3A_43 = arith.constant 0 : index
    tpu.barrier barrier_id(%barrier3A_43)
    %mul3A_44 = arith.constant 624 : i32
    %mul3A_45 = arith.muli %arg1, %mul3A_44 : i32
    %mul3A_46 = arith.constant 10000 : i32
    %mul3A_47 = arith.muli %arg0, %mul3A_46 : i32
    %mul3A_48 = arith.constant 624 : i32
    %mul3A_49 = arith.muli %arg1, %mul3A_48 : i32
    %add3A_50 = arith.addi %mul3A_47, %mul3A_49 : i32
    "tpu.region"() ({
      %run_scoped3A = tpu.sem_alloc : memref<!tpu.dma_semaphore, #tpu.memory_space<semaphore_mem>>
      %dma_start3A_56 = arith.constant 0 : i32
      %dma_start3A_57 = tpu.memref_slice %arg6[%add3A_50, %dma_start3A_56] : memref<20000x128xf32, #tpu.memory_space<hbm>> -> memref<624x128xf32, #tpu.memory_space<hbm>>
      %dma_start3A_58 = arith.constant 0 : i32
      %dma_start3A_59 = tpu.memref_slice %arg14[%mul3A_45, %dma_start3A_58] : memref<10016x128xf32, #tpu.memory_space<vmem_shared>> -> memref<624x128xf32, #tpu.memory_space<vmem_shared>>
      tpu.enqueue_dma source(%dma_start3A_59 : memref<624x128xf32, #tpu.memory_space<vmem_shared>>) target(%dma_start3A_57 : memref<624x128xf32, #tpu.memory_space<hbm>>) target_semaphore(%run_scoped3A : memref<!tpu.dma_semaphore, #tpu.memory_space<semaphore_mem>>)
      %dma_wait3A_60 = arith.constant 0 : i32
      %dma_wait3A_61 = tpu.memref_slice %arg6[%add3A_50, %dma_wait3A_60] : memref<20000x128xf32, #tpu.memory_space<hbm>> -> memref<624x128xf32, #tpu.memory_space<hbm>>
      %dma_wait3A_62 = arith.constant 0 : i32
      %dma_wait3A_63 = tpu.memref_slice %arg14[%mul3A_45, %dma_wait3A_62] : memref<10016x128xf32, #tpu.memory_space<vmem_shared>> -> memref<624x128xf32, #tpu.memory_space<vmem_shared>>
      tpu.wait_dma2 semaphore(%run_scoped3A : memref<!tpu.dma_semaphore, #tpu.memory_space<semaphore_mem>>) src(%dma_wait3A_63 : memref<624x128xf32, #tpu.memory_space<vmem_shared>>) dst(%dma_wait3A_61 : memref<624x128xf32, #tpu.memory_space<hbm>>)
      tpu.yield
    }) : () -> ()
    %eq3A_51 = arith.constant 0 : i32
    %eq3A_52 = arith.cmpi eq, %arg1, %eq3A_51 : i32
    %convert_element_type3A_53 = arith.extui %eq3A_52 : i1 to i32
    %cond3A_54 = arith.constant 0 : i32
    %cond3A_55 = arith.cmpi ne, %convert_element_type3A_53, %cond3A_54 : i32
    scf.if %cond3A_55 {
      %mul3A_56 = arith.constant 10000 : i32
      %mul3A_57 = arith.muli %arg0, %mul3A_56 : i32
      %add3A_58 = arith.constant 9984 : i32
      %add3A_59 = arith.addi %mul3A_57, %add3A_58 : i32
      "tpu.region"() ({
        %run_scoped3A = tpu.sem_alloc : memref<!tpu.dma_semaphore, #tpu.memory_space<semaphore_mem>>
        %dma_start3A_60 = arith.constant 0 : i32
        %dma_start3A_61 = tpu.memref_slice %arg6[%add3A_59, %dma_start3A_60] : memref<20000x128xf32, #tpu.memory_space<hbm>> -> memref<16x128xf32, #tpu.memory_space<hbm>>
        %dma_start3A_62 = arith.constant 9984 : i32
        %dma_start3A_63 = arith.constant 0 : i32
        %dma_start3A_64 = tpu.memref_slice %arg14[%dma_start3A_62, %dma_start3A_63] : memref<10016x128xf32, #tpu.memory_space<vmem_shared>> -> memref<16x128xf32, #tpu.memory_space<vmem_shared>>
        tpu.enqueue_dma source(%dma_start3A_64 : memref<16x128xf32, #tpu.memory_space<vmem_shared>>) target(%dma_start3A_61 : memref<16x128xf32, #tpu.memory_space<hbm>>) target_semaphore(%run_scoped3A : memref<!tpu.dma_semaphore, #tpu.memory_space<semaphore_mem>>)
        %dma_wait3A_65 = arith.constant 0 : i32
        %dma_wait3A_66 = tpu.memref_slice %arg6[%add3A_59, %dma_wait3A_65] : memref<20000x128xf32, #tpu.memory_space<hbm>> -> memref<16x128xf32, #tpu.memory_space<hbm>>
        %dma_wait3A_67 = arith.constant 9984 : i32
        %dma_wait3A_68 = arith.constant 0 : i32
        %dma_wait3A_69 = tpu.memref_slice %arg14[%dma_wait3A_67, %dma_wait3A_68] : memref<10016x128xf32, #tpu.memory_space<vmem_shared>> -> memref<16x128xf32, #tpu.memory_space<vmem_shared>>
        tpu.wait_dma2 semaphore(%run_scoped3A : memref<!tpu.dma_semaphore, #tpu.memory_space<semaphore_mem>>) src(%dma_wait3A_69 : memref<16x128xf32, #tpu.memory_space<vmem_shared>>) dst(%dma_wait3A_66 : memref<16x128xf32, #tpu.memory_space<hbm>>)
        tpu.yield
      }) : () -> ()
    } else {
    }
    return
  }
}

module attributes {stable_mosaic.version = 14 : i64} {
  func.func @_mlp_body(%arg0: memref<10000x128xf32, #tpu.memory_space<vmem>>, %arg1: memref<20000x128xf32, #tpu.memory_space<vmem>>, %arg2: memref<128x128xf32, #tpu.memory_space<vmem>>, %arg3: memref<1x128xf32, #tpu.memory_space<vmem>>, %arg4: memref<1x128xf32, #tpu.memory_space<vmem>>, %arg5: memref<1x128xf32, #tpu.memory_space<vmem>>, %arg6: memref<128x128xf32, #tpu.memory_space<vmem>>, %arg7: memref<1x128xf32, #tpu.memory_space<vmem>>, %arg8: memref<1x128xf32, #tpu.memory_space<vmem>>, %arg9: memref<1x128xf32, #tpu.memory_space<vmem>>, %arg10: memref<10000x128xf32, #tpu.memory_space<vmem>>) attributes {dimension_semantics = [], scalar_prefetch = 0 : i64, scratch_operands = 0 : i64, tpu.core_type = #tpu.core_type<tc>} {
    %get3A = arith.constant 0 : index
    %get3A_0 = arith.constant 0 : index
    %get3A_1 = vector.load %arg0[%get3A, %get3A_0] : memref<10000x128xf32, #tpu.memory_space<vmem>>, vector<10000x128xf32>
    %get3A_2 = arith.constant 0 : index
    %get3A_3 = arith.constant 0 : index
    %get3A_4 = vector.load %arg1[%get3A_2, %get3A_3] : memref<20000x128xf32, #tpu.memory_space<vmem>>, vector<10000x128xf32>
    %add3A = arith.addf %get3A_1, %get3A_4 : vector<10000x128xf32>
    %get3A_5 = arith.constant 10000 : index
    %get3A_6 = arith.constant 0 : index
    %get3A_7 = vector.load %arg1[%get3A_5, %get3A_6] : memref<20000x128xf32, #tpu.memory_space<vmem>>, vector<10000x128xf32>
    %add3A_8 = arith.addf %add3A, %get3A_7 : vector<10000x128xf32>
    %get3A_9 = arith.constant 0 : index
    %get3A_10 = arith.constant 0 : index
    %get3A_11 = vector.load %arg2[%get3A_9, %get3A_10] : memref<128x128xf32, #tpu.memory_space<vmem>>, vector<128x128xf32>
    %dot_general3A = arith.constant dense<0.000000e+00> : vector<10000x128xf32>
    %dot_general3A_12 = tpu.matmul %add3A_8, %get3A_11, %dot_general3A {dimension_numbers = #tpu.dot_dimension_numbers<[1], [0], [0], [1], [0, 0, 1, 1], [], []>, transpose_lhs_hint = false} : vector<10000x128xf32>, vector<128x128xf32>, vector<10000x128xf32> -> vector<10000x128xf32>
    %get3A_13 = arith.constant 0 : index
    %get3A_14 = arith.constant 0 : index
    %get3A_15 = vector.load %arg3[%get3A_13, %get3A_14] : memref<1x128xf32, #tpu.memory_space<vmem>>, vector<1x128xf32>
    %add3A_16 = vector.broadcast %get3A_15 : vector<1x128xf32> to vector<10000x128xf32>
    %add3A_17 = arith.addf %dot_general3A_12, %add3A_16 : vector<10000x128xf32>
    %get3A_18 = arith.constant 0 : index
    %get3A_19 = arith.constant 0 : index
    %get3A_20 = vector.load %arg4[%get3A_18, %get3A_19] : memref<1x128xf32, #tpu.memory_space<vmem>>, vector<1x128xf32>
    %get3A_21 = arith.constant 0 : index
    %get3A_22 = arith.constant 0 : index
    %get3A_23 = vector.load %arg5[%get3A_21, %get3A_22] : memref<1x128xf32, #tpu.memory_space<vmem>>, vector<1x128xf32>
    %reduce_sum3A = arith.constant dense<0.000000e+00> : vector<128xf32>
    %reduce_sum3A_24 = vector.multi_reduction <add>, %add3A_17, %reduce_sum3A [0] : vector<10000x128xf32> to vector<128xf32>
    %broadcast_in_dim3A = vector.shape_cast %reduce_sum3A_24 : vector<128xf32> to vector<1x128xf32>
    %div3A = arith.constant 1.000000e+04 : f32
    %div3A_25 = vector.broadcast %div3A : f32 to vector<1x128xf32>
    %div3A_26 = arith.divf %broadcast_in_dim3A, %div3A_25 : vector<1x128xf32>
    %sub3A = vector.broadcast %div3A_26 : vector<1x128xf32> to vector<10000x128xf32>
    %sub3A_27 = arith.subf %add3A_17, %sub3A : vector<10000x128xf32>
    %square3A = arith.mulf %sub3A_27, %sub3A_27 : vector<10000x128xf32>
    %reduce_sum3A_28 = arith.constant dense<0.000000e+00> : vector<128xf32>
    %reduce_sum3A_29 = vector.multi_reduction <add>, %square3A, %reduce_sum3A_28 [0] : vector<10000x128xf32> to vector<128xf32>
    %broadcast_in_dim3A_30 = vector.shape_cast %reduce_sum3A_29 : vector<128xf32> to vector<1x128xf32>
    %div3A_31 = arith.constant 1.000000e+04 : f32
    %div3A_32 = vector.broadcast %div3A_31 : f32 to vector<1x128xf32>
    %div3A_33 = arith.divf %broadcast_in_dim3A_30, %div3A_32 : vector<1x128xf32>
    %sub3A_34 = vector.broadcast %div3A_26 : vector<1x128xf32> to vector<10000x128xf32>
    %sub3A_35 = arith.subf %add3A_17, %sub3A_34 : vector<10000x128xf32>
    %add3A_36 = arith.constant 9.99999974E-6 : f32
    %add3A_37 = vector.broadcast %add3A_36 : f32 to vector<1x128xf32>
    %add3A_38 = arith.addf %div3A_33, %add3A_37 : vector<1x128xf32>
    %rsqrt3A = math.rsqrt %add3A_38 : vector<1x128xf32>
    %mul3A = vector.broadcast %rsqrt3A : vector<1x128xf32> to vector<10000x128xf32>
    %mul3A_39 = arith.mulf %sub3A_35, %mul3A : vector<10000x128xf32>
    %mul3A_40 = vector.broadcast %get3A_20 : vector<1x128xf32> to vector<10000x128xf32>
    %mul3A_41 = arith.mulf %mul3A_39, %mul3A_40 : vector<10000x128xf32>
    %add3A_42 = vector.broadcast %get3A_23 : vector<1x128xf32> to vector<10000x128xf32>
    %add3A_43 = arith.addf %mul3A_41, %add3A_42 : vector<10000x128xf32>
    %max3A = arith.constant 0.000000e+00 : f32
    %max3A_44 = vector.broadcast %max3A : f32 to vector<10000x128xf32>
    %max3A_45 = arith.maximumf %add3A_43, %max3A_44 : vector<10000x128xf32>
    %get3A_46 = arith.constant 0 : index
    %get3A_47 = arith.constant 0 : index
    %get3A_48 = vector.load %arg6[%get3A_46, %get3A_47] : memref<128x128xf32, #tpu.memory_space<vmem>>, vector<128x128xf32>
    %dot_general3A_49 = arith.constant dense<0.000000e+00> : vector<10000x128xf32>
    %dot_general3A_50 = tpu.matmul %max3A_45, %get3A_48, %dot_general3A_49 {dimension_numbers = #tpu.dot_dimension_numbers<[1], [0], [0], [1], [0, 0, 1, 1], [], []>, transpose_lhs_hint = false} : vector<10000x128xf32>, vector<128x128xf32>, vector<10000x128xf32> -> vector<10000x128xf32>
    %get3A_51 = arith.constant 0 : index
    %get3A_52 = arith.constant 0 : index
    %get3A_53 = vector.load %arg7[%get3A_51, %get3A_52] : memref<1x128xf32, #tpu.memory_space<vmem>>, vector<1x128xf32>
    %add3A_54 = vector.broadcast %get3A_53 : vector<1x128xf32> to vector<10000x128xf32>
    %add3A_55 = arith.addf %dot_general3A_50, %add3A_54 : vector<10000x128xf32>
    %get3A_56 = arith.constant 0 : index
    %get3A_57 = arith.constant 0 : index
    %get3A_58 = vector.load %arg8[%get3A_56, %get3A_57] : memref<1x128xf32, #tpu.memory_space<vmem>>, vector<1x128xf32>
    %get3A_59 = arith.constant 0 : index
    %get3A_60 = arith.constant 0 : index
    %get3A_61 = vector.load %arg9[%get3A_59, %get3A_60] : memref<1x128xf32, #tpu.memory_space<vmem>>, vector<1x128xf32>
    %reduce_sum3A_62 = arith.constant dense<0.000000e+00> : vector<128xf32>
    %reduce_sum3A_63 = vector.multi_reduction <add>, %add3A_55, %reduce_sum3A_62 [0] : vector<10000x128xf32> to vector<128xf32>
    %broadcast_in_dim3A_64 = vector.shape_cast %reduce_sum3A_63 : vector<128xf32> to vector<1x128xf32>
    %div3A_65 = arith.constant 1.000000e+04 : f32
    %div3A_66 = vector.broadcast %div3A_65 : f32 to vector<1x128xf32>
    %div3A_67 = arith.divf %broadcast_in_dim3A_64, %div3A_66 : vector<1x128xf32>
    %sub3A_68 = vector.broadcast %div3A_67 : vector<1x128xf32> to vector<10000x128xf32>
    %sub3A_69 = arith.subf %add3A_55, %sub3A_68 : vector<10000x128xf32>
    %square3A_70 = arith.mulf %sub3A_69, %sub3A_69 : vector<10000x128xf32>
    %reduce_sum3A_71 = arith.constant dense<0.000000e+00> : vector<128xf32>
    %reduce_sum3A_72 = vector.multi_reduction <add>, %square3A_70, %reduce_sum3A_71 [0] : vector<10000x128xf32> to vector<128xf32>
    %broadcast_in_dim3A_73 = vector.shape_cast %reduce_sum3A_72 : vector<128xf32> to vector<1x128xf32>
    %div3A_74 = arith.constant 1.000000e+04 : f32
    %div3A_75 = vector.broadcast %div3A_74 : f32 to vector<1x128xf32>
    %div3A_76 = arith.divf %broadcast_in_dim3A_73, %div3A_75 : vector<1x128xf32>
    %sub3A_77 = vector.broadcast %div3A_67 : vector<1x128xf32> to vector<10000x128xf32>
    %sub3A_78 = arith.subf %add3A_55, %sub3A_77 : vector<10000x128xf32>
    %add3A_79 = arith.constant 9.99999974E-6 : f32
    %add3A_80 = vector.broadcast %add3A_79 : f32 to vector<1x128xf32>
    %add3A_81 = arith.addf %div3A_76, %add3A_80 : vector<1x128xf32>
    %rsqrt3A_82 = math.rsqrt %add3A_81 : vector<1x128xf32>
    %mul3A_83 = vector.broadcast %rsqrt3A_82 : vector<1x128xf32> to vector<10000x128xf32>
    %mul3A_84 = arith.mulf %sub3A_78, %mul3A_83 : vector<10000x128xf32>
    %mul3A_85 = vector.broadcast %get3A_58 : vector<1x128xf32> to vector<10000x128xf32>
    %mul3A_86 = arith.mulf %mul3A_84, %mul3A_85 : vector<10000x128xf32>
    %add3A_87 = vector.broadcast %get3A_61 : vector<1x128xf32> to vector<10000x128xf32>
    %add3A_88 = arith.addf %mul3A_86, %add3A_87 : vector<10000x128xf32>
    %max3A_89 = arith.constant 0.000000e+00 : f32
    %max3A_90 = vector.broadcast %max3A_89 : f32 to vector<10000x128xf32>
    %max3A_91 = arith.maximumf %add3A_88, %max3A_90 : vector<10000x128xf32>
    %swap3A = arith.constant 0 : index
    %swap3A_92 = arith.constant 0 : index
    %swap3A_93 = vector.load %arg10[%swap3A, %swap3A_92] : memref<10000x128xf32, #tpu.memory_space<vmem>>, vector<10000x128xf32>
    tpu.vector_store %arg10[%swap3A, %swap3A_92], %max3A_91 {strides = array<i32>} : memref<10000x128xf32, #tpu.memory_space<vmem>>, vector<10000x128xf32>,
    return
  }
}

module attributes {stable_mosaic.version = 14 : i64} {
  func.func @_mlp_pool_body(%arg0: memref<10000x128xf32, #tpu.memory_space<vmem>>, %arg1: memref<20000x128xf32, #tpu.memory_space<vmem>>, %arg2: memref<10000x1xi32, #tpu.memory_space<vmem>>, %arg3: memref<128x128xf32, #tpu.memory_space<vmem>>, %arg4: memref<1x128xf32, #tpu.memory_space<vmem>>, %arg5: memref<1x128xf32, #tpu.memory_space<vmem>>, %arg6: memref<1x128xf32, #tpu.memory_space<vmem>>, %arg7: memref<128x128xf32, #tpu.memory_space<vmem>>, %arg8: memref<1x128xf32, #tpu.memory_space<vmem>>, %arg9: memref<1x128xf32, #tpu.memory_space<vmem>>, %arg10: memref<1x128xf32, #tpu.memory_space<vmem>>, %arg11: memref<64x128xf32, #tpu.memory_space<vmem>>) attributes {dimension_semantics = [], scalar_prefetch = 0 : i64, scratch_operands = 0 : i64, tpu.core_type = #tpu.core_type<tc>} {
    %get3A = arith.constant 0 : index
    %get3A_0 = arith.constant 0 : index
    %get3A_1 = vector.load %arg0[%get3A, %get3A_0] : memref<10000x128xf32, #tpu.memory_space<vmem>>, vector<10000x128xf32>
    %get3A_2 = arith.constant 0 : index
    %get3A_3 = arith.constant 0 : index
    %get3A_4 = vector.load %arg1[%get3A_2, %get3A_3] : memref<20000x128xf32, #tpu.memory_space<vmem>>, vector<10000x128xf32>
    %add3A = arith.addf %get3A_1, %get3A_4 : vector<10000x128xf32>
    %get3A_5 = arith.constant 10000 : index
    %get3A_6 = arith.constant 0 : index
    %get3A_7 = vector.load %arg1[%get3A_5, %get3A_6] : memref<20000x128xf32, #tpu.memory_space<vmem>>, vector<10000x128xf32>
    %add3A_8 = arith.addf %add3A, %get3A_7 : vector<10000x128xf32>
    %get3A_9 = arith.constant 0 : index
    %get3A_10 = arith.constant 0 : index
    %get3A_11 = vector.load %arg3[%get3A_9, %get3A_10] : memref<128x128xf32, #tpu.memory_space<vmem>>, vector<128x128xf32>
    %dot_general3A = arith.constant dense<0.000000e+00> : vector<10000x128xf32>
    %dot_general3A_12 = tpu.matmul %add3A_8, %get3A_11, %dot_general3A {dimension_numbers = #tpu.dot_dimension_numbers<[1], [0], [0], [1], [0, 0, 1, 1], [], []>, transpose_lhs_hint = false} : vector<10000x128xf32>, vector<128x128xf32>, vector<10000x128xf32> -> vector<10000x128xf32>
    %get3A_13 = arith.constant 0 : index
    %get3A_14 = arith.constant 0 : index
    %get3A_15 = vector.load %arg4[%get3A_13, %get3A_14] : memref<1x128xf32, #tpu.memory_space<vmem>>, vector<1x128xf32>
    %add3A_16 = vector.broadcast %get3A_15 : vector<1x128xf32> to vector<10000x128xf32>
    %add3A_17 = arith.addf %dot_general3A_12, %add3A_16 : vector<10000x128xf32>
    %get3A_18 = arith.constant 0 : index
    %get3A_19 = arith.constant 0 : index
    %get3A_20 = vector.load %arg5[%get3A_18, %get3A_19] : memref<1x128xf32, #tpu.memory_space<vmem>>, vector<1x128xf32>
    %get3A_21 = arith.constant 0 : index
    %get3A_22 = arith.constant 0 : index
    %get3A_23 = vector.load %arg6[%get3A_21, %get3A_22] : memref<1x128xf32, #tpu.memory_space<vmem>>, vector<1x128xf32>
    %reduce_sum3A = arith.constant dense<0.000000e+00> : vector<128xf32>
    %reduce_sum3A_24 = vector.multi_reduction <add>, %add3A_17, %reduce_sum3A [0] : vector<10000x128xf32> to vector<128xf32>
    %broadcast_in_dim3A = vector.shape_cast %reduce_sum3A_24 : vector<128xf32> to vector<1x128xf32>
    %div3A = arith.constant 1.000000e+04 : f32
    %div3A_25 = vector.broadcast %div3A : f32 to vector<1x128xf32>
    %div3A_26 = arith.divf %broadcast_in_dim3A, %div3A_25 : vector<1x128xf32>
    %sub3A = vector.broadcast %div3A_26 : vector<1x128xf32> to vector<10000x128xf32>
    %sub3A_27 = arith.subf %add3A_17, %sub3A : vector<10000x128xf32>
    %square3A = arith.mulf %sub3A_27, %sub3A_27 : vector<10000x128xf32>
    %reduce_sum3A_28 = arith.constant dense<0.000000e+00> : vector<128xf32>
    %reduce_sum3A_29 = vector.multi_reduction <add>, %square3A, %reduce_sum3A_28 [0] : vector<10000x128xf32> to vector<128xf32>
    %broadcast_in_dim3A_30 = vector.shape_cast %reduce_sum3A_29 : vector<128xf32> to vector<1x128xf32>
    %div3A_31 = arith.constant 1.000000e+04 : f32
    %div3A_32 = vector.broadcast %div3A_31 : f32 to vector<1x128xf32>
    %div3A_33 = arith.divf %broadcast_in_dim3A_30, %div3A_32 : vector<1x128xf32>
    %sub3A_34 = vector.broadcast %div3A_26 : vector<1x128xf32> to vector<10000x128xf32>
    %sub3A_35 = arith.subf %add3A_17, %sub3A_34 : vector<10000x128xf32>
    %add3A_36 = arith.constant 9.99999974E-6 : f32
    %add3A_37 = vector.broadcast %add3A_36 : f32 to vector<1x128xf32>
    %add3A_38 = arith.addf %div3A_33, %add3A_37 : vector<1x128xf32>
    %rsqrt3A = math.rsqrt %add3A_38 : vector<1x128xf32>
    %mul3A = vector.broadcast %rsqrt3A : vector<1x128xf32> to vector<10000x128xf32>
    %mul3A_39 = arith.mulf %sub3A_35, %mul3A : vector<10000x128xf32>
    %mul3A_40 = vector.broadcast %get3A_20 : vector<1x128xf32> to vector<10000x128xf32>
    %mul3A_41 = arith.mulf %mul3A_39, %mul3A_40 : vector<10000x128xf32>
    %add3A_42 = vector.broadcast %get3A_23 : vector<1x128xf32> to vector<10000x128xf32>
    %add3A_43 = arith.addf %mul3A_41, %add3A_42 : vector<10000x128xf32>
    %max3A = arith.constant 0.000000e+00 : f32
    %max3A_44 = vector.broadcast %max3A : f32 to vector<10000x128xf32>
    %max3A_45 = arith.maximumf %add3A_43, %max3A_44 : vector<10000x128xf32>
    %get3A_46 = arith.constant 0 : index
    %get3A_47 = arith.constant 0 : index
    %get3A_48 = vector.load %arg7[%get3A_46, %get3A_47] : memref<128x128xf32, #tpu.memory_space<vmem>>, vector<128x128xf32>
    %dot_general3A_49 = arith.constant dense<0.000000e+00> : vector<10000x128xf32>
    %dot_general3A_50 = tpu.matmul %max3A_45, %get3A_48, %dot_general3A_49 {dimension_numbers = #tpu.dot_dimension_numbers<[1], [0], [0], [1], [0, 0, 1, 1], [], []>, transpose_lhs_hint = false} : vector<10000x128xf32>, vector<128x128xf32>, vector<10000x128xf32> -> vector<10000x128xf32>
    %get3A_51 = arith.constant 0 : index
    %get3A_52 = arith.constant 0 : index
    %get3A_53 = vector.load %arg8[%get3A_51, %get3A_52] : memref<1x128xf32, #tpu.memory_space<vmem>>, vector<1x128xf32>
    %add3A_54 = vector.broadcast %get3A_53 : vector<1x128xf32> to vector<10000x128xf32>
    %add3A_55 = arith.addf %dot_general3A_50, %add3A_54 : vector<10000x128xf32>
    %get3A_56 = arith.constant 0 : index
    %get3A_57 = arith.constant 0 : index
    %get3A_58 = vector.load %arg9[%get3A_56, %get3A_57] : memref<1x128xf32, #tpu.memory_space<vmem>>, vector<1x128xf32>
    %get3A_59 = arith.constant 0 : index
    %get3A_60 = arith.constant 0 : index
    %get3A_61 = vector.load %arg10[%get3A_59, %get3A_60] : memref<1x128xf32, #tpu.memory_space<vmem>>, vector<1x128xf32>
    %reduce_sum3A_62 = arith.constant dense<0.000000e+00> : vector<128xf32>
    %reduce_sum3A_63 = vector.multi_reduction <add>, %add3A_55, %reduce_sum3A_62 [0] : vector<10000x128xf32> to vector<128xf32>
    %broadcast_in_dim3A_64 = vector.shape_cast %reduce_sum3A_63 : vector<128xf32> to vector<1x128xf32>
    %div3A_65 = arith.constant 1.000000e+04 : f32
    %div3A_66 = vector.broadcast %div3A_65 : f32 to vector<1x128xf32>
    %div3A_67 = arith.divf %broadcast_in_dim3A_64, %div3A_66 : vector<1x128xf32>
    %sub3A_68 = vector.broadcast %div3A_67 : vector<1x128xf32> to vector<10000x128xf32>
    %sub3A_69 = arith.subf %add3A_55, %sub3A_68 : vector<10000x128xf32>
    %square3A_70 = arith.mulf %sub3A_69, %sub3A_69 : vector<10000x128xf32>
    %reduce_sum3A_71 = arith.constant dense<0.000000e+00> : vector<128xf32>
    %reduce_sum3A_72 = vector.multi_reduction <add>, %square3A_70, %reduce_sum3A_71 [0] : vector<10000x128xf32> to vector<128xf32>
    %broadcast_in_dim3A_73 = vector.shape_cast %reduce_sum3A_72 : vector<128xf32> to vector<1x128xf32>
    %div3A_74 = arith.constant 1.000000e+04 : f32
    %div3A_75 = vector.broadcast %div3A_74 : f32 to vector<1x128xf32>
    %div3A_76 = arith.divf %broadcast_in_dim3A_73, %div3A_75 : vector<1x128xf32>
    %sub3A_77 = vector.broadcast %div3A_67 : vector<1x128xf32> to vector<10000x128xf32>
    %sub3A_78 = arith.subf %add3A_55, %sub3A_77 : vector<10000x128xf32>
    %add3A_79 = arith.constant 9.99999974E-6 : f32
    %add3A_80 = vector.broadcast %add3A_79 : f32 to vector<1x128xf32>
    %add3A_81 = arith.addf %div3A_76, %add3A_80 : vector<1x128xf32>
    %rsqrt3A_82 = math.rsqrt %add3A_81 : vector<1x128xf32>
    %mul3A_83 = vector.broadcast %rsqrt3A_82 : vector<1x128xf32> to vector<10000x128xf32>
    %mul3A_84 = arith.mulf %sub3A_78, %mul3A_83 : vector<10000x128xf32>
    %mul3A_85 = vector.broadcast %get3A_58 : vector<1x128xf32> to vector<10000x128xf32>
    %mul3A_86 = arith.mulf %mul3A_84, %mul3A_85 : vector<10000x128xf32>
    %add3A_87 = vector.broadcast %get3A_61 : vector<1x128xf32> to vector<10000x128xf32>
    %add3A_88 = arith.addf %mul3A_86, %add3A_87 : vector<10000x128xf32>
    %max3A_89 = arith.constant 0.000000e+00 : f32
    %max3A_90 = vector.broadcast %max3A_89 : f32 to vector<10000x128xf32>
    %max3A_91 = arith.maximumf %add3A_88, %max3A_90 : vector<10000x128xf32>
    %iota3A = tpu.iota {dimensions = array<i32: 1>} : vector<10000x64xi32>
    %get3A_92 = arith.constant 0 : index
    %get3A_93 = arith.constant 0 : index
    %get3A_94 = vector.load %arg2[%get3A_92, %get3A_93] : memref<10000x1xi32, #tpu.memory_space<vmem>>, vector<10000x1xi32>
    %eq3A = vector.broadcast %get3A_94 : vector<10000x1xi32> to vector<10000x64xi32>
    %eq3A_95 = arith.cmpi eq, %eq3A, %iota3A : vector<10000x64xi32>
    %convert_element_type3A = arith.extui %eq3A_95 : vector<10000x64xi1> to vector<10000x64xi32>
    %convert_element_type3A_96 = arith.sitofp %convert_element_type3A : vector<10000x64xi32> to vector<10000x64xf32>
    %dot_general3A_97 = arith.constant dense<0.000000e+00> : vector<64x128xf32>
    %dot_general3A_98 = tpu.matmul %convert_element_type3A_96, %max3A_91, %dot_general3A_97 {dimension_numbers = #tpu.dot_dimension_numbers<[0], [0], [1], [1], [0, 1, 1, 1], [], []>, transpose_lhs_hint = false} : vector<10000x64xf32>, vector<10000x128xf32>, vector<64x128xf32> -> vector<64x128xf32>
    %swap3A = arith.constant 0 : index
    %swap3A_99 = arith.constant 0 : index
    %swap3A_100 = vector.load %arg11[%swap3A, %swap3A_99] : memref<64x128xf32, #tpu.memory_space<vmem>>, vector<64x128xf32>
    tpu.vector_store %arg11[%swap3A, %swap3A_99], %dot_general3A_98 {strides = array<i32>} : memref<64x128xf32, #tpu.memory_space<vmem>>, vector<64x128xf32>,
    return
  }
}

</mosaic_0001>

<sc_bundles>
// kernel: kernel.11.cloned.1.call-start
scs
__scs_entry_jumppad:
0x0: {  	(pc) =	sbr.rel $0x88, $3  }
0x1: {  	(tag) =	ssettag $0x0;
	lr =	simm.s32 $0x1  }
0x2: {  	[smem:$0x3F96] =	sst lr;
	_ =	strace $0xD0000000  }
0x3: {  	_ = 	snop  }
0x4: {  	_ = 	snop  }
0x5: {  	_ = 	snop  }
0x6: {  	_ = 	snop  }
0x7: {  	_ = 	snop  }
__scs_overlays_trampoline_lowered:
0x8: {  	[smem:$0x3FA5] =	sst s0  }
0x9: {  	[smem:$0x3FA6] =	sst s1  }
0xa: {  	[smem:$0x3FA7] =	sst s2  }
0xb: {  	[smem:$0x3FA8] =	sst s3  }
0xc: {  	[smem:$0x3FA9] =	sst s4  }
0xd: {  	[smem:$0x3FAA] =	sst s5  }
0xe: {  	[smem:$0x3FAB] =	sst s6  }
0xf: {  	[smem:$0x3FAC] =	sst s7  }
0x10: {  	[smem:$0x3FAD] =	sst s8  }
0x11: {  	[smem:$0x3FAE] =	sst s9;
	s0 =	simm.s32 @!p0 $0x0  }
0x12: {  	s1 =	sld [smem:$0x3F94];
	s0 =	simm.s32 @p0 $0x1  }
0x13: {  	[smem:$0x3FAF] =	sst s0;
	s0 =	simm.s32 @!p1 $0x0  }
0x14: {  	s2 =	sld [smem:$0x3F93];
	s0 =	simm.s32 @p1 $0x1  }
0x15: {  	[smem:$0x3FB0] =	sst s0;
	s0 =	simm.s32 @!p2 $0x0  }
0x16: {  	s3 =	sld [smem:$0x3FDB];
	s0 =	simm.s32 @p2 $0x1  }
0x17: {  	s4 =	simm.s32 $0x1BF5;
	[smem:$0x3FB2] =	sst s0  }
0x18: {  	s0 =	sld [smem:$0x3F95];
	_ =	swait.ge [sflag:s4], $0x0  }
0x19: {  	s7 =	sld [smem:$0x3F96]  }
0x1a: {  	s8 =	sadd.s32 $0xFFFFE003, lr  }
0x1b: {  	s9 =	sadd.s32 $0xFFFFFEF7, lr;
	s5 =	simm.s32 $0xFFFFFFFF;
	p2 =	slt.u32 s8, $0xFFFFF086  }
0x1c: {  	p1 =	slt.u32 s9, $0xF7A;
	s5 =	simm.s32 @!p2 $0x0  }
0x1d: {  	s5 =	simm.s32 @p1 $0x1;
	p0 =	seq.s32 s7, s2  }
0x1e: {  	s7 =	smul.u32 @!p0 $0xF7A, s2;
	p2 =	seq.s32 @!p0 s5, $0x0  }
0x1f: {  	s9 =	smul.u32 $0xF7A, s1;
	s8 =	simm.s32 @!p0 $0x1BF5;
	p2 =	por !p2, p0  }
0x20: {  	[sflag:s8] =	ssyncset.s32 @!p0 $0xFFFFF086;
	s6 =	sadd.s32 @!p0 s3, s7;
	s7 =	simm.s32 @!p0 $0x108  }
0x21: {  	s3 =	sadd.s32 s3, s9;
	s6 =	sadd.s32 @!p0 $0x88, s6;
	s7 =	simm.s32 @p2 $0x1082  }
0x22: {  	[simem:s7], [sflag:s8] =	dma.local @!p0 [hbm:s6], $0xF7A  }
0x23: {  	s9 =	sor.u32 $0xD0000000, s2;
	s6 =	simm.s32 $0x108;
	_ =	swait.ge @!p0 [sflag:s8], $0x0  }
0x24: {  	s3 =	sadd.s32 $0x88, s3;
	s6 =	simm.s32 @!p1 $0x1082;
	[sflag:s4] =	ssyncset.s32 $0xFFFFF086  }
0x25: {  	[simem:s6], [sflag:s4] =	dma.local [hbm:s3], $0xF7A  }
0x26: {  	[smem:$0x3F96] =	sst s1;
	(tag) =	ssettag s2;
	_ =	strace s9  }
0x27: {  	s1 =	sld [smem:$0x3FA6]  }
0x28: {  	s2 =	sld [smem:$0x3FA7]  }
0x29: {  	s4 =	sld [smem:$0x3FA9]  }
0x2a: {  	p0 =	seq.s32 s5, $0x0;
	s5 =	sld [smem:$0x3FAA]  }
0x2b: {  	s6 =	sld [smem:$0x3FAB]  }
0x2c: {  	s7 =	sld [smem:$0x3FAC]  }
0x2d: {  	s3 =	simm.s32 $0x108;
	s8 =	sld [smem:$0x3FAD]  }
0x2e: {  	s3 =	simm.s32 @!p0 $0x1082;
	s9 =	sld [smem:$0x3FAE]  }
0x2f: {  	lr =	sadd.s32 s0, s3;
	s0 =	sld [smem:$0x3FA5]  }
0x30: {  	s3 =	sld [smem:$0x3FA8]  }
0x31: {  	[smem:$0x3FB1] =	sst s10  }
0x32: {  	s10 =	sld [smem:$0x3FAF];
	_ =	sdelay $0x3  }
0x33: {  	p0 =	seq.s32 s10, $0x1;
	s10 =	sld [smem:$0x3FB1];
	_ =	sdelay $0x3  }
0x34: {  	[smem:$0x3FB1] =	sst s10  }
0x35: {  	s10 =	sld [smem:$0x3FB0];
	_ =	sdelay $0x3  }
0x36: {  	p1 =	seq.s32 s10, $0x1;
	s10 =	sld [smem:$0x3FB1];
	_ =	sdelay $0x3  }
0x37: {  	[smem:$0x3FB1] =	sst s10  }
0x38: {  	s10 =	sld [smem:$0x3FB2]  }
0x39: {  	_ = 	snop;
	(pc) =	sbr.ind lr, $3  }
0x3a: {  	_ = 	snop  }
0x3b: {  	_ = 	snop  }
0x3c: {  	p2 =	seq.s32 s10, $0x1;
	s10 =	sld [smem:$0x3FB1]  }
0x3d: {  	_ =	shalt  }
0x3e: {  	_ =	shalt  }
0x3f: {  	_ =	shalt  }
0x40: {  	_ =	shalt  }
0x41: {  	_ =	shalt  }
0x42: {  	_ =	shalt  }
0x43: {  	_ =	shalt  }
0x44: {  	_ =	shalt  }
0x45: {  	_ =	shalt  }
0x46: {  	_ =	shalt  }
0x47: {  	_ =	shalt  }
0x48: {  	_ =	shalt  }
0x49: {  	_ =	shalt  }
0x4a: {  	_ =	shalt  }
0x4b: {  	_ =	shalt  }
0x4c: {  	_ =	shalt  }
0x4d: {  	_ =	shalt  }
0x4e: {  	_ =	shalt  }
0x4f: {  	_ =	shalt  }
0x50: {  	_ =	shalt  }
0x51: {  	_ =	shalt  }
0x52: {  	_ =	shalt  }
0x53: {  	_ =	shalt  }
0x54: {  	_ =	shalt  }
0x55: {  	_ =	shalt  }
0x56: {  	_ =	shalt  }
0x57: {  	_ =	shalt  }
0x58: {  	_ =	shalt  }
0x59: {  	_ =	shalt  }
0x5a: {  	_ =	shalt  }
0x5b: {  	_ =	shalt  }
0x5c: {  	_ =	shalt  }
0x5d: {  	_ =	shalt  }
0x5e: {  	_ =	shalt  }
0x5f: {  	_ =	shalt  }
0x60: {  	_ =	shalt  }
0x61: {  	_ =	shalt  }
0x62: {  	_ =	shalt  }
0x63: {  	_ =	shalt  }
0x64: {  	_ =	shalt  }
0x65: {  	_ =	shalt  }
0x66: {  	_ =	shalt  }
0x67: {  	_ =	shalt  }
0x68: {  	_ =	shalt  }
0x69: {  	_ =	shalt  }
0x6a: {  	_ =	shalt  }
0x6b: {  	_ =	shalt  }
0x6c: {  	_ =	shalt  }
0x6d: {  	_ =	shalt  }
0x6e: {  	_ =	shalt  }
0x6f: {  	_ =	shalt  }
0x70: {  	_ =	shalt  }
0x71: {  	_ =	shalt  }
0x72: {  	_ =	shalt  }
0x73: {  	_ =	shalt  }
0x74: {  	_ =	shalt  }
0x75: {  	_ =	shalt  }
0x76: {  	_ =	shalt  }
0x77: {  	_ =	shalt  }
0x78: {  	_ =	shalt  }
0x79: {  	_ =	shalt  }
0x7a: {  	_ =	shalt  }
0x7b: {  	_ =	shalt  }
0x7c: {  	_ =	shalt  }
0x7d: {  	_ =	shalt  }
0x7e: {  	_ =	shalt  }
0x7f: {  	_ =	shalt  }
0x80: {  	_ =	shalt  }
0x81: {  	_ =	shalt  }
0x82: {  	_ =	shalt  }
0x83: {  	_ =	shalt  }
0x84: {  	_ =	shalt  }
0x85: {  	_ =	shalt  }
0x86: {  	_ =	shalt  }
0x87: {  	_ =	shalt  }
.Lfunc_end0:
.L_simem_size_0:
called_computation.1_lowered:
.L_overlay_start_0:
0x88: {  	s2 =	sld [smem:$0x3FD9]  }
0x89: {  	s3 =	sld [smem:$0x3FFE];
	_ =	sdelay $0x1  }
0x8a: {  	s1 =	srdreg.scid  }
0x8b: {  	s0 =	sand.u32 $0x1, s1  }
0x8c: {  	s16 =	sshll.u32 s0, $0xA;
	s2 =	sadd.s32 s3, s2  }
0x8d: {  	s2 =	sadd.s32 s2, s16  }
0x8e: {  	[smem:$0x3FBD] =	sst s2  }
0x8f: {  	_ = 	snop  }
0x90: {  	(tm) =	ssettm $0x1  }
0x91: {  	s17 =	sld [smem:$0x3FFB];
	_ =	sdelay $0x3  }
0x92: {  	_ =	strace s17  }
0x93: {  	s2 =	sld [smem:$0x3FFC];
	_ =	sdelay $0x3  }
0x94: {  	_ =	strace s2  }
0x95: {  	s2 =	sld [smem:$0x3FFD];
	_ =	sdelay $0x3  }
0x96: {  	_ =	strace s2  }
0x97: {  	_ =	strace $0x8FFFFFFF  }
0x98: {  	s18 =	sld [smem:$0x3FDB];
	_ =	sdelay $0x1  }
0x99: {  	s19 =	simm.s32 $_scs_section_size  }
0x9a: {  	s4 =	simm.s32 $_size__tile_overlayer_lowered;
	s5 =	simm.s32 $_tile_overlayer_lowered  }
0x9b: {  	s22 =	simm.s32 $0x1BFF;
	s21 =	sshll.u32 s5, $0x1;
	s2 =	sadd.s32 s19, s18  }
0x9c: {  	s6 =	simm.s32 $0x0;
	s20 =	sshll.u32 s4, $0x1;
	s4 =	sadd.s32 s21, s2  }
0x9d: {  	[timem:s6], [sflag:s22] =	dma.local [hbm:s4], s20  }
0x9e: {  	_ =	swait.ge [sflag:s22], s20  }
0x9f: {  	s3 =	ssub.s32 $0x0, s20;
	[sflag:s22] =	ssyncset.done $0x0  }
0xa0: {  	[sflag:s22] =	ssyncadd.s32 s3;
	_ =	sdelay $0x1  }
0xa1: {  	s23 =	simm.s32 $0x1B8B  }
0xa2: {  	_ =	swait.ge [sflag:s23], $0x1  }
0xa3: {  	[sflag:s23] =	ssyncset.done $0x0  }
0xa4: {  	s25 =	simm.s32 $0x1B8E;
	s24 =	sld [smem:$0x3FFE];
	[sflag:s23] =	ssyncadd.s32 $0xFFFFFFFF  }
0xa5: {  	s26 =	simm.s32 $execute0_lowered;
	[smem:$0x3FD2] =	sst s25  }
0xa6: {  	s4 =	sshll.u32 s26, $0x1;
	_ =	strace $0x80000049;
	[dreg:$0x1] =	wrdreg $0xFFFFFFFF  }
0xa7: {  	s28 =	simm.s32 $_size_execute0_lowered;
	s2 =	sadd.s32 s2, s4;
	[dreg:$0x0] =	wrdreg $0x0  }
0xa8: {  	s4 =	sshll.u32 s28, $0x1;
	[dreg:$0x2] =	wrdreg s2  }
0xa9: {  	[dreg:$0x3] =	wrdreg s4  }
0xaa: {  	[dreg:$0x4] =	wrdreg $0xC0  }
0xab: {  	_ =	task [dreg:s6], $0x5FFFF  }
0xac: {  	[dreg:$0x1] =	wrdreg $0xFFFFFFFF  }
0xad: {  	[dreg:$0x0] =	wrdreg $0x60  }
0xae: {  	[dreg:$0x2] =	wrdreg s24  }
0xaf: {  	[dreg:$0x3] =	wrdreg $0xC7000  }
0xb0: {  	[dreg:$0x4] =	wrdreg $0x9  }
0xb1: {  	_ =	task.clear_ibuf [dreg:s6], $0x5FFFF;
	_ =	strace $0x90000049  }
0xb2: {  	s29 =	simm.s32 $0x9;
	_ =	strace $0x8000004B  }
0xb3: {  	_ =	swait.ge [sflag:s29], $0x1  }
0xb4: {  	[sflag:s29] =	ssyncadd.s32 $0xFFFFFFFF  }
0xb5: {  	_ =	strace $0x9000004B  }
0xb6: {  	_ =	sfence  }
0xb7: {  	s30 =	sld [smem:$0x0];
	_ =	sdelay $0x2  }
0xb8: {  	s31 =	sshll.u32 s1, $0xD;
	s1 =	sshrl.u32 s1, $0x2  }
0xb9: {  	s3 =	sand.u32 $0x4000, s31;
	s1 =	sadd.s32 s1, s30  }
0xba: {  	s0 =	sor.u32 s3, s0;
	s1 =	sshll.u32 s1, $0x11  }
0xbb: {  	s0 =	sor.u32 s1, s0  }
0xbc: {  	s0 =	sadd.s32 $0x8F2B, s0  }
0xbd: {  	[sflag:s0] =	ssyncadd.remote.s32 $0x1  }
0xbe: {  	_ =	sfence.sel $0xFFFF  }
0xbf: {  	[dreg:$0x0] =	wrdreg $0xFFFFFFFF;
	(pc) =	sbr.abs _section_cstart, $3  }
0xc0: {  	[dreg:$0x1] =	wrdreg $0xFFFFFFFF  }
0xc1: {  	_ =	task.clear_ibuf [dreg:s6], $0x2FFFF;
	_ =	strace $0x9FFFFFFF  }
0xc2: {  	(tm) =	ssettm $0x7FFFFFFF  }
0xc3: {  	_ =	shalt  }
tec
execute0_lowered:
.L_overlay_start_1:
0x0: {  	(tag) =	ssettag $0x1  }
0x1: {  	s0 =	srdreg.scid;
	s2 =	rddreg [dreg:$0x0]  }
0x2: {  	s4 =	stileid.u32;
	s1 =	rddreg [dreg:$0x1];
	s5 =	simm.s32 $0x0  }
0x3: {  	s15 =	simm.s32 $0x80;
	s16 =	simm.s32 $0x400;
	s17 =	simm.s32 $0xC  }
0x4: {  	s18 =	simm.s32 $0x2780;
	s19 =	simm.s32 $0x30;
	s28 =	simm.s32 $0x1  }
0x5: {  	s30 =	simm.s32 $0xAF00;
	s31 =	simm.s32 $0x2;
	s29 =	simm.s32 $0x3  }
0x6: {  	s0 =	sand.u32 $0x1, s0;
	[smem:$0x7FF] =	sst s5;
	s22 =	smul.u32 $0x2700, s4  }
0x7: {  	s21 =	sshll.u32 s4, $0x7;
	s8 =	smul.u32 $0x4E000, s4;
	s11 =	sadd.s32 $0x65600, s2  }
0x8: {  	s12 =	sshll.u32 s4, $0x6;
	p0 =	sne.s32 s4, $0x0;
	s3 =	sshll.u32 s0, $0x4  }
0x9: {  	_ =	strace $0x8000004A;
	s6 =	sand.u32 $0x380, s21;
	s7 =	ssub.s32 $0x2, s0  }
0xa: {  	s23 =	smul.u32 $0x138800, s0;
	[dreg:$0x3] =	wrdreg s12;
	s24 =	sor.u32 $0x1C0B, s12  }
0xb: {  	s0 =	smul.u32 $0x27100, s0;
	s21 =	simm.s32 $0x6700;
	s3 =	sor.u32 s4, s3  }
0xc: {  	s9 =	sadd.s32 s22, s2;
	s10 =	sshrl.u32 s7, $0x1;
	s8 =	sshrl.u32 s8, $0x2  }
0xd: {  	[dreg:$0x5] =	wrdreg s24;
	s24 =	simm.s32 $0xB;
	s3 =	sshrl.u32 s3, $0x3  }
0xe: {  	s7 =	ssub.s32 s7, s10;
	s8 =	sadd.s32 s8, s1;
	s9 =	sadd.s32 $0x17200, s9  }
0xf: {  	s25 =	sshrl.u32 s23, $0x3;
	s0 =	sadd.s32 s22, s0;
	s23 =	simm.s32 $0x7F00  }
0x10: {  	s22 =	simm.s32 $0x6;
	s20 =	smul.u32 $0x13C00, s3;
	s3 =	sadd.s32 $0x3E400, s2  }
0x11: {  	[dreg:$0x4] =	wrdreg s9;
	s9 =	sadd.s32 $0x138000, s1;
	s0 =	sadd.s32 s11, s0  }
0x12: {  	s12 =	smax.u32 s7, $0x1;
	s13 =	sshrl.u32 s8, $0x3;
	s7 =	simm.s32 $0xA  }
0x13: {  	s8 =	simm.s32 $0x0;
	[dreg:$0x9] =	wrdreg s0;
	s5 =	sor.u32 s6, s20  }
0x14: {  	s14 =	sshrl.u32 @!p0 s9, $0x3;
	s0 =	simm.s32 $0x4;
	s5 =	sshrl.u32 s5, $0x3  }
0x15: {  	s20 =	simm.s32 $0x4F00;
	s5 =	sadd.s32 s5, s2;
	s2 =	sadd.s32 $0x3E200, s2  }
0x16: {  	s6 =	simm.s32 $0x9;
	[dreg:$0x6] =	wrdreg s2;
	s26 =	sadd.s32 $0x3600, s5  }
0x17: {  	s2 =	sadd.s32 s11, s25;
	s5 =	sadd.s32 $0xD400, s5;
	[dreg:$0x7] =	wrdreg s26  }
0x18: {  	s25 =	simm.s32 $0x7;
	[dreg:$0x8] =	wrdreg s5;
	s11 =	sadd.s32 $0x27000, s2  }
0x19: {  	s26 =	simm.s32 $0x9700;
	s2 =	simm.s32 $0x8;
	s5 =	simm.s32 $0x5  }
.LBB2_1:
0x1a: {  	s4 =	rddreg [dreg:$0x4]  }
0x1b: {  	s9 =	rddreg [dreg:$0x5]  }
0x1c: {  	[spmem:s13], [sflag:s9] =	dma.local [hbm:s4], $0x2700  }
0x1d: {  	s4 =	simm.s32 @!p0 $0x1C0C;
	s9 =	rddreg [dreg:$0x6]  }
0x1e: {  	[spmem:s14], [sflag:s4] =	dma.local @!p0 [hbm:s9], $0x200  }
0x1f: {  	s4 =	simm.s32 @!p0 $0xC  }
0x20: {  	_ =	swait.ge @!p0 [sflag:s4], $0x200  }
0x21: {  	[sflag:s4] =	ssyncset.done @!p0 $0x0  }
0x22: {  	s10 =	rddreg [dreg:$0x7];
	[sflag:s4] =	ssyncadd.s32 @!p0 $0xFFFFFE00;
	s4 =	simm.s32 $0x0  }
0x23: {  	[tilespmem:s4], [sflag:$0xC] =	stream.strided.gather [hbm4b:s10+s15], $0x2780, s16, s15, $0x38;
	v63 =	vld [tilespmem:$0x0]  }
0x24: {  	_ =	swait.ge [sflag:s17], $0x2780  }
0x25: {  	[sflag:s17] =	ssyncset.done $0x0  }
0x26: {  	s10 =	rddreg [dreg:$0x8];
	[sflag:s17] =	ssyncadd.s32 $0xFFFFD880  }
0x27: {  	[tilespmem:s18], [sflag:$0xC] =	stream.strided.gather [hbm4b:s10+s15], $0x2780, s16, s15, $0x38;
	v63 =	vld [tilespmem:$0x0]  }
0x28: {  	_ =	swait.ge [sflag:s17], $0x2780  }
0x29: {  	[sflag:s17] =	ssyncset.done $0x0  }
0x2a: {  	[sflag:s17] =	ssyncadd.s32 $0xFFFFD880  }
0x2b: {  	[tilespmem:s20], [sflag:$0x1] =	stream.indirect.gather [hbm4b:s3+s19], $0x80, s4, s19, $0xb8;
	v63 =	vld [tilespmem:$0x0]  }
0x2c: {  	_ = 	snop  }
0x2d: {  	[tilespmem:s21], [sflag:$0x2] =	stream.indirect.gather [hbm4b:s3+s19], $0x80, s19, s19, $0xb8;
	v63 =	vld [tilespmem:$0x0]  }
0x2e: {  	s10 =	simm.s32 $0x60  }
0x2f: {  	[tilespmem:s23], [sflag:$0x3] =	stream.indirect.gather [hbm4b:s3+s19], $0x80, s10, s19, $0xb8;
	v63 =	vld [tilespmem:$0x0]  }
0x30: {  	_ =	swait.ge [sflag:s24], $0x2700  }
0x31: {  	[sflag:s24] =	ssyncset.done $0x0  }
0x32: {  	[sflag:s24] =	ssyncadd.s32 $0xFFFFD900  }
0x33: {  	s9 =	simm.s32 $0x90;
	[bflag:$0x0] =	sbarrier.arrive $0xFFFF  }
0x34: {  	[tilespmem:s26], [sflag:$0x4] =	stream.indirect.gather [hbm4b:s3+s19], $0x80, s9, s19, $0xb8;
	v63 =	vld [tilespmem:$0x0]  }
0x35: {  	_ =	swait.ge [sflag:s28], $0x1800  }
0x36: {  	[sflag:s28] =	ssyncset.done $0x0  }
0x37: {  	[sflag:s28] =	ssyncadd.s32 $0xFFFFE800  }
0x38: {  	[spmem:s1] =	stream.indirect.scatter.add.f32 [tilespmem:s20], [sflag:$0x6], $0x80, s18, s19, $0xb8;
	v63 =	vld [tilespmem:$0x0]  }
0x39: {  	s10 =	simm.s32 $0xC0  }
0x3a: {  	[tilespmem:s30], [sflag:$0x5] =	stream.indirect.gather [hbm4b:s3+s19], $0x80, s10, s19, $0xb8;
	v63 =	vld [tilespmem:$0x0]  }
0x3b: {  	_ =	swait.ge [sflag:s31], $0x1800  }
0x3c: {  	[sflag:s31] =	ssyncset.done $0x0  }
0x3d: {  	s9 =	simm.s32 $0x27B0;
	[sflag:s31] =	ssyncadd.s32 $0xFFFFE800  }
0x3e: {  	[spmem:s1] =	stream.indirect.scatter.add.f32 [tilespmem:s21], [sflag:$0x7], $0x80, s9, s19, $0xb8;
	v63 =	vld [tilespmem:$0x0]  }
0x3f: {  	_ =	swait.ge [sflag:s22], $0x1800  }
0x40: {  	[sflag:s22] =	ssyncset.done $0x0  }
0x41: {  	s10 =	simm.s32 $0xF0;
	[sflag:s22] =	ssyncadd.s32 $0xFFFFE800  }
0x42: {  	[tilespmem:s20], [sflag:$0x1] =	stream.indirect.gather [hbm4b:s3+s19], $0x80, s10, s19, $0xb8;
	v63 =	vld [tilespmem:$0x0]  }
0x43: {  	_ =	swait.ge [sflag:s29], $0x1800  }
0x44: {  	[sflag:s29] =	ssyncset.done $0x0  }
0x45: {  	s9 =	simm.s32 $0x27E0;
	[sflag:s29] =	ssyncadd.s32 $0xFFFFE800  }
0x46: {  	[spmem:s1] =	stream.indirect.scatter.add.f32 [tilespmem:s23], [sflag:$0x8], $0x80, s9, s19, $0xb8;
	v63 =	vld [tilespmem:$0x0]  }
0x47: {  	_ =	swait.ge [sflag:s25], $0x1800  }
0x48: {  	[sflag:s25] =	ssyncset.done $0x0  }
0x49: {  	s10 =	simm.s32 $0x120;
	[sflag:s25] =	ssyncadd.s32 $0xFFFFE800  }
0x4a: {  	[tilespmem:s21], [sflag:$0x2] =	stream.indirect.gather [hbm4b:s3+s19], $0x80, s10, s19, $0xb8;
	v63 =	vld [tilespmem:$0x0]  }
0x4b: {  	_ =	swait.ge [sflag:s0], $0x1800  }
0x4c: {  	[sflag:s0] =	ssyncset.done $0x0  }
0x4d: {  	s9 =	simm.s32 $0x2810;
	[sflag:s0] =	ssyncadd.s32 $0xFFFFE800  }
0x4e: {  	[spmem:s1] =	stream.indirect.scatter.add.f32 [tilespmem:s26], [sflag:$0x9], $0x80, s9, s19, $0xb8;
	v63 =	vld [tilespmem:$0x0]  }
0x4f: {  	_ =	swait.ge [sflag:s2], $0x1800  }
0x50: {  	[sflag:s2] =	ssyncset.done $0x0  }
0x51: {  	s10 =	simm.s32 $0x150;
	[sflag:s2] =	ssyncadd.s32 $0xFFFFE800  }
0x52: {  	[tilespmem:s23], [sflag:$0x3] =	stream.indirect.gather [hbm4b:s3+s19], $0x80, s10, s19, $0xb8;
	v63 =	vld [tilespmem:$0x0]  }
0x53: {  	_ =	swait.ge [sflag:s5], $0x1800  }
0x54: {  	[sflag:s5] =	ssyncset.done $0x0  }
0x55: {  	s9 =	simm.s32 $0x2840;
	[sflag:s5] =	ssyncadd.s32 $0xFFFFE800  }
0x56: {  	[spmem:s1] =	stream.indirect.scatter.add.f32 [tilespmem:s30], [sflag:$0xA], $0x80, s9, s19, $0xb8;
	v63 =	vld [tilespmem:$0x0]  }
0x57: {  	_ =	swait.ge [sflag:s6], $0x1800  }
0x58: {  	[sflag:s6] =	ssyncset.done $0x0  }
0x59: {  	s10 =	simm.s32 $0x180;
	[sflag:s6] =	ssyncadd.s32 $0xFFFFE800  }
0x5a: {  	[tilespmem:s26], [sflag:$0x4] =	stream.indirect.gather [hbm4b:s3+s19], $0x80, s10, s19, $0xb8;
	v63 =	vld [tilespmem:$0x0]  }
0x5b: {  	_ =	swait.ge [sflag:s28], $0x1800  }
0x5c: {  	[sflag:s28] =	ssyncset.done $0x0  }
0x5d: {  	s9 =	simm.s32 $0x2870;
	[sflag:s28] =	ssyncadd.s32 $0xFFFFE800  }
0x5e: {  	[spmem:s1] =	stream.indirect.scatter.add.f32 [tilespmem:s20], [sflag:$0x6], $0x80, s9, s19, $0xb8;
	v63 =	vld [tilespmem:$0x0]  }
0x5f: {  	_ =	swait.ge [sflag:s7], $0x1800  }
0x60: {  	[sflag:s7] =	ssyncset.done $0x0  }
0x61: {  	s10 =	simm.s32 $0x1B0;
	[sflag:s7] =	ssyncadd.s32 $0xFFFFE800  }
0x62: {  	[tilespmem:s30], [sflag:$0x5] =	stream.indirect.gather [hbm4b:s3+s19], $0x80, s10, s19, $0xb8;
	v63 =	vld [tilespmem:$0x0]  }
0x63: {  	_ =	swait.ge [sflag:s31], $0x1800  }
0x64: {  	[sflag:s31] =	ssyncset.done $0x0  }
0x65: {  	s9 =	simm.s32 $0x28A0;
	[sflag:s31] =	ssyncadd.s32 $0xFFFFE800  }
0x66: {  	[spmem:s1] =	stream.indirect.scatter.add.f32 [tilespmem:s21], [sflag:$0x7], $0x80, s9, s19, $0xb8;
	v63 =	vld [tilespmem:$0x0]  }
0x67: {  	_ =	swait.ge [sflag:s22], $0x1800  }
0x68: {  	[sflag:s22] =	ssyncset.done $0x0  }
0x69: {  	s10 =	simm.s32 $0x1E0;
	[sflag:s22] =	ssyncadd.s32 $0xFFFFE800  }
0x6a: {  	[tilespmem:s20], [sflag:$0x1] =	stream.indirect.gather [hbm4b:s3+s19], $0x80, s10, s19, $0xb8;
	v63 =	vld [tilespmem:$0x0]  }
0x6b: {  	_ =	swait.ge [sflag:s29], $0x1800  }
0x6c: {  	[sflag:s29] =	ssyncset.done $0x0  }
0x6d: {  	s9 =	simm.s32 $0x28D0;
	[sflag:s29] =	ssyncadd.s32 $0xFFFFE800  }
0x6e: {  	[spmem:s1] =	stream.indirect.scatter.add.f32 [tilespmem:s23], [sflag:$0x8], $0x80, s9, s19, $0xb8;
	v63 =	vld [tilespmem:$0x0]  }
0x6f: {  	_ =	swait.ge [sflag:s25], $0x1800  }
0x70: {  	[sflag:s25] =	ssyncset.done $0x0  }
0x71: {  	s10 =	simm.s32 $0x210;
	[sflag:s25] =	ssyncadd.s32 $0xFFFFE800  }
0x72: {  	[tilespmem:s21], [sflag:$0x2] =	stream.indirect.gather [hbm4b:s3+s19], $0x80, s10, s19, $0xb8;
	v63 =	vld [tilespmem:$0x0]  }
0x73: {  	_ =	swait.ge [sflag:s0], $0x1800  }
0x74: {  	[sflag:s0] =	ssyncset.done $0x0  }
0x75: {  	s9 =	simm.s32 $0x2900;
	[sflag:s0] =	ssyncadd.s32 $0xFFFFE800  }
0x76: {  	[spmem:s1] =	stream.indirect.scatter.add.f32 [tilespmem:s26], [sflag:$0x9], $0x80, s9, s19, $0xb8;
	v63 =	vld [tilespmem:$0x0]  }
0x77: {  	_ =	swait.ge [sflag:s2], $0x1800  }
0x78: {  	[sflag:s2] =	ssyncset.done $0x0  }
0x79: {  	s10 =	simm.s32 $0x240;
	[sflag:s2] =	ssyncadd.s32 $0xFFFFE800  }
0x7a: {  	[tilespmem:s23], [sflag:$0x3] =	stream.indirect.gather [hbm4b:s3+s19], $0x80, s10, s19, $0xb8;
	v63 =	vld [tilespmem:$0x0]  }
0x7b: {  	_ =	swait.ge [sflag:s5], $0x1800  }
0x7c: {  	[sflag:s5] =	ssyncset.done $0x0  }
0x7d: {  	s4 =	simm.s32 $0x3C0;
	s9 =	simm.s32 $0x2930;
	[sflag:s5] =	ssyncadd.s32 $0xFFFFE800  }
.LBB2_2:
0x7e: {  	[spmem:s1] =	stream.indirect.scatter.add.f32 [tilespmem:s30], [sflag:$0xA], $0x80, s9, s19, $0xb8;
	v63 =	vld [tilespmem:$0x0]  }
0x7f: {  	s9 =	smov.u32 s4;
	s4 =	sadd.s32 $0x3C0, s4;
	_ =	swait.ge [sflag:s6], $0x1800  }
0x80: {  	s9 =	sshra.s32 s9, $0x2;
	p1 =	sne.s32 s4, $0x9600;
	[sflag:s6] =	ssyncset.done $0x0  }
0x81: {  	s10 =	sadd.s32 $0x180, s9;
	[sflag:s6] =	ssyncadd.s32 $0xFFFFE800  }
0x82: {  	[tilespmem:s26], [sflag:$0x4] =	stream.indirect.gather [hbm4b:s3+s19], $0x80, s10, s19, $0xb8;
	v63 =	vld [tilespmem:$0x0]  }
0x83: {  	_ =	swait.ge [sflag:s28], $0x1800  }
0x84: {  	[sflag:s28] =	ssyncset.done $0x0  }
0x85: {  	s10 =	sadd.s32 $0x2870, s9;
	[sflag:s28] =	ssyncadd.s32 $0xFFFFE800  }
0x86: {  	[spmem:s1] =	stream.indirect.scatter.add.f32 [tilespmem:s20], [sflag:$0x6], $0x80, s10, s19, $0xb8;
	v63 =	vld [tilespmem:$0x0]  }
0x87: {  	_ =	swait.ge [sflag:s7], $0x1800  }
0x88: {  	[sflag:s7] =	ssyncset.done $0x0  }
0x89: {  	s10 =	sadd.s32 $0x1B0, s9;
	[sflag:s7] =	ssyncadd.s32 $0xFFFFE800  }
0x8a: {  	[tilespmem:s30], [sflag:$0x5] =	stream.indirect.gather [hbm4b:s3+s19], $0x80, s10, s19, $0xb8;
	v63 =	vld [tilespmem:$0x0]  }
0x8b: {  	_ =	swait.ge [sflag:s31], $0x1800  }
0x8c: {  	[sflag:s31] =	ssyncset.done $0x0  }
0x8d: {  	s10 =	sadd.s32 $0x28A0, s9;
	[sflag:s31] =	ssyncadd.s32 $0xFFFFE800  }
0x8e: {  	[spmem:s1] =	stream.indirect.scatter.add.f32 [tilespmem:s21], [sflag:$0x7], $0x80, s10, s19, $0xb8;
	v63 =	vld [tilespmem:$0x0]  }
0x8f: {  	_ =	swait.ge [sflag:s22], $0x1800  }
0x90: {  	[sflag:s22] =	ssyncset.done $0x0  }
0x91: {  	s10 =	sadd.s32 $0x1E0, s9;
	[sflag:s22] =	ssyncadd.s32 $0xFFFFE800  }
0x92: {  	[tilespmem:s20], [sflag:$0x1] =	stream.indirect.gather [hbm4b:s3+s19], $0x80, s10, s19, $0xb8;
	v63 =	vld [tilespmem:$0x0]  }
0x93: {  	_ =	swait.ge [sflag:s29], $0x1800  }
0x94: {  	[sflag:s29] =	ssyncset.done $0x0  }
0x95: {  	s10 =	sadd.s32 $0x28D0, s9;
	[sflag:s29] =	ssyncadd.s32 $0xFFFFE800  }
0x96: {  	[spmem:s1] =	stream.indirect.scatter.add.f32 [tilespmem:s23], [sflag:$0x8], $0x80, s10, s19, $0xb8;
	v63 =	vld [tilespmem:$0x0]  }
0x97: {  	_ =	swait.ge [sflag:s25], $0x1800  }
0x98: {  	[sflag:s25] =	ssyncset.done $0x0  }
0x99: {  	s10 =	sadd.s32 $0x210, s9;
	[sflag:s25] =	ssyncadd.s32 $0xFFFFE800  }
0x9a: {  	[tilespmem:s21], [sflag:$0x2] =	stream.indirect.gather [hbm4b:s3+s19], $0x80, s10, s19, $0xb8;
	v63 =	vld [tilespmem:$0x0]  }
0x9b: {  	_ =	swait.ge [sflag:s0], $0x1800  }
0x9c: {  	[sflag:s0] =	ssyncset.done $0x0  }
0x9d: {  	s10 =	sadd.s32 $0x2900, s9;
	[sflag:s0] =	ssyncadd.s32 $0xFFFFE800  }
0x9e: {  	[spmem:s1] =	stream.indirect.scatter.add.f32 [tilespmem:s26], [sflag:$0x9], $0x80, s10, s19, $0xb8;
	v63 =	vld [tilespmem:$0x0]  }
0x9f: {  	_ =	swait.ge [sflag:s2], $0x1800  }
0xa0: {  	[sflag:s2] =	ssyncset.done $0x0  }
.Ltmp0:
0xa1: {  	s10 =	sadd.s32 $0x240, s9;
	[sflag:s2] =	ssyncadd.s32 $0xFFFFE800;
	(pc) =	sbr.rel @p1 .LBB2_2-.Ltmp0, $4  }
0xa2: {  	[tilespmem:s23], [sflag:$0x3] =	stream.indirect.gather [hbm4b:s3+s19], $0x80, s10, s19, $0xb8;
	v63 =	vld [tilespmem:$0x0]  }
0xa3: {  	_ =	swait.ge [sflag:s5], $0x1800  }
0xa4: {  	[sflag:s5] =	ssyncset.done $0x0  }
0xa5: {  	s9 =	sadd.s32 $0x2930, s9;
	[sflag:s5] =	ssyncadd.s32 $0xFFFFE800  }
0xa6: {  	[spmem:s1] =	stream.indirect.scatter.add.f32 [tilespmem:s30], [sflag:$0xA], $0x80, s9, s19, $0xb8;
	v63 =	vld [tilespmem:$0x0]  }
0xa7: {  	_ =	swait.ge [sflag:s6], $0x1800  }
0xa8: {  	s4 =	sshra.s32 s4, $0x2;
	[sflag:s6] =	ssyncset.done $0x0  }
0xa9: {  	s10 =	sadd.s32 $0x180, s4;
	[sflag:s6] =	ssyncadd.s32 $0xFFFFE800  }
0xaa: {  	[tilespmem:s26], [sflag:$0x4] =	stream.indirect.gather [hbm4b:s3+s19], $0x80, s10, s19, $0xb8;
	v63 =	vld [tilespmem:$0x0]  }
0xab: {  	_ =	swait.ge [sflag:s28], $0x1800  }
0xac: {  	[sflag:s28] =	ssyncset.done $0x0  }
0xad: {  	s10 =	sadd.s32 $0x2870, s4;
	[sflag:s28] =	ssyncadd.s32 $0xFFFFE800  }
0xae: {  	[spmem:s1] =	stream.indirect.scatter.add.f32 [tilespmem:s20], [sflag:$0x6], $0x80, s10, s19, $0xb8;
	v63 =	vld [tilespmem:$0x0]  }
0xaf: {  	_ =	swait.ge [sflag:s7], $0x1800  }
0xb0: {  	[sflag:s7] =	ssyncset.done $0x0  }
0xb1: {  	s10 =	sadd.s32 $0x1B0, s4;
	[sflag:s7] =	ssyncadd.s32 $0xFFFFE800  }
0xb2: {  	[tilespmem:s30], [sflag:$0x5] =	stream.indirect.gather [hbm4b:s3+s19], $0x80, s10, s19, $0xb8;
	v63 =	vld [tilespmem:$0x0]  }
0xb3: {  	_ =	swait.ge [sflag:s31], $0x1800  }
0xb4: {  	[sflag:s31] =	ssyncset.done $0x0  }
0xb5: {  	s10 =	sadd.s32 $0x28A0, s4;
	[sflag:s31] =	ssyncadd.s32 $0xFFFFE800  }
0xb6: {  	[spmem:s1] =	stream.indirect.scatter.add.f32 [tilespmem:s21], [sflag:$0x7], $0x80, s10, s19, $0xb8;
	v63 =	vld [tilespmem:$0x0]  }
0xb7: {  	_ =	swait.ge [sflag:s22], $0x1800  }
0xb8: {  	[sflag:s22] =	ssyncset.done $0x0  }
0xb9: {  	[sflag:s22] =	ssyncadd.s32 $0xFFFFE800  }
0xba: {  	_ =	swait.ge [sflag:s29], $0x1800  }
0xbb: {  	[sflag:s29] =	ssyncset.done $0x0  }
0xbc: {  	s10 =	sadd.s32 $0x28D0, s4;
	[sflag:s29] =	ssyncadd.s32 $0xFFFFE800  }
0xbd: {  	[spmem:s1] =	stream.indirect.scatter.add.f32 [tilespmem:s23], [sflag:$0x8], $0x80, s10, s19, $0xb8;
	v63 =	vld [tilespmem:$0x0]  }
0xbe: {  	_ =	swait.ge [sflag:s25], $0x1800  }
0xbf: {  	[sflag:s25] =	ssyncset.done $0x0  }
0xc0: {  	[sflag:s25] =	ssyncadd.s32 $0xFFFFE800  }
0xc1: {  	_ =	swait.ge [sflag:s0], $0x1800  }
0xc2: {  	[sflag:s0] =	ssyncset.done $0x0  }
0xc3: {  	s10 =	sadd.s32 $0x2900, s4;
	[sflag:s0] =	ssyncadd.s32 $0xFFFFE800  }
0xc4: {  	[spmem:s1] =	stream.indirect.scatter.add.f32 [tilespmem:s26], [sflag:$0x9], $0x80, s10, s19, $0xb8;
	v63 =	vld [tilespmem:$0x0]  }
0xc5: {  	_ =	swait.ge [sflag:s2], $0x1800  }
0xc6: {  	[sflag:s2] =	ssyncset.done $0x0  }
0xc7: {  	[sflag:s2] =	ssyncadd.s32 $0xFFFFE800  }
0xc8: {  	_ =	swait.ge [sflag:s5], $0x1800  }
0xc9: {  	[sflag:s5] =	ssyncset.done $0x0  }
0xca: {  	s4 =	sadd.s32 $0x2930, s4;
	[sflag:s5] =	ssyncadd.s32 $0xFFFFE800  }
0xcb: {  	[spmem:s1] =	stream.indirect.scatter.add.f32 [tilespmem:s30], [sflag:$0xA], $0x80, s4, s19, $0xb8;
	v63 =	vld [tilespmem:$0x0]  }
0xcc: {  	_ =	swait.ge [sflag:s6], $0x1800  }
0xcd: {  	[sflag:s6] =	ssyncset.done $0x0  }
0xce: {  	[sflag:s6] =	ssyncadd.s32 $0xFFFFE800  }
0xcf: {  	_ =	swait.ge [sflag:s7], $0x1800  }
0xd0: {  	[sflag:s7] =	ssyncset.done $0x0  }
0xd1: {  	[sflag:s7] =	ssyncadd.s32 $0xFFFFE800  }
0xd2: {  	[bflag:$0x0] =	sbarrier.arrive $0xFFFF  }
0xd3: {  	s9 =	rddreg [dreg:$0x3]  }
0xd4: {  	s10 =	rddreg [dreg:$0x9];
	s4 =	sor.u32 $0x1C0C, s9  }
0xd5: {  	[hbm:s10], [sflag:s4] =	dma.local [spmem:s13], $0x2700  }
0xd6: {  	_ =	swait.ge [sflag:s17], $0x2700  }
0xd7: {  	s8 =	sadd.s32 $0x1, s8;
	[sflag:s17] =	ssyncset.done $0x0  }
0xd8: {  	p1 =	sne.s32 s8, s12;
	[sflag:s17] =	ssyncadd.s32 $0xFFFFD900  }
0xd9: {  	[hbm:s11], [sflag:s4] =	dma.local @!p0 [spmem:s14], $0x100  }
.Ltmp1:
0xda: {  	_ = 	snop;
	(pc) =	sbr.rel @p1 .LBB2_1-.Ltmp1, $4  }
0xdb: {  	s4 =	simm.s32 @!p0 $0xC  }
0xdc: {  	_ =	swait.ge @!p0 [sflag:s4], $0x100  }
0xdd: {  	[sflag:s4] =	ssyncset.done @!p0 $0x0  }
0xde: {  	[sflag:s4] =	ssyncadd.s32 @!p0 $0xFFFFFF00  }
0xdf: {  	_ =	sfence.sel $0x180000  }
0xe0: {  	[bflag:$0x0] =	sbarrier.arrive $0xFFFF  }
0xe1: {  	_ =	strace $0x9000004A  }
0xe2: {  	[bflag:$0x2] =	sbarrier.arrive $0xFFFF  }
0xe3: {  	s0 =	rddreg [dreg:$0x2]  }
0xe4: {  	s0 =	sadd.s32 @!p0 $0x100000, s0  }
0xe5: {  	[sflag:s0] =	ssyncadd.tile.s32 @!p0 $0x1;
	_ =	shalt  }
.Lfunc_end2:
_tile_overlayer_lowered:
.L_overlay_start_2:
0xe6: {  	(tag) =	ssettag $0x2  }
0xe7: {  	s0 =	rddreg [dreg:$0x0];
	s2 =	stileid.u32  }
0xe8: {  	s1 =	rddreg [dreg:$0x1];
	p0 =	sne.s32 s2, $0x0  }
0xe9: {  	s3 =	rddreg [dreg:$0x2];
	[bflag:$0x3] =	sbarrier.arrive $0xFFFF;
	s2 =	simm.s32 @!p0 $0x1C0C  }
0xea: {  	[timem:s3], [sflag:s2] =	dma.local @!p0 [hbm:s0], s1  }
0xeb: {  	s0 =	simm.s32 @!p0 $0xC  }
0xec: {  	_ =	swait.ge @!p0 [sflag:s0], s1  }
0xed: {  	s1 =	ssub.s32 @!p0 $0x0, s1;
	[sflag:s0] =	ssyncset.done @!p0 $0x0  }
0xee: {  	[sflag:s0] =	ssyncadd.s32 @!p0 s1  }
0xef: {  	[bflag:$0x3] =	sbarrier.arrive $0xFFFF  }
0xf0: {  	_ =	shalt  }

// kernel: kernel.14.cloned.1.call-start
scs
__scs_entry_jumppad:
0x0: {  	(pc) =	sbr.rel $0x88, $3  }
0x1: {  	(tag) =	ssettag $0x0;
	lr =	simm.s32 $0x1  }
0x2: {  	[smem:$0x3F96] =	sst lr;
	_ =	strace $0xD0000000  }
0x3: {  	_ = 	snop  }
0x4: {  	_ = 	snop  }
0x5: {  	_ = 	snop  }
0x6: {  	_ = 	snop  }
0x7: {  	_ = 	snop  }
__scs_overlays_trampoline_lowered:
0x8: {  	[smem:$0x3FA5] =	sst s0  }
0x9: {  	[smem:$0x3FA6] =	sst s1  }
0xa: {  	[smem:$0x3FA7] =	sst s2  }
0xb: {  	[smem:$0x3FA8] =	sst s3  }
0xc: {  	[smem:$0x3FA9] =	sst s4  }
0xd: {  	[smem:$0x3FAA] =	sst s5  }
0xe: {  	[smem:$0x3FAB] =	sst s6  }
0xf: {  	[smem:$0x3FAC] =	sst s7  }
0x10: {  	[smem:$0x3FAD] =	sst s8  }
0x11: {  	[smem:$0x3FAE] =	sst s9;
	s0 =	simm.s32 @!p0 $0x0  }
0x12: {  	s1 =	sld [smem:$0x3F94];
	s0 =	simm.s32 @p0 $0x1  }
0x13: {  	[smem:$0x3FAF] =	sst s0;
	s0 =	simm.s32 @!p1 $0x0  }
0x14: {  	s2 =	sld [smem:$0x3F93];
	s0 =	simm.s32 @p1 $0x1  }
0x15: {  	[smem:$0x3FB0] =	sst s0;
	s0 =	simm.s32 @!p2 $0x0  }
0x16: {  	s3 =	sld [smem:$0x3FDB];
	s0 =	simm.s32 @p2 $0x1  }
0x17: {  	s4 =	simm.s32 $0x1BF5;
	[smem:$0x3FB2] =	sst s0  }
0x18: {  	s0 =	sld [smem:$0x3F95];
	_ =	swait.ge [sflag:s4], $0x0  }
0x19: {  	s7 =	sld [smem:$0x3F96]  }
0x1a: {  	s8 =	sadd.s32 $0xFFFFE003, lr  }
0x1b: {  	s9 =	sadd.s32 $0xFFFFFEF7, lr;
	s5 =	simm.s32 $0xFFFFFFFF;
	p2 =	slt.u32 s8, $0xFFFFF086  }
0x1c: {  	p1 =	slt.u32 s9, $0xF7A;
	s5 =	simm.s32 @!p2 $0x0  }
0x1d: {  	s5 =	simm.s32 @p1 $0x1;
	p0 =	seq.s32 s7, s2  }
0x1e: {  	s7 =	smul.u32 @!p0 $0xF7A, s2;
	p2 =	seq.s32 @!p0 s5, $0x0  }
0x1f: {  	s9 =	smul.u32 $0xF7A, s1;
	s8 =	simm.s32 @!p0 $0x1BF5;
	p2 =	por !p2, p0  }
0x20: {  	[sflag:s8] =	ssyncset.s32 @!p0 $0xFFFFF086;
	s6 =	sadd.s32 @!p0 s3, s7;
	s7 =	simm.s32 @!p0 $0x108  }
0x21: {  	s3 =	sadd.s32 s3, s9;
	s6 =	sadd.s32 @!p0 $0x88, s6;
	s7 =	simm.s32 @p2 $0x1082  }
0x22: {  	[simem:s7], [sflag:s8] =	dma.local @!p0 [hbm:s6], $0xF7A  }
0x23: {  	s9 =	sor.u32 $0xD0000000, s2;
	s6 =	simm.s32 $0x108;
	_ =	swait.ge @!p0 [sflag:s8], $0x0  }
0x24: {  	s3 =	sadd.s32 $0x88, s3;
	s6 =	simm.s32 @!p1 $0x1082;
	[sflag:s4] =	ssyncset.s32 $0xFFFFF086  }
0x25: {  	[simem:s6], [sflag:s4] =	dma.local [hbm:s3], $0xF7A  }
0x26: {  	[smem:$0x3F96] =	sst s1;
	(tag) =	ssettag s2;
	_ =	strace s9  }
0x27: {  	s1 =	sld [smem:$0x3FA6]  }
0x28: {  	s2 =	sld [smem:$0x3FA7]  }
0x29: {  	s4 =	sld [smem:$0x3FA9]  }
0x2a: {  	p0 =	seq.s32 s5, $0x0;
	s5 =	sld [smem:$0x3FAA]  }
0x2b: {  	s6 =	sld [smem:$0x3FAB]  }
0x2c: {  	s7 =	sld [smem:$0x3FAC]  }
0x2d: {  	s3 =	simm.s32 $0x108;
	s8 =	sld [smem:$0x3FAD]  }
0x2e: {  	s3 =	simm.s32 @!p0 $0x1082;
	s9 =	sld [smem:$0x3FAE]  }
0x2f: {  	lr =	sadd.s32 s0, s3;
	s0 =	sld [smem:$0x3FA5]  }
0x30: {  	s3 =	sld [smem:$0x3FA8]  }
0x31: {  	[smem:$0x3FB1] =	sst s10  }
0x32: {  	s10 =	sld [smem:$0x3FAF];
	_ =	sdelay $0x3  }
0x33: {  	p0 =	seq.s32 s10, $0x1;
	s10 =	sld [smem:$0x3FB1];
	_ =	sdelay $0x3  }
0x34: {  	[smem:$0x3FB1] =	sst s10  }
0x35: {  	s10 =	sld [smem:$0x3FB0];
	_ =	sdelay $0x3  }
0x36: {  	p1 =	seq.s32 s10, $0x1;
	s10 =	sld [smem:$0x3FB1];
	_ =	sdelay $0x3  }
0x37: {  	[smem:$0x3FB1] =	sst s10  }
0x38: {  	s10 =	sld [smem:$0x3FB2]  }
0x39: {  	_ = 	snop;
	(pc) =	sbr.ind lr, $3  }
0x3a: {  	_ = 	snop  }
0x3b: {  	_ = 	snop  }
0x3c: {  	p2 =	seq.s32 s10, $0x1;
	s10 =	sld [smem:$0x3FB1]  }
0x3d: {  	_ =	shalt  }
0x3e: {  	_ =	shalt  }
0x3f: {  	_ =	shalt  }
0x40: {  	_ =	shalt  }
0x41: {  	_ =	shalt  }
0x42: {  	_ =	shalt  }
0x43: {  	_ =	shalt  }
0x44: {  	_ =	shalt  }
0x45: {  	_ =	shalt  }
0x46: {  	_ =	shalt  }
0x47: {  	_ =	shalt  }
0x48: {  	_ =	shalt  }
0x49: {  	_ =	shalt  }
0x4a: {  	_ =	shalt  }
0x4b: {  	_ =	shalt  }
0x4c: {  	_ =	shalt  }
0x4d: {  	_ =	shalt  }
0x4e: {  	_ =	shalt  }
0x4f: {  	_ =	shalt  }
0x50: {  	_ =	shalt  }
0x51: {  	_ =	shalt  }
0x52: {  	_ =	shalt  }
0x53: {  	_ =	shalt  }
0x54: {  	_ =	shalt  }
0x55: {  	_ =	shalt  }
0x56: {  	_ =	shalt  }
0x57: {  	_ =	shalt  }
0x58: {  	_ =	shalt  }
0x59: {  	_ =	shalt  }
0x5a: {  	_ =	shalt  }
0x5b: {  	_ =	shalt  }
0x5c: {  	_ =	shalt  }
0x5d: {  	_ =	shalt  }
0x5e: {  	_ =	shalt  }
0x5f: {  	_ =	shalt  }
0x60: {  	_ =	shalt  }
0x61: {  	_ =	shalt  }
0x62: {  	_ =	shalt  }
0x63: {  	_ =	shalt  }
0x64: {  	_ =	shalt  }
0x65: {  	_ =	shalt  }
0x66: {  	_ =	shalt  }
0x67: {  	_ =	shalt  }
0x68: {  	_ =	shalt  }
0x69: {  	_ =	shalt  }
0x6a: {  	_ =	shalt  }
0x6b: {  	_ =	shalt  }
0x6c: {  	_ =	shalt  }
0x6d: {  	_ =	shalt  }
0x6e: {  	_ =	shalt  }
0x6f: {  	_ =	shalt  }
0x70: {  	_ =	shalt  }
0x71: {  	_ =	shalt  }
0x72: {  	_ =	shalt  }
0x73: {  	_ =	shalt  }
0x74: {  	_ =	shalt  }
0x75: {  	_ =	shalt  }
0x76: {  	_ =	shalt  }
0x77: {  	_ =	shalt  }
0x78: {  	_ =	shalt  }
0x79: {  	_ =	shalt  }
0x7a: {  	_ =	shalt  }
0x7b: {  	_ =	shalt  }
0x7c: {  	_ =	shalt  }
0x7d: {  	_ =	shalt  }
0x7e: {  	_ =	shalt  }
0x7f: {  	_ =	shalt  }
0x80: {  	_ =	shalt  }
0x81: {  	_ =	shalt  }
0x82: {  	_ =	shalt  }
0x83: {  	_ =	shalt  }
0x84: {  	_ =	shalt  }
0x85: {  	_ =	shalt  }
0x86: {  	_ =	shalt  }
0x87: {  	_ =	shalt  }
.Lfunc_end0:
.L_simem_size_0:
called_computation.2_lowered:
.L_overlay_start_0:
0x88: {  	s2 =	sld [smem:$0x3FD9]  }
0x89: {  	s3 =	sld [smem:$0x3FFE];
	_ =	sdelay $0x1  }
0x8a: {  	s1 =	srdreg.scid  }
0x8b: {  	s0 =	sand.u32 $0x1, s1  }
0x8c: {  	s16 =	sshll.u32 s0, $0xA;
	s2 =	sadd.s32 s3, s2  }
0x8d: {  	s2 =	sadd.s32 s2, s16  }
0x8e: {  	[smem:$0x3FBD] =	sst s2  }
0x8f: {  	_ = 	snop  }
0x90: {  	(tm) =	ssettm $0x1  }
0x91: {  	s17 =	sld [smem:$0x3FFB];
	_ =	sdelay $0x3  }
0x92: {  	_ =	strace s17  }
0x93: {  	s2 =	sld [smem:$0x3FFC];
	_ =	sdelay $0x3  }
0x94: {  	_ =	strace s2  }
0x95: {  	s2 =	sld [smem:$0x3FFD];
	_ =	sdelay $0x3  }
0x96: {  	_ =	strace s2  }
0x97: {  	_ =	strace $0x8FFFFFFF  }
0x98: {  	s18 =	sld [smem:$0x3FDB];
	_ =	sdelay $0x1  }
0x99: {  	s19 =	simm.s32 $_scs_section_size  }
0x9a: {  	s4 =	simm.s32 $_size__tile_overlayer_lowered;
	s5 =	simm.s32 $_tile_overlayer_lowered  }
0x9b: {  	s22 =	simm.s32 $0x1BFF;
	s21 =	sshll.u32 s5, $0x1;
	s2 =	sadd.s32 s19, s18  }
0x9c: {  	s6 =	simm.s32 $0x0;
	s20 =	sshll.u32 s4, $0x1;
	s4 =	sadd.s32 s21, s2  }
0x9d: {  	[timem:s6], [sflag:s22] =	dma.local [hbm:s4], s20  }
0x9e: {  	_ =	swait.ge [sflag:s22], s20  }
0x9f: {  	s3 =	ssub.s32 $0x0, s20;
	[sflag:s22] =	ssyncset.done $0x0  }
0xa0: {  	[sflag:s22] =	ssyncadd.s32 s3;
	_ =	sdelay $0x1  }
0xa1: {  	s23 =	simm.s32 $0x1B8B  }
0xa2: {  	_ =	swait.ge [sflag:s23], $0x1  }
0xa3: {  	[sflag:s23] =	ssyncset.done $0x0  }
0xa4: {  	s25 =	simm.s32 $0x1B8E;
	s24 =	sld [smem:$0x3FFE];
	[sflag:s23] =	ssyncadd.s32 $0xFFFFFFFF  }
0xa5: {  	s26 =	simm.s32 $execute0_lowered;
	[smem:$0x3FD2] =	sst s25  }
0xa6: {  	s4 =	sshll.u32 s26, $0x1;
	_ =	strace $0x8000004C;
	[dreg:$0x1] =	wrdreg $0xFFFFFFFF  }
0xa7: {  	s28 =	simm.s32 $_size_execute0_lowered;
	s2 =	sadd.s32 s2, s4;
	[dreg:$0x0] =	wrdreg $0x0  }
0xa8: {  	s4 =	sshll.u32 s28, $0x1;
	[dreg:$0x2] =	wrdreg s2  }
0xa9: {  	[dreg:$0x3] =	wrdreg s4  }
0xaa: {  	[dreg:$0x4] =	wrdreg $0xC0  }
0xab: {  	_ =	task [dreg:s6], $0x5FFFF  }
0xac: {  	[dreg:$0x1] =	wrdreg $0xFFFFFFFF  }
0xad: {  	[dreg:$0x0] =	wrdreg $0x60  }
0xae: {  	[dreg:$0x2] =	wrdreg s24  }
0xaf: {  	[dreg:$0x3] =	wrdreg $0xC7000  }
0xb0: {  	[dreg:$0x4] =	wrdreg $0x9  }
0xb1: {  	_ =	task.clear_ibuf [dreg:s6], $0x5FFFF;
	_ =	strace $0x9000004C  }
0xb2: {  	s29 =	simm.s32 $0x9;
	_ =	strace $0x8000004E  }
0xb3: {  	_ =	swait.ge [sflag:s29], $0x1  }
0xb4: {  	[sflag:s29] =	ssyncadd.s32 $0xFFFFFFFF  }
0xb5: {  	_ =	strace $0x9000004E  }
0xb6: {  	_ =	sfence  }
0xb7: {  	s30 =	sld [smem:$0x0];
	_ =	sdelay $0x2  }
0xb8: {  	s31 =	sshll.u32 s1, $0xD;
	s1 =	sshrl.u32 s1, $0x2  }
0xb9: {  	s3 =	sand.u32 $0x4000, s31;
	s1 =	sadd.s32 s1, s30  }
0xba: {  	s0 =	sor.u32 s3, s0;
	s1 =	sshll.u32 s1, $0x11  }
0xbb: {  	s0 =	sor.u32 s1, s0  }
0xbc: {  	s0 =	sadd.s32 $0x8F2B, s0  }
0xbd: {  	[sflag:s0] =	ssyncadd.remote.s32 $0x1  }
0xbe: {  	_ =	sfence.sel $0xFFFF  }
0xbf: {  	[dreg:$0x0] =	wrdreg $0xFFFFFFFF;
	(pc) =	sbr.abs _section_cstart, $3  }
0xc0: {  	[dreg:$0x1] =	wrdreg $0xFFFFFFFF  }
0xc1: {  	_ =	task.clear_ibuf [dreg:s6], $0x2FFFF;
	_ =	strace $0x9FFFFFFF  }
0xc2: {  	(tm) =	ssettm $0x7FFFFFFF  }
0xc3: {  	_ =	shalt  }
tec
execute0_lowered:
.L_overlay_start_1:
0x0: {  	(tag) =	ssettag $0x1  }
0x1: {  	s0 =	srdreg.scid;
	s2 =	rddreg [dreg:$0x0]  }
0x2: {  	s4 =	stileid.u32;
	s1 =	rddreg [dreg:$0x1];
	s5 =	simm.s32 $0x0  }
0x3: {  	s15 =	simm.s32 $0x80;
	s16 =	simm.s32 $0x400;
	s17 =	simm.s32 $0xC  }
0x4: {  	s18 =	simm.s32 $0x2780;
	s19 =	simm.s32 $0x30;
	s28 =	simm.s32 $0x1  }
0x5: {  	s30 =	simm.s32 $0xAF00;
	s31 =	simm.s32 $0x2;
	s29 =	simm.s32 $0x3  }
0x6: {  	s0 =	sand.u32 $0x1, s0;
	[smem:$0x7FF] =	sst s5;
	s22 =	smul.u32 $0x2700, s4  }
0x7: {  	s21 =	sshll.u32 s4, $0x7;
	s8 =	smul.u32 $0x4E000, s4;
	s11 =	sadd.s32 $0x65600, s2  }
0x8: {  	s12 =	sshll.u32 s4, $0x6;
	p0 =	sne.s32 s4, $0x0;
	s3 =	sshll.u32 s0, $0x4  }
0x9: {  	_ =	strace $0x8000004D;
	s6 =	sand.u32 $0x380, s21;
	s7 =	ssub.s32 $0x2, s0  }
0xa: {  	s23 =	smul.u32 $0x138800, s0;
	[dreg:$0x3] =	wrdreg s12;
	s24 =	sor.u32 $0x1C0B, s12  }
0xb: {  	s0 =	smul.u32 $0x27100, s0;
	s21 =	simm.s32 $0x6700;
	s3 =	sor.u32 s4, s3  }
0xc: {  	s9 =	sadd.s32 s22, s2;
	s10 =	sshrl.u32 s7, $0x1;
	s8 =	sshrl.u32 s8, $0x2  }
0xd: {  	[dreg:$0x5] =	wrdreg s24;
	s24 =	simm.s32 $0xB;
	s3 =	sshrl.u32 s3, $0x3  }
0xe: {  	s7 =	ssub.s32 s7, s10;
	s8 =	sadd.s32 s8, s1;
	s9 =	sadd.s32 $0x17200, s9  }
0xf: {  	s25 =	sshrl.u32 s23, $0x3;
	s0 =	sadd.s32 s22, s0;
	s23 =	simm.s32 $0x7F00  }
0x10: {  	s22 =	simm.s32 $0x6;
	s20 =	smul.u32 $0x13C00, s3;
	s3 =	sadd.s32 $0x3E400, s2  }
0x11: {  	[dreg:$0x4] =	wrdreg s9;
	s9 =	sadd.s32 $0x138000, s1;
	s0 =	sadd.s32 s11, s0  }
0x12: {  	s12 =	smax.u32 s7, $0x1;
	s13 =	sshrl.u32 s8, $0x3;
	s7 =	simm.s32 $0xA  }
0x13: {  	s8 =	simm.s32 $0x0;
	[dreg:$0x9] =	wrdreg s0;
	s5 =	sor.u32 s6, s20  }
0x14: {  	s14 =	sshrl.u32 @!p0 s9, $0x3;
	s0 =	simm.s32 $0x4;
	s5 =	sshrl.u32 s5, $0x3  }
0x15: {  	s20 =	simm.s32 $0x4F00;
	s5 =	sadd.s32 s5, s2;
	s2 =	sadd.s32 $0x3E200, s2  }
0x16: {  	s6 =	simm.s32 $0x9;
	[dreg:$0x6] =	wrdreg s2;
	s26 =	sadd.s32 $0x3600, s5  }
0x17: {  	s2 =	sadd.s32 s11, s25;
	s5 =	sadd.s32 $0xD400, s5;
	[dreg:$0x7] =	wrdreg s26  }
0x18: {  	s25 =	simm.s32 $0x7;
	[dreg:$0x8] =	wrdreg s5;
	s11 =	sadd.s32 $0x27000, s2  }
0x19: {  	s26 =	simm.s32 $0x9700;
	s2 =	simm.s32 $0x8;
	s5 =	simm.s32 $0x5  }
.LBB2_1:
0x1a: {  	s4 =	rddreg [dreg:$0x4]  }
0x1b: {  	s9 =	rddreg [dreg:$0x5]  }
0x1c: {  	[spmem:s13], [sflag:s9] =	dma.local [hbm:s4], $0x2700  }
0x1d: {  	s4 =	simm.s32 @!p0 $0x1C0C;
	s9 =	rddreg [dreg:$0x6]  }
0x1e: {  	[spmem:s14], [sflag:s4] =	dma.local @!p0 [hbm:s9], $0x200  }
0x1f: {  	s4 =	simm.s32 @!p0 $0xC  }
0x20: {  	_ =	swait.ge @!p0 [sflag:s4], $0x200  }
0x21: {  	[sflag:s4] =	ssyncset.done @!p0 $0x0  }
0x22: {  	s10 =	rddreg [dreg:$0x7];
	[sflag:s4] =	ssyncadd.s32 @!p0 $0xFFFFFE00;
	s4 =	simm.s32 $0x0  }
0x23: {  	[tilespmem:s4], [sflag:$0xC] =	stream.strided.gather [hbm4b:s10+s15], $0x2780, s16, s15, $0x38;
	v63 =	vld [tilespmem:$0x0]  }
0x24: {  	_ =	swait.ge [sflag:s17], $0x2780  }
0x25: {  	[sflag:s17] =	ssyncset.done $0x0  }
0x26: {  	s10 =	rddreg [dreg:$0x8];
	[sflag:s17] =	ssyncadd.s32 $0xFFFFD880  }
0x27: {  	[tilespmem:s18], [sflag:$0xC] =	stream.strided.gather [hbm4b:s10+s15], $0x2780, s16, s15, $0x38;
	v63 =	vld [tilespmem:$0x0]  }
0x28: {  	_ =	swait.ge [sflag:s17], $0x2780  }
0x29: {  	[sflag:s17] =	ssyncset.done $0x0  }
0x2a: {  	[sflag:s17] =	ssyncadd.s32 $0xFFFFD880  }
0x2b: {  	[tilespmem:s20], [sflag:$0x1] =	stream.indirect.gather [hbm4b:s3+s19], $0x80, s4, s19, $0xb8;
	v63 =	vld [tilespmem:$0x0]  }
0x2c: {  	_ = 	snop  }
0x2d: {  	[tilespmem:s21], [sflag:$0x2] =	stream.indirect.gather [hbm4b:s3+s19], $0x80, s19, s19, $0xb8;
	v63 =	vld [tilespmem:$0x0]  }
0x2e: {  	s10 =	simm.s32 $0x60  }
0x2f: {  	[tilespmem:s23], [sflag:$0x3] =	stream.indirect.gather [hbm4b:s3+s19], $0x80, s10, s19, $0xb8;
	v63 =	vld [tilespmem:$0x0]  }
0x30: {  	_ =	swait.ge [sflag:s24], $0x2700  }
0x31: {  	[sflag:s24] =	ssyncset.done $0x0  }
0x32: {  	[sflag:s24] =	ssyncadd.s32 $0xFFFFD900  }
0x33: {  	s9 =	simm.s32 $0x90;
	[bflag:$0x0] =	sbarrier.arrive $0xFFFF  }
0x34: {  	[tilespmem:s26], [sflag:$0x4] =	stream.indirect.gather [hbm4b:s3+s19], $0x80, s9, s19, $0xb8;
	v63 =	vld [tilespmem:$0x0]  }
0x35: {  	_ =	swait.ge [sflag:s28], $0x1800  }
0x36: {  	[sflag:s28] =	ssyncset.done $0x0  }
0x37: {  	[sflag:s28] =	ssyncadd.s32 $0xFFFFE800  }
0x38: {  	[spmem:s1] =	stream.indirect.scatter.add.f32 [tilespmem:s20], [sflag:$0x6], $0x80, s18, s19, $0xb8;
	v63 =	vld [tilespmem:$0x0]  }
0x39: {  	s10 =	simm.s32 $0xC0  }
0x3a: {  	[tilespmem:s30], [sflag:$0x5] =	stream.indirect.gather [hbm4b:s3+s19], $0x80, s10, s19, $0xb8;
	v63 =	vld [tilespmem:$0x0]  }
0x3b: {  	_ =	swait.ge [sflag:s31], $0x1800  }
0x3c: {  	[sflag:s31] =	ssyncset.done $0x0  }
0x3d: {  	s9 =	simm.s32 $0x27B0;
	[sflag:s31] =	ssyncadd.s32 $0xFFFFE800  }
0x3e: {  	[spmem:s1] =	stream.indirect.scatter.add.f32 [tilespmem:s21], [sflag:$0x7], $0x80, s9, s19, $0xb8;
	v63 =	vld [tilespmem:$0x0]  }
0x3f: {  	_ =	swait.ge [sflag:s22], $0x1800  }
0x40: {  	[sflag:s22] =	ssyncset.done $0x0  }
0x41: {  	s10 =	simm.s32 $0xF0;
	[sflag:s22] =	ssyncadd.s32 $0xFFFFE800  }
0x42: {  	[tilespmem:s20], [sflag:$0x1] =	stream.indirect.gather [hbm4b:s3+s19], $0x80, s10, s19, $0xb8;
	v63 =	vld [tilespmem:$0x0]  }
0x43: {  	_ =	swait.ge [sflag:s29], $0x1800  }
0x44: {  	[sflag:s29] =	ssyncset.done $0x0  }
0x45: {  	s9 =	simm.s32 $0x27E0;
	[sflag:s29] =	ssyncadd.s32 $0xFFFFE800  }
0x46: {  	[spmem:s1] =	stream.indirect.scatter.add.f32 [tilespmem:s23], [sflag:$0x8], $0x80, s9, s19, $0xb8;
	v63 =	vld [tilespmem:$0x0]  }
0x47: {  	_ =	swait.ge [sflag:s25], $0x1800  }
0x48: {  	[sflag:s25] =	ssyncset.done $0x0  }
0x49: {  	s10 =	simm.s32 $0x120;
	[sflag:s25] =	ssyncadd.s32 $0xFFFFE800  }
0x4a: {  	[tilespmem:s21], [sflag:$0x2] =	stream.indirect.gather [hbm4b:s3+s19], $0x80, s10, s19, $0xb8;
	v63 =	vld [tilespmem:$0x0]  }
0x4b: {  	_ =	swait.ge [sflag:s0], $0x1800  }
0x4c: {  	[sflag:s0] =	ssyncset.done $0x0  }
0x4d: {  	s9 =	simm.s32 $0x2810;
	[sflag:s0] =	ssyncadd.s32 $0xFFFFE800  }
0x4e: {  	[spmem:s1] =	stream.indirect.scatter.add.f32 [tilespmem:s26], [sflag:$0x9], $0x80, s9, s19, $0xb8;
	v63 =	vld [tilespmem:$0x0]  }
0x4f: {  	_ =	swait.ge [sflag:s2], $0x1800  }
0x50: {  	[sflag:s2] =	ssyncset.done $0x0  }
0x51: {  	s10 =	simm.s32 $0x150;
	[sflag:s2] =	ssyncadd.s32 $0xFFFFE800  }
0x52: {  	[tilespmem:s23], [sflag:$0x3] =	stream.indirect.gather [hbm4b:s3+s19], $0x80, s10, s19, $0xb8;
	v63 =	vld [tilespmem:$0x0]  }
0x53: {  	_ =	swait.ge [sflag:s5], $0x1800  }
0x54: {  	[sflag:s5] =	ssyncset.done $0x0  }
0x55: {  	s9 =	simm.s32 $0x2840;
	[sflag:s5] =	ssyncadd.s32 $0xFFFFE800  }
0x56: {  	[spmem:s1] =	stream.indirect.scatter.add.f32 [tilespmem:s30], [sflag:$0xA], $0x80, s9, s19, $0xb8;
	v63 =	vld [tilespmem:$0x0]  }
0x57: {  	_ =	swait.ge [sflag:s6], $0x1800  }
0x58: {  	[sflag:s6] =	ssyncset.done $0x0  }
0x59: {  	s10 =	simm.s32 $0x180;
	[sflag:s6] =	ssyncadd.s32 $0xFFFFE800  }
0x5a: {  	[tilespmem:s26], [sflag:$0x4] =	stream.indirect.gather [hbm4b:s3+s19], $0x80, s10, s19, $0xb8;
	v63 =	vld [tilespmem:$0x0]  }
0x5b: {  	_ =	swait.ge [sflag:s28], $0x1800  }
0x5c: {  	[sflag:s28] =	ssyncset.done $0x0  }
0x5d: {  	s9 =	simm.s32 $0x2870;
	[sflag:s28] =	ssyncadd.s32 $0xFFFFE800  }
0x5e: {  	[spmem:s1] =	stream.indirect.scatter.add.f32 [tilespmem:s20], [sflag:$0x6], $0x80, s9, s19, $0xb8;
	v63 =	vld [tilespmem:$0x0]  }
0x5f: {  	_ =	swait.ge [sflag:s7], $0x1800  }
0x60: {  	[sflag:s7] =	ssyncset.done $0x0  }
0x61: {  	s10 =	simm.s32 $0x1B0;
	[sflag:s7] =	ssyncadd.s32 $0xFFFFE800  }
0x62: {  	[tilespmem:s30], [sflag:$0x5] =	stream.indirect.gather [hbm4b:s3+s19], $0x80, s10, s19, $0xb8;
	v63 =	vld [tilespmem:$0x0]  }
0x63: {  	_ =	swait.ge [sflag:s31], $0x1800  }
0x64: {  	[sflag:s31] =	ssyncset.done $0x0  }
0x65: {  	s9 =	simm.s32 $0x28A0;
	[sflag:s31] =	ssyncadd.s32 $0xFFFFE800  }
0x66: {  	[spmem:s1] =	stream.indirect.scatter.add.f32 [tilespmem:s21], [sflag:$0x7], $0x80, s9, s19, $0xb8;
	v63 =	vld [tilespmem:$0x0]  }
0x67: {  	_ =	swait.ge [sflag:s22], $0x1800  }
0x68: {  	[sflag:s22] =	ssyncset.done $0x0  }
0x69: {  	s10 =	simm.s32 $0x1E0;
	[sflag:s22] =	ssyncadd.s32 $0xFFFFE800  }
0x6a: {  	[tilespmem:s20], [sflag:$0x1] =	stream.indirect.gather [hbm4b:s3+s19], $0x80, s10, s19, $0xb8;
	v63 =	vld [tilespmem:$0x0]  }
0x6b: {  	_ =	swait.ge [sflag:s29], $0x1800  }
0x6c: {  	[sflag:s29] =	ssyncset.done $0x0  }
0x6d: {  	s9 =	simm.s32 $0x28D0;
	[sflag:s29] =	ssyncadd.s32 $0xFFFFE800  }
0x6e: {  	[spmem:s1] =	stream.indirect.scatter.add.f32 [tilespmem:s23], [sflag:$0x8], $0x80, s9, s19, $0xb8;
	v63 =	vld [tilespmem:$0x0]  }
0x6f: {  	_ =	swait.ge [sflag:s25], $0x1800  }
0x70: {  	[sflag:s25] =	ssyncset.done $0x0  }
0x71: {  	s10 =	simm.s32 $0x210;
	[sflag:s25] =	ssyncadd.s32 $0xFFFFE800  }
0x72: {  	[tilespmem:s21], [sflag:$0x2] =	stream.indirect.gather [hbm4b:s3+s19], $0x80, s10, s19, $0xb8;
	v63 =	vld [tilespmem:$0x0]  }
0x73: {  	_ =	swait.ge [sflag:s0], $0x1800  }
0x74: {  	[sflag:s0] =	ssyncset.done $0x0  }
0x75: {  	s9 =	simm.s32 $0x2900;
	[sflag:s0] =	ssyncadd.s32 $0xFFFFE800  }
0x76: {  	[spmem:s1] =	stream.indirect.scatter.add.f32 [tilespmem:s26], [sflag:$0x9], $0x80, s9, s19, $0xb8;
	v63 =	vld [tilespmem:$0x0]  }
0x77: {  	_ =	swait.ge [sflag:s2], $0x1800  }
0x78: {  	[sflag:s2] =	ssyncset.done $0x0  }
0x79: {  	s10 =	simm.s32 $0x240;
	[sflag:s2] =	ssyncadd.s32 $0xFFFFE800  }
0x7a: {  	[tilespmem:s23], [sflag:$0x3] =	stream.indirect.gather [hbm4b:s3+s19], $0x80, s10, s19, $0xb8;
	v63 =	vld [tilespmem:$0x0]  }
0x7b: {  	_ =	swait.ge [sflag:s5], $0x1800  }
0x7c: {  	[sflag:s5] =	ssyncset.done $0x0  }
0x7d: {  	s4 =	simm.s32 $0x3C0;
	s9 =	simm.s32 $0x2930;
	[sflag:s5] =	ssyncadd.s32 $0xFFFFE800  }
.LBB2_2:
0x7e: {  	[spmem:s1] =	stream.indirect.scatter.add.f32 [tilespmem:s30], [sflag:$0xA], $0x80, s9, s19, $0xb8;
	v63 =	vld [tilespmem:$0x0]  }
0x7f: {  	s9 =	smov.u32 s4;
	s4 =	sadd.s32 $0x3C0, s4;
	_ =	swait.ge [sflag:s6], $0x1800  }
0x80: {  	s9 =	sshra.s32 s9, $0x2;
	p1 =	sne.s32 s4, $0x9600;
	[sflag:s6] =	ssyncset.done $0x0  }
0x81: {  	s10 =	sadd.s32 $0x180, s9;
	[sflag:s6] =	ssyncadd.s32 $0xFFFFE800  }
0x82: {  	[tilespmem:s26], [sflag:$0x4] =	stream.indirect.gather [hbm4b:s3+s19], $0x80, s10, s19, $0xb8;
	v63 =	vld [tilespmem:$0x0]  }
0x83: {  	_ =	swait.ge [sflag:s28], $0x1800  }
0x84: {  	[sflag:s28] =	ssyncset.done $0x0  }
0x85: {  	s10 =	sadd.s32 $0x2870, s9;
	[sflag:s28] =	ssyncadd.s32 $0xFFFFE800  }
0x86: {  	[spmem:s1] =	stream.indirect.scatter.add.f32 [tilespmem:s20], [sflag:$0x6], $0x80, s10, s19, $0xb8;
	v63 =	vld [tilespmem:$0x0]  }
0x87: {  	_ =	swait.ge [sflag:s7], $0x1800  }
0x88: {  	[sflag:s7] =	ssyncset.done $0x0  }
0x89: {  	s10 =	sadd.s32 $0x1B0, s9;
	[sflag:s7] =	ssyncadd.s32 $0xFFFFE800  }
0x8a: {  	[tilespmem:s30], [sflag:$0x5] =	stream.indirect.gather [hbm4b:s3+s19], $0x80, s10, s19, $0xb8;
	v63 =	vld [tilespmem:$0x0]  }
0x8b: {  	_ =	swait.ge [sflag:s31], $0x1800  }
0x8c: {  	[sflag:s31] =	ssyncset.done $0x0  }
0x8d: {  	s10 =	sadd.s32 $0x28A0, s9;
	[sflag:s31] =	ssyncadd.s32 $0xFFFFE800  }
0x8e: {  	[spmem:s1] =	stream.indirect.scatter.add.f32 [tilespmem:s21], [sflag:$0x7], $0x80, s10, s19, $0xb8;
	v63 =	vld [tilespmem:$0x0]  }
0x8f: {  	_ =	swait.ge [sflag:s22], $0x1800  }
0x90: {  	[sflag:s22] =	ssyncset.done $0x0  }
0x91: {  	s10 =	sadd.s32 $0x1E0, s9;
	[sflag:s22] =	ssyncadd.s32 $0xFFFFE800  }
0x92: {  	[tilespmem:s20], [sflag:$0x1] =	stream.indirect.gather [hbm4b:s3+s19], $0x80, s10, s19, $0xb8;
	v63 =	vld [tilespmem:$0x0]  }
0x93: {  	_ =	swait.ge [sflag:s29], $0x1800  }
0x94: {  	[sflag:s29] =	ssyncset.done $0x0  }
0x95: {  	s10 =	sadd.s32 $0x28D0, s9;
	[sflag:s29] =	ssyncadd.s32 $0xFFFFE800  }
0x96: {  	[spmem:s1] =	stream.indirect.scatter.add.f32 [tilespmem:s23], [sflag:$0x8], $0x80, s10, s19, $0xb8;
	v63 =	vld [tilespmem:$0x0]  }
0x97: {  	_ =	swait.ge [sflag:s25], $0x1800  }
0x98: {  	[sflag:s25] =	ssyncset.done $0x0  }
0x99: {  	s10 =	sadd.s32 $0x210, s9;
	[sflag:s25] =	ssyncadd.s32 $0xFFFFE800  }
0x9a: {  	[tilespmem:s21], [sflag:$0x2] =	stream.indirect.gather [hbm4b:s3+s19], $0x80, s10, s19, $0xb8;
	v63 =	vld [tilespmem:$0x0]  }
0x9b: {  	_ =	swait.ge [sflag:s0], $0x1800  }
0x9c: {  	[sflag:s0] =	ssyncset.done $0x0  }
0x9d: {  	s10 =	sadd.s32 $0x2900, s9;
	[sflag:s0] =	ssyncadd.s32 $0xFFFFE800  }
0x9e: {  	[spmem:s1] =	stream.indirect.scatter.add.f32 [tilespmem:s26], [sflag:$0x9], $0x80, s10, s19, $0xb8;
	v63 =	vld [tilespmem:$0x0]  }
0x9f: {  	_ =	swait.ge [sflag:s2], $0x1800  }
0xa0: {  	[sflag:s2] =	ssyncset.done $0x0  }
.Ltmp0:
0xa1: {  	s10 =	sadd.s32 $0x240, s9;
	[sflag:s2] =	ssyncadd.s32 $0xFFFFE800;
	(pc) =	sbr.rel @p1 .LBB2_2-.Ltmp0, $4  }
0xa2: {  	[tilespmem:s23], [sflag:$0x3] =	stream.indirect.gather [hbm4b:s3+s19], $0x80, s10, s19, $0xb8;
	v63 =	vld [tilespmem:$0x0]  }
0xa3: {  	_ =	swait.ge [sflag:s5], $0x1800  }
0xa4: {  	[sflag:s5] =	ssyncset.done $0x0  }
0xa5: {  	s9 =	sadd.s32 $0x2930, s9;
	[sflag:s5] =	ssyncadd.s32 $0xFFFFE800  }
0xa6: {  	[spmem:s1] =	stream.indirect.scatter.add.f32 [tilespmem:s30], [sflag:$0xA], $0x80, s9, s19, $0xb8;
	v63 =	vld [tilespmem:$0x0]  }
0xa7: {  	_ =	swait.ge [sflag:s6], $0x1800  }
0xa8: {  	s4 =	sshra.s32 s4, $0x2;
	[sflag:s6] =	ssyncset.done $0x0  }
0xa9: {  	s10 =	sadd.s32 $0x180, s4;
	[sflag:s6] =	ssyncadd.s32 $0xFFFFE800  }
0xaa: {  	[tilespmem:s26], [sflag:$0x4] =	stream.indirect.gather [hbm4b:s3+s19], $0x80, s10, s19, $0xb8;
	v63 =	vld [tilespmem:$0x0]  }
0xab: {  	_ =	swait.ge [sflag:s28], $0x1800  }
0xac: {  	[sflag:s28] =	ssyncset.done $0x0  }
0xad: {  	s10 =	sadd.s32 $0x2870, s4;
	[sflag:s28] =	ssyncadd.s32 $0xFFFFE800  }
0xae: {  	[spmem:s1] =	stream.indirect.scatter.add.f32 [tilespmem:s20], [sflag:$0x6], $0x80, s10, s19, $0xb8;
	v63 =	vld [tilespmem:$0x0]  }
0xaf: {  	_ =	swait.ge [sflag:s7], $0x1800  }
0xb0: {  	[sflag:s7] =	ssyncset.done $0x0  }
0xb1: {  	s10 =	sadd.s32 $0x1B0, s4;
	[sflag:s7] =	ssyncadd.s32 $0xFFFFE800  }
0xb2: {  	[tilespmem:s30], [sflag:$0x5] =	stream.indirect.gather [hbm4b:s3+s19], $0x80, s10, s19, $0xb8;
	v63 =	vld [tilespmem:$0x0]  }
0xb3: {  	_ =	swait.ge [sflag:s31], $0x1800  }
0xb4: {  	[sflag:s31] =	ssyncset.done $0x0  }
0xb5: {  	s10 =	sadd.s32 $0x28A0, s4;
	[sflag:s31] =	ssyncadd.s32 $0xFFFFE800  }
0xb6: {  	[spmem:s1] =	stream.indirect.scatter.add.f32 [tilespmem:s21], [sflag:$0x7], $0x80, s10, s19, $0xb8;
	v63 =	vld [tilespmem:$0x0]  }
0xb7: {  	_ =	swait.ge [sflag:s22], $0x1800  }
0xb8: {  	[sflag:s22] =	ssyncset.done $0x0  }
0xb9: {  	[sflag:s22] =	ssyncadd.s32 $0xFFFFE800  }
0xba: {  	_ =	swait.ge [sflag:s29], $0x1800  }
0xbb: {  	[sflag:s29] =	ssyncset.done $0x0  }
0xbc: {  	s10 =	sadd.s32 $0x28D0, s4;
	[sflag:s29] =	ssyncadd.s32 $0xFFFFE800  }
0xbd: {  	[spmem:s1] =	stream.indirect.scatter.add.f32 [tilespmem:s23], [sflag:$0x8], $0x80, s10, s19, $0xb8;
	v63 =	vld [tilespmem:$0x0]  }
0xbe: {  	_ =	swait.ge [sflag:s25], $0x1800  }
0xbf: {  	[sflag:s25] =	ssyncset.done $0x0  }
0xc0: {  	[sflag:s25] =	ssyncadd.s32 $0xFFFFE800  }
0xc1: {  	_ =	swait.ge [sflag:s0], $0x1800  }
0xc2: {  	[sflag:s0] =	ssyncset.done $0x0  }
0xc3: {  	s10 =	sadd.s32 $0x2900, s4;
	[sflag:s0] =	ssyncadd.s32 $0xFFFFE800  }
0xc4: {  	[spmem:s1] =	stream.indirect.scatter.add.f32 [tilespmem:s26], [sflag:$0x9], $0x80, s10, s19, $0xb8;
	v63 =	vld [tilespmem:$0x0]  }
0xc5: {  	_ =	swait.ge [sflag:s2], $0x1800  }
0xc6: {  	[sflag:s2] =	ssyncset.done $0x0  }
0xc7: {  	[sflag:s2] =	ssyncadd.s32 $0xFFFFE800  }
0xc8: {  	_ =	swait.ge [sflag:s5], $0x1800  }
0xc9: {  	[sflag:s5] =	ssyncset.done $0x0  }
0xca: {  	s4 =	sadd.s32 $0x2930, s4;
	[sflag:s5] =	ssyncadd.s32 $0xFFFFE800  }
0xcb: {  	[spmem:s1] =	stream.indirect.scatter.add.f32 [tilespmem:s30], [sflag:$0xA], $0x80, s4, s19, $0xb8;
	v63 =	vld [tilespmem:$0x0]  }
0xcc: {  	_ =	swait.ge [sflag:s6], $0x1800  }
0xcd: {  	[sflag:s6] =	ssyncset.done $0x0  }
0xce: {  	[sflag:s6] =	ssyncadd.s32 $0xFFFFE800  }
0xcf: {  	_ =	swait.ge [sflag:s7], $0x1800  }
0xd0: {  	[sflag:s7] =	ssyncset.done $0x0  }
0xd1: {  	[sflag:s7] =	ssyncadd.s32 $0xFFFFE800  }
0xd2: {  	[bflag:$0x0] =	sbarrier.arrive $0xFFFF  }
0xd3: {  	s9 =	rddreg [dreg:$0x3]  }
0xd4: {  	s10 =	rddreg [dreg:$0x9];
	s4 =	sor.u32 $0x1C0C, s9  }
0xd5: {  	[hbm:s10], [sflag:s4] =	dma.local [spmem:s13], $0x2700  }
0xd6: {  	_ =	swait.ge [sflag:s17], $0x2700  }
0xd7: {  	s8 =	sadd.s32 $0x1, s8;
	[sflag:s17] =	ssyncset.done $0x0  }
0xd8: {  	p1 =	sne.s32 s8, s12;
	[sflag:s17] =	ssyncadd.s32 $0xFFFFD900  }
0xd9: {  	[hbm:s11], [sflag:s4] =	dma.local @!p0 [spmem:s14], $0x100  }
.Ltmp1:
0xda: {  	_ = 	snop;
	(pc) =	sbr.rel @p1 .LBB2_1-.Ltmp1, $4  }
0xdb: {  	s4 =	simm.s32 @!p0 $0xC  }
0xdc: {  	_ =	swait.ge @!p0 [sflag:s4], $0x100  }
0xdd: {  	[sflag:s4] =	ssyncset.done @!p0 $0x0  }
0xde: {  	[sflag:s4] =	ssyncadd.s32 @!p0 $0xFFFFFF00  }
0xdf: {  	_ =	sfence.sel $0x180000  }
0xe0: {  	[bflag:$0x0] =	sbarrier.arrive $0xFFFF  }
0xe1: {  	_ =	strace $0x9000004D  }
0xe2: {  	[bflag:$0x2] =	sbarrier.arrive $0xFFFF  }
0xe3: {  	s0 =	rddreg [dreg:$0x2]  }
0xe4: {  	s0 =	sadd.s32 @!p0 $0x100000, s0  }
0xe5: {  	[sflag:s0] =	ssyncadd.tile.s32 @!p0 $0x1;
	_ =	shalt  }
.Lfunc_end2:
_tile_overlayer_lowered:
.L_overlay_start_2:
0xe6: {  	(tag) =	ssettag $0x2  }
0xe7: {  	s0 =	rddreg [dreg:$0x0];
	s2 =	stileid.u32  }
0xe8: {  	s1 =	rddreg [dreg:$0x1];
	p0 =	sne.s32 s2, $0x0  }
0xe9: {  	s3 =	rddreg [dreg:$0x2];
	[bflag:$0x3] =	sbarrier.arrive $0xFFFF;
	s2 =	simm.s32 @!p0 $0x1C0C  }
0xea: {  	[timem:s3], [sflag:s2] =	dma.local @!p0 [hbm:s0], s1  }
0xeb: {  	s0 =	simm.s32 @!p0 $0xC  }
0xec: {  	_ =	swait.ge @!p0 [sflag:s0], s1  }
0xed: {  	s1 =	ssub.s32 @!p0 $0x0, s1;
	[sflag:s0] =	ssyncset.done @!p0 $0x0  }
0xee: {  	[sflag:s0] =	ssyncadd.s32 @!p0 s1  }
0xef: {  	[bflag:$0x3] =	sbarrier.arrive $0xFFFF  }
0xf0: {  	_ =	shalt  }

// kernel: kernel.8.cloned.1.call-start
scs
__scs_entry_jumppad:
0x0: {  	(pc) =	sbr.rel $0x88, $3  }
0x1: {  	(tag) =	ssettag $0x0;
	lr =	simm.s32 $0x1  }
0x2: {  	[smem:$0x3F96] =	sst lr;
	_ =	strace $0xD0000000  }
0x3: {  	_ = 	snop  }
0x4: {  	_ = 	snop  }
0x5: {  	_ = 	snop  }
0x6: {  	_ = 	snop  }
0x7: {  	_ = 	snop  }
__scs_overlays_trampoline_lowered:
0x8: {  	[smem:$0x3FA5] =	sst s0  }
0x9: {  	[smem:$0x3FA6] =	sst s1  }
0xa: {  	[smem:$0x3FA7] =	sst s2  }
0xb: {  	[smem:$0x3FA8] =	sst s3  }
0xc: {  	[smem:$0x3FA9] =	sst s4  }
0xd: {  	[smem:$0x3FAA] =	sst s5  }
0xe: {  	[smem:$0x3FAB] =	sst s6  }
0xf: {  	[smem:$0x3FAC] =	sst s7  }
0x10: {  	[smem:$0x3FAD] =	sst s8  }
0x11: {  	[smem:$0x3FAE] =	sst s9;
	s0 =	simm.s32 @!p0 $0x0  }
0x12: {  	s1 =	sld [smem:$0x3F94];
	s0 =	simm.s32 @p0 $0x1  }
0x13: {  	[smem:$0x3FAF] =	sst s0;
	s0 =	simm.s32 @!p1 $0x0  }
0x14: {  	s2 =	sld [smem:$0x3F93];
	s0 =	simm.s32 @p1 $0x1  }
0x15: {  	[smem:$0x3FB0] =	sst s0;
	s0 =	simm.s32 @!p2 $0x0  }
0x16: {  	s3 =	sld [smem:$0x3FDB];
	s0 =	simm.s32 @p2 $0x1  }
0x17: {  	s4 =	simm.s32 $0x1BF5;
	[smem:$0x3FB2] =	sst s0  }
0x18: {  	s0 =	sld [smem:$0x3F95];
	_ =	swait.ge [sflag:s4], $0x0  }
0x19: {  	s7 =	sld [smem:$0x3F96]  }
0x1a: {  	s8 =	sadd.s32 $0xFFFFE003, lr  }
0x1b: {  	s9 =	sadd.s32 $0xFFFFFEF7, lr;
	s5 =	simm.s32 $0xFFFFFFFF;
	p2 =	slt.u32 s8, $0xFFFFF086  }
0x1c: {  	p1 =	slt.u32 s9, $0xF7A;
	s5 =	simm.s32 @!p2 $0x0  }
0x1d: {  	s5 =	simm.s32 @p1 $0x1;
	p0 =	seq.s32 s7, s2  }
0x1e: {  	s7 =	smul.u32 @!p0 $0xF7A, s2;
	p2 =	seq.s32 @!p0 s5, $0x0  }
0x1f: {  	s9 =	smul.u32 $0xF7A, s1;
	s8 =	simm.s32 @!p0 $0x1BF5;
	p2 =	por !p2, p0  }
0x20: {  	[sflag:s8] =	ssyncset.s32 @!p0 $0xFFFFF086;
	s6 =	sadd.s32 @!p0 s3, s7;
	s7 =	simm.s32 @!p0 $0x108  }
0x21: {  	s3 =	sadd.s32 s3, s9;
	s6 =	sadd.s32 @!p0 $0x88, s6;
	s7 =	simm.s32 @p2 $0x1082  }
0x22: {  	[simem:s7], [sflag:s8] =	dma.local @!p0 [hbm:s6], $0xF7A  }
0x23: {  	s9 =	sor.u32 $0xD0000000, s2;
	s6 =	simm.s32 $0x108;
	_ =	swait.ge @!p0 [sflag:s8], $0x0  }
0x24: {  	s3 =	sadd.s32 $0x88, s3;
	s6 =	simm.s32 @!p1 $0x1082;
	[sflag:s4] =	ssyncset.s32 $0xFFFFF086  }
0x25: {  	[simem:s6], [sflag:s4] =	dma.local [hbm:s3], $0xF7A  }
0x26: {  	[smem:$0x3F96] =	sst s1;
	(tag) =	ssettag s2;
	_ =	strace s9  }
0x27: {  	s1 =	sld [smem:$0x3FA6]  }
0x28: {  	s2 =	sld [smem:$0x3FA7]  }
0x29: {  	s4 =	sld [smem:$0x3FA9]  }
0x2a: {  	p0 =	seq.s32 s5, $0x0;
	s5 =	sld [smem:$0x3FAA]  }
0x2b: {  	s6 =	sld [smem:$0x3FAB]  }
0x2c: {  	s7 =	sld [smem:$0x3FAC]  }
0x2d: {  	s3 =	simm.s32 $0x108;
	s8 =	sld [smem:$0x3FAD]  }
0x2e: {  	s3 =	simm.s32 @!p0 $0x1082;
	s9 =	sld [smem:$0x3FAE]  }
0x2f: {  	lr =	sadd.s32 s0, s3;
	s0 =	sld [smem:$0x3FA5]  }
0x30: {  	s3 =	sld [smem:$0x3FA8]  }
0x31: {  	[smem:$0x3FB1] =	sst s10  }
0x32: {  	s10 =	sld [smem:$0x3FAF];
	_ =	sdelay $0x3  }
0x33: {  	p0 =	seq.s32 s10, $0x1;
	s10 =	sld [smem:$0x3FB1];
	_ =	sdelay $0x3  }
0x34: {  	[smem:$0x3FB1] =	sst s10  }
0x35: {  	s10 =	sld [smem:$0x3FB0];
	_ =	sdelay $0x3  }
0x36: {  	p1 =	seq.s32 s10, $0x1;
	s10 =	sld [smem:$0x3FB1];
	_ =	sdelay $0x3  }
0x37: {  	[smem:$0x3FB1] =	sst s10  }
0x38: {  	s10 =	sld [smem:$0x3FB2]  }
0x39: {  	_ = 	snop;
	(pc) =	sbr.ind lr, $3  }
0x3a: {  	_ = 	snop  }
0x3b: {  	_ = 	snop  }
0x3c: {  	p2 =	seq.s32 s10, $0x1;
	s10 =	sld [smem:$0x3FB1]  }
0x3d: {  	_ =	shalt  }
0x3e: {  	_ =	shalt  }
0x3f: {  	_ =	shalt  }
0x40: {  	_ =	shalt  }
0x41: {  	_ =	shalt  }
0x42: {  	_ =	shalt  }
0x43: {  	_ =	shalt  }
0x44: {  	_ =	shalt  }
0x45: {  	_ =	shalt  }
0x46: {  	_ =	shalt  }
0x47: {  	_ =	shalt  }
0x48: {  	_ =	shalt  }
0x49: {  	_ =	shalt  }
0x4a: {  	_ =	shalt  }
0x4b: {  	_ =	shalt  }
0x4c: {  	_ =	shalt  }
0x4d: {  	_ =	shalt  }
0x4e: {  	_ =	shalt  }
0x4f: {  	_ =	shalt  }
0x50: {  	_ =	shalt  }
0x51: {  	_ =	shalt  }
0x52: {  	_ =	shalt  }
0x53: {  	_ =	shalt  }
0x54: {  	_ =	shalt  }
0x55: {  	_ =	shalt  }
0x56: {  	_ =	shalt  }
0x57: {  	_ =	shalt  }
0x58: {  	_ =	shalt  }
0x59: {  	_ =	shalt  }
0x5a: {  	_ =	shalt  }
0x5b: {  	_ =	shalt  }
0x5c: {  	_ =	shalt  }
0x5d: {  	_ =	shalt  }
0x5e: {  	_ =	shalt  }
0x5f: {  	_ =	shalt  }
0x60: {  	_ =	shalt  }
0x61: {  	_ =	shalt  }
0x62: {  	_ =	shalt  }
0x63: {  	_ =	shalt  }
0x64: {  	_ =	shalt  }
0x65: {  	_ =	shalt  }
0x66: {  	_ =	shalt  }
0x67: {  	_ =	shalt  }
0x68: {  	_ =	shalt  }
0x69: {  	_ =	shalt  }
0x6a: {  	_ =	shalt  }
0x6b: {  	_ =	shalt  }
0x6c: {  	_ =	shalt  }
0x6d: {  	_ =	shalt  }
0x6e: {  	_ =	shalt  }
0x6f: {  	_ =	shalt  }
0x70: {  	_ =	shalt  }
0x71: {  	_ =	shalt  }
0x72: {  	_ =	shalt  }
0x73: {  	_ =	shalt  }
0x74: {  	_ =	shalt  }
0x75: {  	_ =	shalt  }
0x76: {  	_ =	shalt  }
0x77: {  	_ =	shalt  }
0x78: {  	_ =	shalt  }
0x79: {  	_ =	shalt  }
0x7a: {  	_ =	shalt  }
0x7b: {  	_ =	shalt  }
0x7c: {  	_ =	shalt  }
0x7d: {  	_ =	shalt  }
0x7e: {  	_ =	shalt  }
0x7f: {  	_ =	shalt  }
0x80: {  	_ =	shalt  }
0x81: {  	_ =	shalt  }
0x82: {  	_ =	shalt  }
0x83: {  	_ =	shalt  }
0x84: {  	_ =	shalt  }
0x85: {  	_ =	shalt  }
0x86: {  	_ =	shalt  }
0x87: {  	_ =	shalt  }
.Lfunc_end0:
.L_simem_size_0:
called_computation_lowered:
.L_overlay_start_0:
0x88: {  	s2 =	sld [smem:$0x3FD9]  }
0x89: {  	s3 =	sld [smem:$0x3FFE];
	_ =	sdelay $0x1  }
0x8a: {  	s1 =	srdreg.scid  }
0x8b: {  	s0 =	sand.u32 $0x1, s1  }
0x8c: {  	s17 =	sshll.u32 s0, $0xA;
	s2 =	sadd.s32 s3, s2  }
0x8d: {  	s2 =	sadd.s32 s2, s17  }
0x8e: {  	[smem:$0x3FBD] =	sst s2  }
0x8f: {  	_ = 	snop  }
0x90: {  	s2 =	sld [smem:$0x3FC9];
	(tm) =	ssettm $0x1  }
0x91: {  	s18 =	sld [smem:$0x3FFB];
	_ =	sdelay $0x3  }
0x92: {  	_ =	strace s18  }
0x93: {  	s3 =	sld [smem:$0x3FFC];
	_ =	sdelay $0x3  }
0x94: {  	_ =	strace s3  }
0x95: {  	s3 =	sld [smem:$0x3FFD];
	_ =	sdelay $0x3  }
0x96: {  	_ =	strace s3  }
0x97: {  	_ =	strace $0x8FFFFFFF  }
0x98: {  	s19 =	sld [smem:$0x3FDB];
	_ =	sdelay $0x1  }
0x99: {  	s4 =	simm.s32 $_scs_section_size  }
0x9a: {  	s5 =	simm.s32 $_size__tile_overlayer_lowered;
	s6 =	simm.s32 $_tile_overlayer_lowered  }
0x9b: {  	s22 =	simm.s32 $0x1BFF;
	s21 =	sshll.u32 s6, $0x1;
	s3 =	sadd.s32 s4, s19  }
0x9c: {  	s7 =	simm.s32 $0x0;
	s20 =	sshll.u32 s5, $0x1;
	s5 =	sadd.s32 s21, s3  }
0x9d: {  	[timem:s7], [sflag:s22] =	dma.local [hbm:s5], s20  }
0x9e: {  	_ =	swait.ge [sflag:s22], s20  }
0x9f: {  	s4 =	ssub.s32 $0x0, s20;
	[sflag:s22] =	ssyncset.done $0x0  }
0xa0: {  	[sflag:s22] =	ssyncadd.s32 s4;
	_ =	sdelay $0x1  }
0xa1: {  	s23 =	simm.s32 $0x1B8B  }
0xa2: {  	_ =	swait.ge [sflag:s23], $0x1  }
0xa3: {  	[sflag:s23] =	ssyncset.done $0x0  }
0xa4: {  	s25 =	simm.s32 $0x1B8E;
	s24 =	sld [smem:$0x3FFE];
	[sflag:s23] =	ssyncadd.s32 $0xFFFFFFFF  }
0xa5: {  	s26 =	simm.s32 $execute0_lowered;
	[smem:$0x3FD2] =	sst s25  }
0xa6: {  	s5 =	sshll.u32 s26, $0x1;
	_ =	strace $0x80000046;
	[dreg:$0x1] =	wrdreg $0xFFFFFFFF  }
0xa7: {  	s28 =	simm.s32 $_size_execute0_lowered;
	s3 =	sadd.s32 s3, s5;
	[dreg:$0x0] =	wrdreg $0x0  }
0xa8: {  	s5 =	sshll.u32 s28, $0x1;
	[dreg:$0x2] =	wrdreg s3  }
0xa9: {  	[dreg:$0x3] =	wrdreg s5  }
0xaa: {  	[dreg:$0x4] =	wrdreg $0xC0  }
0xab: {  	_ =	task [dreg:s7], $0x5FFFF  }
0xac: {  	[dreg:$0x1] =	wrdreg $0xFFFFFFFF  }
0xad: {  	[dreg:$0x0] =	wrdreg $0x60  }
0xae: {  	[dreg:$0x2] =	wrdreg s2  }
0xaf: {  	[dreg:$0x3] =	wrdreg s24  }
0xb0: {  	[dreg:$0x4] =	wrdreg $0xC7000  }
0xb1: {  	[dreg:$0x5] =	wrdreg $0x9  }
0xb2: {  	_ =	task.clear_ibuf [dreg:s7], $0x6FFFF;
	_ =	strace $0x90000046  }
0xb3: {  	s29 =	simm.s32 $0x9;
	_ =	strace $0x80000048  }
0xb4: {  	_ =	swait.ge [sflag:s29], $0x1  }
0xb5: {  	[sflag:s29] =	ssyncadd.s32 $0xFFFFFFFF  }
0xb6: {  	_ =	strace $0x90000048  }
0xb7: {  	_ =	sfence  }
0xb8: {  	s30 =	sld [smem:$0x0];
	_ =	sdelay $0x2  }
0xb9: {  	s31 =	sshll.u32 s1, $0xD;
	s1 =	sshrl.u32 s1, $0x2  }
0xba: {  	s3 =	sand.u32 $0x4000, s31;
	s1 =	sadd.s32 s1, s30  }
0xbb: {  	s0 =	sor.u32 s3, s0;
	s1 =	sshll.u32 s1, $0x11  }
0xbc: {  	s0 =	sor.u32 s1, s0  }
0xbd: {  	s0 =	sadd.s32 $0x8F2B, s0  }
0xbe: {  	[sflag:s0] =	ssyncadd.remote.s32 $0x1  }
0xbf: {  	_ =	sfence.sel $0xFFFF  }
0xc0: {  	[dreg:$0x0] =	wrdreg $0xFFFFFFFF;
	(pc) =	sbr.abs _section_cstart, $3  }
0xc1: {  	[dreg:$0x1] =	wrdreg $0xFFFFFFFF  }
0xc2: {  	_ =	task.clear_ibuf [dreg:s7], $0x2FFFF;
	_ =	strace $0x9FFFFFFF  }
0xc3: {  	(tm) =	ssettm $0x7FFFFFFF  }
tec
execute0_lowered:
.L_overlay_start_1:
0x0: {  	(tag) =	ssettag $0x1  }
0x1: {  	s0 =	rddreg [dreg:$0x0]  }
0x2: {  	s1 =	srdreg.scid;
	s3 =	rddreg [dreg:$0x1]  }
0x3: {  	s4 =	stileid.u32;
	s2 =	rddreg [dreg:$0x2]  }
0x4: {  	s7 =	simm.s32 $0x0;
	s15 =	simm.s32 $0x80;
	s16 =	simm.s32 $0x400  }
0x5: {  	s17 =	simm.s32 $0xC;
	s18 =	simm.s32 $0x2780;
	s19 =	simm.s32 $0x30  }
0x6: {  	s20 =	simm.s32 $0x4F00;
	s28 =	simm.s32 $0x1;
	s30 =	simm.s32 $0xAF00  }
0x7: {  	s31 =	simm.s32 $0x2;
	s29 =	simm.s32 $0x3;
	s1 =	sand.u32 $0x1, s1  }
0x8: {  	s6 =	sshll.u32 s4, $0x7;
	[smem:$0x7FF] =	sst s7;
	s21 =	smul.u32 $0x2700, s4  }
0x9: {  	s8 =	smul.u32 $0x4E000, s4;
	s11 =	sadd.s32 $0x3E400, s3;
	s12 =	sshll.u32 s4, $0x6  }
0xa: {  	p0 =	sne.s32 s4, $0x0;
	s5 =	sshll.u32 s1, $0x4;
	s6 =	sand.u32 $0x380, s6  }
0xb: {  	_ =	strace $0x80000047;
	s22 =	ssub.s32 $0x2, s1;
	s23 =	smul.u32 $0x138800, s1  }
0xc: {  	[dreg:$0x4] =	wrdreg s12;
	s24 =	sor.u32 $0x1C0B, s12;
	s1 =	smul.u32 $0x27100, s1  }
0xd: {  	s5 =	sor.u32 s4, s5;
	s9 =	sadd.s32 s21, s3;
	s10 =	sshrl.u32 s22, $0x1  }
0xe: {  	s8 =	sshrl.u32 s8, $0x2;
	[dreg:$0x6] =	wrdreg s24;
	s24 =	simm.s32 $0xB  }
0xf: {  	s5 =	sshrl.u32 s5, $0x3;
	s7 =	ssub.s32 s22, s10;
	s8 =	sadd.s32 s8, s2  }
0x10: {  	s9 =	sadd.s32 $0x17200, s9;
	s25 =	sshrl.u32 s23, $0x3;
	s1 =	sadd.s32 s21, s1  }
0x11: {  	s21 =	simm.s32 $0x6700;
	s23 =	simm.s32 $0x7F00;
	s22 =	simm.s32 $0x6  }
0x12: {  	s5 =	smul.u32 $0x13C00, s5;
	[dreg:$0x5] =	wrdreg s9;
	s9 =	sadd.s32 $0x138000, s2  }
0x13: {  	s1 =	sadd.s32 s11, s1;
	s12 =	smax.u32 s7, $0x1;
	s13 =	sshrl.u32 s8, $0x3  }
0x14: {  	s7 =	simm.s32 $0xA;
	s8 =	simm.s32 $0x0;
	s5 =	sor.u32 s6, s5  }
0x15: {  	[dreg:$0xa] =	wrdreg s1;
	s14 =	sshrl.u32 @!p0 s9, $0x3;
	s5 =	sshrl.u32 s5, $0x3  }
0x16: {  	s1 =	simm.s32 $0x4;
	s5 =	sadd.s32 s5, s3;
	s3 =	sadd.s32 $0x3E200, s3  }
0x17: {  	s6 =	simm.s32 $0x9;
	[dreg:$0x7] =	wrdreg s3;
	s26 =	sadd.s32 $0x3600, s5  }
0x18: {  	s3 =	sadd.s32 s11, s25;
	s5 =	sadd.s32 $0xD400, s5;
	[dreg:$0x8] =	wrdreg s26  }
0x19: {  	s25 =	simm.s32 $0x7;
	[dreg:$0x9] =	wrdreg s5;
	s11 =	sadd.s32 $0x27000, s3  }
0x1a: {  	s26 =	simm.s32 $0x9700;
	s3 =	simm.s32 $0x8;
	s5 =	simm.s32 $0x5  }
.LBB2_1:
0x1b: {  	s4 =	rddreg [dreg:$0x5]  }
0x1c: {  	s9 =	rddreg [dreg:$0x6]  }
0x1d: {  	[spmem:s13], [sflag:s9] =	dma.local [hbm:s4], $0x2700  }
0x1e: {  	s4 =	simm.s32 @!p0 $0x1C0C;
	s9 =	rddreg [dreg:$0x7]  }
0x1f: {  	[spmem:s14], [sflag:s4] =	dma.local @!p0 [hbm:s9], $0x200  }
0x20: {  	s4 =	simm.s32 @!p0 $0xC  }
0x21: {  	_ =	swait.ge @!p0 [sflag:s4], $0x200  }
0x22: {  	[sflag:s4] =	ssyncset.done @!p0 $0x0  }
0x23: {  	s10 =	rddreg [dreg:$0x8];
	[sflag:s4] =	ssyncadd.s32 @!p0 $0xFFFFFE00;
	s4 =	simm.s32 $0x0  }
0x24: {  	[tilespmem:s4], [sflag:$0xC] =	stream.strided.gather [hbm4b:s10+s15], $0x2780, s16, s15, $0x38;
	v63 =	vld [tilespmem:$0x0]  }
0x25: {  	_ =	swait.ge [sflag:s17], $0x2780  }
0x26: {  	[sflag:s17] =	ssyncset.done $0x0  }
0x27: {  	s10 =	rddreg [dreg:$0x9];
	[sflag:s17] =	ssyncadd.s32 $0xFFFFD880  }
0x28: {  	[tilespmem:s18], [sflag:$0xC] =	stream.strided.gather [hbm4b:s10+s15], $0x2780, s16, s15, $0x38;
	v63 =	vld [tilespmem:$0x0]  }
0x29: {  	_ =	swait.ge [sflag:s17], $0x2780  }
0x2a: {  	[sflag:s17] =	ssyncset.done $0x0  }
0x2b: {  	[sflag:s17] =	ssyncadd.s32 $0xFFFFD880  }
0x2c: {  	[tilespmem:s20], [sflag:$0x1] =	stream.indirect.gather [hbm4b:s0+s19], $0x80, s4, s19, $0xb8;
	v63 =	vld [tilespmem:$0x0]  }
0x2d: {  	_ = 	snop  }
0x2e: {  	[tilespmem:s21], [sflag:$0x2] =	stream.indirect.gather [hbm4b:s0+s19], $0x80, s19, s19, $0xb8;
	v63 =	vld [tilespmem:$0x0]  }
0x2f: {  	s10 =	simm.s32 $0x60  }
0x30: {  	[tilespmem:s23], [sflag:$0x3] =	stream.indirect.gather [hbm4b:s0+s19], $0x80, s10, s19, $0xb8;
	v63 =	vld [tilespmem:$0x0]  }
0x31: {  	_ =	swait.ge [sflag:s24], $0x2700  }
0x32: {  	[sflag:s24] =	ssyncset.done $0x0  }
0x33: {  	[sflag:s24] =	ssyncadd.s32 $0xFFFFD900  }
0x34: {  	s9 =	simm.s32 $0x90;
	[bflag:$0x0] =	sbarrier.arrive $0xFFFF  }
0x35: {  	[tilespmem:s26], [sflag:$0x4] =	stream.indirect.gather [hbm4b:s0+s19], $0x80, s9, s19, $0xb8;
	v63 =	vld [tilespmem:$0x0]  }
0x36: {  	_ =	swait.ge [sflag:s28], $0x1800  }
0x37: {  	[sflag:s28] =	ssyncset.done $0x0  }
0x38: {  	[sflag:s28] =	ssyncadd.s32 $0xFFFFE800  }
0x39: {  	[spmem:s2] =	stream.indirect.scatter.add.f32 [tilespmem:s20], [sflag:$0x6], $0x80, s18, s19, $0xb8;
	v63 =	vld [tilespmem:$0x0]  }
0x3a: {  	s10 =	simm.s32 $0xC0  }
0x3b: {  	[tilespmem:s30], [sflag:$0x5] =	stream.indirect.gather [hbm4b:s0+s19], $0x80, s10, s19, $0xb8;
	v63 =	vld [tilespmem:$0x0]  }
0x3c: {  	_ =	swait.ge [sflag:s31], $0x1800  }
0x3d: {  	[sflag:s31] =	ssyncset.done $0x0  }
0x3e: {  	s9 =	simm.s32 $0x27B0;
	[sflag:s31] =	ssyncadd.s32 $0xFFFFE800  }
0x3f: {  	[spmem:s2] =	stream.indirect.scatter.add.f32 [tilespmem:s21], [sflag:$0x7], $0x80, s9, s19, $0xb8;
	v63 =	vld [tilespmem:$0x0]  }
0x40: {  	_ =	swait.ge [sflag:s22], $0x1800  }
0x41: {  	[sflag:s22] =	ssyncset.done $0x0  }
0x42: {  	s10 =	simm.s32 $0xF0;
	[sflag:s22] =	ssyncadd.s32 $0xFFFFE800  }
0x43: {  	[tilespmem:s20], [sflag:$0x1] =	stream.indirect.gather [hbm4b:s0+s19], $0x80, s10, s19, $0xb8;
	v63 =	vld [tilespmem:$0x0]  }
0x44: {  	_ =	swait.ge [sflag:s29], $0x1800  }
0x45: {  	[sflag:s29] =	ssyncset.done $0x0  }
0x46: {  	s9 =	simm.s32 $0x27E0;
	[sflag:s29] =	ssyncadd.s32 $0xFFFFE800  }
0x47: {  	[spmem:s2] =	stream.indirect.scatter.add.f32 [tilespmem:s23], [sflag:$0x8], $0x80, s9, s19, $0xb8;
	v63 =	vld [tilespmem:$0x0]  }
0x48: {  	_ =	swait.ge [sflag:s25], $0x1800  }
0x49: {  	[sflag:s25] =	ssyncset.done $0x0  }
0x4a: {  	s10 =	simm.s32 $0x120;
	[sflag:s25] =	ssyncadd.s32 $0xFFFFE800  }
0x4b: {  	[tilespmem:s21], [sflag:$0x2] =	stream.indirect.gather [hbm4b:s0+s19], $0x80, s10, s19, $0xb8;
	v63 =	vld [tilespmem:$0x0]  }
0x4c: {  	_ =	swait.ge [sflag:s1], $0x1800  }
0x4d: {  	[sflag:s1] =	ssyncset.done $0x0  }
0x4e: {  	s9 =	simm.s32 $0x2810;
	[sflag:s1] =	ssyncadd.s32 $0xFFFFE800  }
0x4f: {  	[spmem:s2] =	stream.indirect.scatter.add.f32 [tilespmem:s26], [sflag:$0x9], $0x80, s9, s19, $0xb8;
	v63 =	vld [tilespmem:$0x0]  }
0x50: {  	_ =	swait.ge [sflag:s3], $0x1800  }
0x51: {  	[sflag:s3] =	ssyncset.done $0x0  }
0x52: {  	s10 =	simm.s32 $0x150;
	[sflag:s3] =	ssyncadd.s32 $0xFFFFE800  }
0x53: {  	[tilespmem:s23], [sflag:$0x3] =	stream.indirect.gather [hbm4b:s0+s19], $0x80, s10, s19, $0xb8;
	v63 =	vld [tilespmem:$0x0]  }
0x54: {  	_ =	swait.ge [sflag:s5], $0x1800  }
0x55: {  	[sflag:s5] =	ssyncset.done $0x0  }
0x56: {  	s9 =	simm.s32 $0x2840;
	[sflag:s5] =	ssyncadd.s32 $0xFFFFE800  }
0x57: {  	[spmem:s2] =	stream.indirect.scatter.add.f32 [tilespmem:s30], [sflag:$0xA], $0x80, s9, s19, $0xb8;
	v63 =	vld [tilespmem:$0x0]  }
0x58: {  	_ =	swait.ge [sflag:s6], $0x1800  }
0x59: {  	[sflag:s6] =	ssyncset.done $0x0  }
0x5a: {  	s10 =	simm.s32 $0x180;
	[sflag:s6] =	ssyncadd.s32 $0xFFFFE800  }
0x5b: {  	[tilespmem:s26], [sflag:$0x4] =	stream.indirect.gather [hbm4b:s0+s19], $0x80, s10, s19, $0xb8;
	v63 =	vld [tilespmem:$0x0]  }
0x5c: {  	_ =	swait.ge [sflag:s28], $0x1800  }
0x5d: {  	[sflag:s28] =	ssyncset.done $0x0  }
0x5e: {  	s9 =	simm.s32 $0x2870;
	[sflag:s28] =	ssyncadd.s32 $0xFFFFE800  }
0x5f: {  	[spmem:s2] =	stream.indirect.scatter.add.f32 [tilespmem:s20], [sflag:$0x6], $0x80, s9, s19, $0xb8;
	v63 =	vld [tilespmem:$0x0]  }
0x60: {  	_ =	swait.ge [sflag:s7], $0x1800  }
0x61: {  	[sflag:s7] =	ssyncset.done $0x0  }
0x62: {  	s10 =	simm.s32 $0x1B0;
	[sflag:s7] =	ssyncadd.s32 $0xFFFFE800  }
0x63: {  	[tilespmem:s30], [sflag:$0x5] =	stream.indirect.gather [hbm4b:s0+s19], $0x80, s10, s19, $0xb8;
	v63 =	vld [tilespmem:$0x0]  }
0x64: {  	_ =	swait.ge [sflag:s31], $0x1800  }
0x65: {  	[sflag:s31] =	ssyncset.done $0x0  }
0x66: {  	s9 =	simm.s32 $0x28A0;
	[sflag:s31] =	ssyncadd.s32 $0xFFFFE800  }
0x67: {  	[spmem:s2] =	stream.indirect.scatter.add.f32 [tilespmem:s21], [sflag:$0x7], $0x80, s9, s19, $0xb8;
	v63 =	vld [tilespmem:$0x0]  }
0x68: {  	_ =	swait.ge [sflag:s22], $0x1800  }
0x69: {  	[sflag:s22] =	ssyncset.done $0x0  }
0x6a: {  	s10 =	simm.s32 $0x1E0;
	[sflag:s22] =	ssyncadd.s32 $0xFFFFE800  }
0x6b: {  	[tilespmem:s20], [sflag:$0x1] =	stream.indirect.gather [hbm4b:s0+s19], $0x80, s10, s19, $0xb8;
	v63 =	vld [tilespmem:$0x0]  }
0x6c: {  	_ =	swait.ge [sflag:s29], $0x1800  }
0x6d: {  	[sflag:s29] =	ssyncset.done $0x0  }
0x6e: {  	s9 =	simm.s32 $0x28D0;
	[sflag:s29] =	ssyncadd.s32 $0xFFFFE800  }
0x6f: {  	[spmem:s2] =	stream.indirect.scatter.add.f32 [tilespmem:s23], [sflag:$0x8], $0x80, s9, s19, $0xb8;
	v63 =	vld [tilespmem:$0x0]  }
0x70: {  	_ =	swait.ge [sflag:s25], $0x1800  }
0x71: {  	[sflag:s25] =	ssyncset.done $0x0  }
0x72: {  	s10 =	simm.s32 $0x210;
	[sflag:s25] =	ssyncadd.s32 $0xFFFFE800  }
0x73: {  	[tilespmem:s21], [sflag:$0x2] =	stream.indirect.gather [hbm4b:s0+s19], $0x80, s10, s19, $0xb8;
	v63 =	vld [tilespmem:$0x0]  }
0x74: {  	_ =	swait.ge [sflag:s1], $0x1800  }
0x75: {  	[sflag:s1] =	ssyncset.done $0x0  }
0x76: {  	s9 =	simm.s32 $0x2900;
	[sflag:s1] =	ssyncadd.s32 $0xFFFFE800  }
0x77: {  	[spmem:s2] =	stream.indirect.scatter.add.f32 [tilespmem:s26], [sflag:$0x9], $0x80, s9, s19, $0xb8;
	v63 =	vld [tilespmem:$0x0]  }
0x78: {  	_ =	swait.ge [sflag:s3], $0x1800  }
0x79: {  	[sflag:s3] =	ssyncset.done $0x0  }
0x7a: {  	s10 =	simm.s32 $0x240;
	[sflag:s3] =	ssyncadd.s32 $0xFFFFE800  }
0x7b: {  	[tilespmem:s23], [sflag:$0x3] =	stream.indirect.gather [hbm4b:s0+s19], $0x80, s10, s19, $0xb8;
	v63 =	vld [tilespmem:$0x0]  }
0x7c: {  	_ =	swait.ge [sflag:s5], $0x1800  }
0x7d: {  	[sflag:s5] =	ssyncset.done $0x0  }
0x7e: {  	s4 =	simm.s32 $0x3C0;
	s9 =	simm.s32 $0x2930;
	[sflag:s5] =	ssyncadd.s32 $0xFFFFE800  }
.LBB2_2:
0x7f: {  	[spmem:s2] =	stream.indirect.scatter.add.f32 [tilespmem:s30], [sflag:$0xA], $0x80, s9, s19, $0xb8;
	v63 =	vld [tilespmem:$0x0]  }
0x80: {  	s9 =	smov.u32 s4;
	s4 =	sadd.s32 $0x3C0, s4;
	_ =	swait.ge [sflag:s6], $0x1800  }
0x81: {  	s9 =	sshra.s32 s9, $0x2;
	p1 =	sne.s32 s4, $0x9600;
	[sflag:s6] =	ssyncset.done $0x0  }
0x82: {  	s10 =	sadd.s32 $0x180, s9;
	[sflag:s6] =	ssyncadd.s32 $0xFFFFE800  }
0x83: {  	[tilespmem:s26], [sflag:$0x4] =	stream.indirect.gather [hbm4b:s0+s19], $0x80, s10, s19, $0xb8;
	v63 =	vld [tilespmem:$0x0]  }
0x84: {  	_ =	swait.ge [sflag:s28], $0x1800  }
0x85: {  	[sflag:s28] =	ssyncset.done $0x0  }
0x86: {  	s10 =	sadd.s32 $0x2870, s9;
	[sflag:s28] =	ssyncadd.s32 $0xFFFFE800  }
0x87: {  	[spmem:s2] =	stream.indirect.scatter.add.f32 [tilespmem:s20], [sflag:$0x6], $0x80, s10, s19, $0xb8;
	v63 =	vld [tilespmem:$0x0]  }
0x88: {  	_ =	swait.ge [sflag:s7], $0x1800  }
0x89: {  	[sflag:s7] =	ssyncset.done $0x0  }
0x8a: {  	s10 =	sadd.s32 $0x1B0, s9;
	[sflag:s7] =	ssyncadd.s32 $0xFFFFE800  }
0x8b: {  	[tilespmem:s30], [sflag:$0x5] =	stream.indirect.gather [hbm4b:s0+s19], $0x80, s10, s19, $0xb8;
	v63 =	vld [tilespmem:$0x0]  }
0x8c: {  	_ =	swait.ge [sflag:s31], $0x1800  }
0x8d: {  	[sflag:s31] =	ssyncset.done $0x0  }
0x8e: {  	s10 =	sadd.s32 $0x28A0, s9;
	[sflag:s31] =	ssyncadd.s32 $0xFFFFE800  }
0x8f: {  	[spmem:s2] =	stream.indirect.scatter.add.f32 [tilespmem:s21], [sflag:$0x7], $0x80, s10, s19, $0xb8;
	v63 =	vld [tilespmem:$0x0]  }
0x90: {  	_ =	swait.ge [sflag:s22], $0x1800  }
0x91: {  	[sflag:s22] =	ssyncset.done $0x0  }
0x92: {  	s10 =	sadd.s32 $0x1E0, s9;
	[sflag:s22] =	ssyncadd.s32 $0xFFFFE800  }
0x93: {  	[tilespmem:s20], [sflag:$0x1] =	stream.indirect.gather [hbm4b:s0+s19], $0x80, s10, s19, $0xb8;
	v63 =	vld [tilespmem:$0x0]  }
0x94: {  	_ =	swait.ge [sflag:s29], $0x1800  }
0x95: {  	[sflag:s29] =	ssyncset.done $0x0  }
0x96: {  	s10 =	sadd.s32 $0x28D0, s9;
	[sflag:s29] =	ssyncadd.s32 $0xFFFFE800  }
0x97: {  	[spmem:s2] =	stream.indirect.scatter.add.f32 [tilespmem:s23], [sflag:$0x8], $0x80, s10, s19, $0xb8;
	v63 =	vld [tilespmem:$0x0]  }
0x98: {  	_ =	swait.ge [sflag:s25], $0x1800  }
0x99: {  	[sflag:s25] =	ssyncset.done $0x0  }
0x9a: {  	s10 =	sadd.s32 $0x210, s9;
	[sflag:s25] =	ssyncadd.s32 $0xFFFFE800  }
0x9b: {  	[tilespmem:s21], [sflag:$0x2] =	stream.indirect.gather [hbm4b:s0+s19], $0x80, s10, s19, $0xb8;
	v63 =	vld [tilespmem:$0x0]  }
0x9c: {  	_ =	swait.ge [sflag:s1], $0x1800  }
0x9d: {  	[sflag:s1] =	ssyncset.done $0x0  }
0x9e: {  	s10 =	sadd.s32 $0x2900, s9;
	[sflag:s1] =	ssyncadd.s32 $0xFFFFE800  }
0x9f: {  	[spmem:s2] =	stream.indirect.scatter.add.f32 [tilespmem:s26], [sflag:$0x9], $0x80, s10, s19, $0xb8;
	v63 =	vld [tilespmem:$0x0]  }
0xa0: {  	_ =	swait.ge [sflag:s3], $0x1800  }
0xa1: {  	[sflag:s3] =	ssyncset.done $0x0  }
.Ltmp0:
0xa2: {  	s10 =	sadd.s32 $0x240, s9;
	[sflag:s3] =	ssyncadd.s32 $0xFFFFE800;
	(pc) =	sbr.rel @p1 .LBB2_2-.Ltmp0, $4  }
0xa3: {  	[tilespmem:s23], [sflag:$0x3] =	stream.indirect.gather [hbm4b:s0+s19], $0x80, s10, s19, $0xb8;
	v63 =	vld [tilespmem:$0x0]  }
0xa4: {  	_ =	swait.ge [sflag:s5], $0x1800  }
0xa5: {  	[sflag:s5] =	ssyncset.done $0x0  }
0xa6: {  	s9 =	sadd.s32 $0x2930, s9;
	[sflag:s5] =	ssyncadd.s32 $0xFFFFE800  }
0xa7: {  	[spmem:s2] =	stream.indirect.scatter.add.f32 [tilespmem:s30], [sflag:$0xA], $0x80, s9, s19, $0xb8;
	v63 =	vld [tilespmem:$0x0]  }
0xa8: {  	_ =	swait.ge [sflag:s6], $0x1800  }
0xa9: {  	s4 =	sshra.s32 s4, $0x2;
	[sflag:s6] =	ssyncset.done $0x0  }
0xaa: {  	s10 =	sadd.s32 $0x180, s4;
	[sflag:s6] =	ssyncadd.s32 $0xFFFFE800  }
0xab: {  	[tilespmem:s26], [sflag:$0x4] =	stream.indirect.gather [hbm4b:s0+s19], $0x80, s10, s19, $0xb8;
	v63 =	vld [tilespmem:$0x0]  }
0xac: {  	_ =	swait.ge [sflag:s28], $0x1800  }
0xad: {  	[sflag:s28] =	ssyncset.done $0x0  }
0xae: {  	s10 =	sadd.s32 $0x2870, s4;
	[sflag:s28] =	ssyncadd.s32 $0xFFFFE800  }
0xaf: {  	[spmem:s2] =	stream.indirect.scatter.add.f32 [tilespmem:s20], [sflag:$0x6], $0x80, s10, s19, $0xb8;
	v63 =	vld [tilespmem:$0x0]  }
0xb0: {  	_ =	swait.ge [sflag:s7], $0x1800  }
0xb1: {  	[sflag:s7] =	ssyncset.done $0x0  }
0xb2: {  	s10 =	sadd.s32 $0x1B0, s4;
	[sflag:s7] =	ssyncadd.s32 $0xFFFFE800  }
0xb3: {  	[tilespmem:s30], [sflag:$0x5] =	stream.indirect.gather [hbm4b:s0+s19], $0x80, s10, s19, $0xb8;
	v63 =	vld [tilespmem:$0x0]  }
0xb4: {  	_ =	swait.ge [sflag:s31], $0x1800  }
0xb5: {  	[sflag:s31] =	ssyncset.done $0x0  }
0xb6: {  	s10 =	sadd.s32 $0x28A0, s4;
	[sflag:s31] =	ssyncadd.s32 $0xFFFFE800  }
0xb7: {  	[spmem:s2] =	stream.indirect.scatter.add.f32 [tilespmem:s21], [sflag:$0x7], $0x80, s10, s19, $0xb8;
	v63 =	vld [tilespmem:$0x0]  }
0xb8: {  	_ =	swait.ge [sflag:s22], $0x1800  }
0xb9: {  	[sflag:s22] =	ssyncset.done $0x0  }
0xba: {  	[sflag:s22] =	ssyncadd.s32 $0xFFFFE800  }
0xbb: {  	_ =	swait.ge [sflag:s29], $0x1800  }
0xbc: {  	[sflag:s29] =	ssyncset.done $0x0  }
0xbd: {  	s10 =	sadd.s32 $0x28D0, s4;
	[sflag:s29] =	ssyncadd.s32 $0xFFFFE800  }
0xbe: {  	[spmem:s2] =	stream.indirect.scatter.add.f32 [tilespmem:s23], [sflag:$0x8], $0x80, s10, s19, $0xb8;
	v63 =	vld [tilespmem:$0x0]  }
0xbf: {  	_ =	swait.ge [sflag:s25], $0x1800  }
0xc0: {  	[sflag:s25] =	ssyncset.done $0x0  }
0xc1: {  	[sflag:s25] =	ssyncadd.s32 $0xFFFFE800  }
0xc2: {  	_ =	swait.ge [sflag:s1], $0x1800  }
0xc3: {  	[sflag:s1] =	ssyncset.done $0x0  }
0xc4: {  	s10 =	sadd.s32 $0x2900, s4;
	[sflag:s1] =	ssyncadd.s32 $0xFFFFE800  }
0xc5: {  	[spmem:s2] =	stream.indirect.scatter.add.f32 [tilespmem:s26], [sflag:$0x9], $0x80, s10, s19, $0xb8;
	v63 =	vld [tilespmem:$0x0]  }
0xc6: {  	_ =	swait.ge [sflag:s3], $0x1800  }
0xc7: {  	[sflag:s3] =	ssyncset.done $0x0  }
0xc8: {  	[sflag:s3] =	ssyncadd.s32 $0xFFFFE800  }
0xc9: {  	_ =	swait.ge [sflag:s5], $0x1800  }
0xca: {  	[sflag:s5] =	ssyncset.done $0x0  }
0xcb: {  	s4 =	sadd.s32 $0x2930, s4;
	[sflag:s5] =	ssyncadd.s32 $0xFFFFE800  }
0xcc: {  	[spmem:s2] =	stream.indirect.scatter.add.f32 [tilespmem:s30], [sflag:$0xA], $0x80, s4, s19, $0xb8;
	v63 =	vld [tilespmem:$0x0]  }
0xcd: {  	_ =	swait.ge [sflag:s6], $0x1800  }
0xce: {  	[sflag:s6] =	ssyncset.done $0x0  }
0xcf: {  	[sflag:s6] =	ssyncadd.s32 $0xFFFFE800  }
0xd0: {  	_ =	swait.ge [sflag:s7], $0x1800  }
0xd1: {  	[sflag:s7] =	ssyncset.done $0x0  }
0xd2: {  	[sflag:s7] =	ssyncadd.s32 $0xFFFFE800  }
0xd3: {  	[bflag:$0x0] =	sbarrier.arrive $0xFFFF  }
0xd4: {  	s9 =	rddreg [dreg:$0x4]  }
0xd5: {  	s10 =	rddreg [dreg:$0xa];
	s4 =	sor.u32 $0x1C0C, s9  }
0xd6: {  	[hbm:s10], [sflag:s4] =	dma.local [spmem:s13], $0x2700  }
0xd7: {  	_ =	swait.ge [sflag:s17], $0x2700  }
0xd8: {  	s8 =	sadd.s32 $0x1, s8;
	[sflag:s17] =	ssyncset.done $0x0  }
0xd9: {  	p1 =	sne.s32 s8, s12;
	[sflag:s17] =	ssyncadd.s32 $0xFFFFD900  }
0xda: {  	[hbm:s11], [sflag:s4] =	dma.local @!p0 [spmem:s14], $0x100  }
.Ltmp1:
0xdb: {  	_ = 	snop;
	(pc) =	sbr.rel @p1 .LBB2_1-.Ltmp1, $4  }
0xdc: {  	s4 =	simm.s32 @!p0 $0xC  }
0xdd: {  	_ =	swait.ge @!p0 [sflag:s4], $0x100  }
0xde: {  	[sflag:s4] =	ssyncset.done @!p0 $0x0  }
0xdf: {  	[sflag:s4] =	ssyncadd.s32 @!p0 $0xFFFFFF00  }
0xe0: {  	_ =	sfence.sel $0x180000  }
0xe1: {  	[bflag:$0x0] =	sbarrier.arrive $0xFFFF  }
0xe2: {  	_ =	strace $0x90000047  }
0xe3: {  	[bflag:$0x2] =	sbarrier.arrive $0xFFFF  }
0xe4: {  	s0 =	rddreg [dreg:$0x3]  }
0xe5: {  	s0 =	sadd.s32 @!p0 $0x100000, s0  }
0xe6: {  	[sflag:s0] =	ssyncadd.tile.s32 @!p0 $0x1;
	_ =	shalt  }
.Lfunc_end2:
_tile_overlayer_lowered:
.L_overlay_start_2:
0xe7: {  	(tag) =	ssettag $0x2  }
0xe8: {  	s0 =	rddreg [dreg:$0x0];
	s2 =	stileid.u32  }
0xe9: {  	s1 =	rddreg [dreg:$0x1];
	p0 =	sne.s32 s2, $0x0  }
0xea: {  	s3 =	rddreg [dreg:$0x2];
	[bflag:$0x3] =	sbarrier.arrive $0xFFFF;
	s2 =	simm.s32 @!p0 $0x1C0C  }
0xeb: {  	[timem:s3], [sflag:s2] =	dma.local @!p0 [hbm:s0], s1  }
0xec: {  	s0 =	simm.s32 @!p0 $0xC  }
0xed: {  	_ =	swait.ge @!p0 [sflag:s0], s1  }
0xee: {  	s1 =	ssub.s32 @!p0 $0x0, s1;
	[sflag:s0] =	ssyncset.done @!p0 $0x0  }
0xef: {  	[sflag:s0] =	ssyncadd.s32 @!p0 s1  }
0xf0: {  	[bflag:$0x3] =	sbarrier.arrive $0xFFFF  }
0xf1: {  	_ =	shalt  }

</sc_bundles>
